<compile_context>
chip_gen: v7x
topology: tpu7x:2x2x1
jax: 0.10.2.dev20260603
libtpu: 0.0.44.dev20260713+nightly
codegen_flags: <defaults>
</compile_context>

<pallas_src>
import functools

import jax
import jax.numpy as jnp
from jax import lax
from jax.experimental import pallas as pl
from jax.experimental.pallas import tpu as pltpu
from jax.experimental.pallas import tpu_sc as plsc

_NC = 2
_NS = 16
_NW = _NC * _NS
_IW = 64
_K = 20
_C = _K * _IW


@functools.partial(jax.jit, static_argnames=("n_per_w", "d"))
def _sc_gather(idx, table, n_per_w, d):
    n = idx.shape[0]
    n_chunks = n_per_w // _C
    mesh = plsc.VectorSubcoreMesh(
        core_axis_name="c", subcore_axis_name="s",
        num_cores=_NC, num_subcores=_NS)

    @functools.partial(
        pl.kernel,
        out_type=jax.ShapeDtypeStruct((n // _IW, _IW, d), jnp.float32),
        mesh=mesh,
        scratch_types=[
            pltpu.VMEM((n_per_w,), jnp.int32),
            pltpu.VMEM((_K, _IW, d), jnp.float32),
            pltpu.VMEM((_K, _IW, d), jnp.float32),
            pltpu.SemaphoreType.DMA,
            pltpu.SemaphoreType.DMA,
        ],
        compiler_params=pltpu.CompilerParams(use_tc_tiling_on_sc=False),
    )
    def k(idx_hbm, table_hbm, out_hbm, idx_v, rows_a, rows_b, sem_a, sem_b):
        wid = lax.axis_index("s") * _NC + lax.axis_index("c")
        base = wid * n_per_w
        pltpu.sync_copy(idx_hbm.at[pl.ds(base, _C)], idx_v.at[pl.ds(0, _C)])

        rows = (rows_a, rows_b)
        sems = (sem_a, sem_b)

        def gather(g, b):
            for j in range(_K):
                pltpu.async_copy(
                    table_hbm.at[idx_v.at[pl.ds(g * _C + j * _IW, _IW)]],
                    rows[b].at[j], sems[b])

        def drain(b):
            for j in range(_K):
                pltpu.make_async_copy(
                    table_hbm.at[idx_v.at[pl.ds(j * _IW, _IW)]],
                    rows[b].at[j], sems[b]).wait()

        gather(0, 0)
        pltpu.sync_copy(idx_hbm.at[pl.ds(base + _C, n_per_w - _C)],
                        idx_v.at[pl.ds(_C, n_per_w - _C)])

        def body(t, carry):
            for b in range(2):
                g = 2 * t + b

                @pl.when(g + 1 < n_chunks)
                def _():
                    gather(g + 1, 1 - b)

                drain(b)
                pltpu.sync_copy(
                    rows[b],
                    out_hbm.at[pl.ds(base // _IW + g * _K, _K)])
            return carry

        lax.fori_loop(0, n_chunks // 2, body, 0)

    return k(idx, table)


def kernel(x, table):
    b, h = x.shape
    d = table.shape[1]
    idx = x.reshape(-1).astype(jnp.int32)
    n = idx.shape[0]
    n_per_w = n // _NW
    assert n % _NW == 0 and n_per_w % (2 * _C) == 0
    out = _sc_gather(idx, table, n_per_w, d)
    return out.reshape(b, h, d)

# --- scband reference (transcript-rebuilt; emitter-appended) ---
"""Pipeline reference for scband-embedding-11931419148834 (READ-ONLY COPY).

The authoritative reference and input builder live on the scoring server;
editing this copy changes nothing except your own understanding.
"""

import jax, jax.numpy as jnp
import numpy as np

VOCAB = 1000000
EMBED_DIM = 32
BATCH = 16384
HIST = 50

def setup_inputs(seed: int = 0) -> dict:
    key = jax.random.key(seed)
    k_idx, k_tab = jax.random.split(key)
    x = jax.random.randint(k_idx, (BATCH, HIST), 0, VOCAB, dtype=jnp.int64)
    table = jax.random.normal(k_tab, (VOCAB, EMBED_DIM), dtype=jnp.float32) * 0.02
    return {"x": x, "table": table}

def reference(x, table):
    # nn.Embedding forward: gather rows of the embedding table
    return jnp.take(table, x, axis=0)

if __name__ == "__main__":
    import jax
    _d = setup_inputs()
    print(jax.jit(kernel)(*tuple(_d.values())))

</pallas_src>

<mosaic_0001>
#map = affine_map<(d0, d1) -> (0)>
#map1 = affine_map<(d0, d1) -> (0, 0)>
#map2 = affine_map<(d0, d1) -> (0, 0, 0)>
module attributes {stable_mosaic.version = 14 : i64} {
  func.func @k(%arg0: i32, %arg1: i32, %arg2: memref<819200xi32, #tpu.memory_space<hbm>>, %arg3: memref<1000000x32xf32, #tpu.memory_space<hbm>>, %arg4: memref<12800x64x32xf32, #tpu.memory_space<hbm>>, %arg5: memref<25600xi32, #tpu.memory_space<vmem>>, %arg6: memref<20x64x32xf32, #tpu.memory_space<vmem>>, %arg7: memref<20x64x32xf32, #tpu.memory_space<vmem>>, %arg8: memref<!tpu.dma_semaphore, #tpu.memory_space<semaphore_mem>>, %arg9: memref<!tpu.dma_semaphore, #tpu.memory_space<semaphore_mem>>) attributes {dimension_semantics = [#tpu.dimension_semantics<core_parallel>, #tpu.dimension_semantics<subcore_parallel>], iteration_bounds = array<i64: 2, 16>, scalar_prefetch = 0 : i64, scratch_operands = 5 : i64, tpu.core_type = #tpu.core_type<sc_vector_subcore>, window_params = [{transform_indices = #map}, {transform_indices = #map1}, {transform_indices = #map2}]} {
    %mul3A = arith.constant 2 : i32
    %mul3A_0 = arith.muli %arg1, %mul3A : i32
    %add3A = arith.addi %mul3A_0, %arg0 : i32
    %mul3A_1 = arith.constant 25600 : i32
    %mul3A_2 = arith.muli %add3A, %mul3A_1 : i32
    "tpu.region"() ({
      %run_scoped3A = tpu.sem_alloc : memref<!tpu.dma_semaphore, #tpu.memory_space<semaphore_mem>>
      %dma_start3A_209 = arith.constant 0 : i32
      %dma_start3A_210 = tpu.memref_slice %arg5[%dma_start3A_209] : memref<25600xi32, #tpu.memory_space<vmem>> -> memref<1280xi32, #tpu.memory_space<vmem>>
      %dma_start3A_211 = tpu.memref_slice %arg2[%mul3A_2] : memref<819200xi32, #tpu.memory_space<hbm>> -> memref<1280xi32, #tpu.memory_space<hbm>>
      %dma_start3A_212 = arith.constant 0 : i32
      %dma_start3A_213 = tpu.memref_slice %arg5[%dma_start3A_212] : memref<25600xi32, #tpu.memory_space<vmem>> -> memref<1280xi32, #tpu.memory_space<vmem>>
      %dma_start3A_214 = tpu.memref_slice %arg2[%mul3A_2] : memref<819200xi32, #tpu.memory_space<hbm>> -> memref<1280xi32, #tpu.memory_space<hbm>>
      tpu.enqueue_dma source(%dma_start3A_214 : memref<1280xi32, #tpu.memory_space<hbm>>) target(%dma_start3A_213 : memref<1280xi32, #tpu.memory_space<vmem>>) target_semaphore(%run_scoped3A : memref<!tpu.dma_semaphore, #tpu.memory_space<semaphore_mem>>)
      %dma_wait3A = arith.constant 0 : i32
      %dma_wait3A_215 = tpu.memref_slice %arg5[%dma_wait3A] : memref<25600xi32, #tpu.memory_space<vmem>> -> memref<1280xi32, #tpu.memory_space<vmem>>
      %dma_wait3A_216 = tpu.memref_slice %arg2[%mul3A_2] : memref<819200xi32, #tpu.memory_space<hbm>> -> memref<1280xi32, #tpu.memory_space<hbm>>
      %dma_wait3A_217 = arith.constant 0 : i32
      %dma_wait3A_218 = tpu.memref_slice %arg5[%dma_wait3A_217] : memref<25600xi32, #tpu.memory_space<vmem>> -> memref<1280xi32, #tpu.memory_space<vmem>>
      %dma_wait3A_219 = tpu.memref_slice %arg2[%mul3A_2] : memref<819200xi32, #tpu.memory_space<hbm>> -> memref<1280xi32, #tpu.memory_space<hbm>>
      tpu.wait_dma2 semaphore(%run_scoped3A : memref<!tpu.dma_semaphore, #tpu.memory_space<semaphore_mem>>) src(%dma_wait3A_219 : memref<1280xi32, #tpu.memory_space<hbm>>) dst(%dma_wait3A_218 : memref<1280xi32, #tpu.memory_space<vmem>>)
      tpu.yield
    }) : () -> ()
    %dma_start3A = arith.constant 0 : i32
    %dma_start3A_3 = arith.constant 0 : i32
    %dma_start3A_4 = arith.constant 0 : i32
    %dma_start3A_5 = tpu.memref_slice %arg6[%dma_start3A, %dma_start3A_3, %dma_start3A_4] : memref<20x64x32xf32, #tpu.memory_space<vmem>> -> memref<1x64x32xf32, #tpu.memory_space<vmem>>
    %dma_start3A_6 = tpu.memref_squeeze %dma_start3A_5 : memref<1x64x32xf32, #tpu.memory_space<vmem>> -> memref<64x32xf32, #tpu.memory_space<vmem>>
    %dma_start3A_7 = arith.constant 0 : i32
    %dma_start3A_8 = tpu.memref_slice %arg5[%dma_start3A_7] : memref<25600xi32, #tpu.memory_space<vmem>> -> memref<64xi32, #tpu.memory_space<vmem>>
    %dma_start3A_9 = arith.constant 0 : i32
    %dma_start3A_10 = arith.constant 0 : i32
    %dma_start3A_11 = tpu.memref_slice %arg3[%dma_start3A_9, %dma_start3A_10] : memref<1000000x32xf32, #tpu.memory_space<hbm>> -> memref<1000000x32xf32, #tpu.memory_space<hbm>>
    tpu.enqueue_indirect_dma source(%dma_start3A_11 : memref<1000000x32xf32, #tpu.memory_space<hbm>>) target(%dma_start3A_6 : memref<64x32xf32, #tpu.memory_space<vmem>>) offsets(%dma_start3A_8 : memref<64xi32, #tpu.memory_space<vmem>>) semaphore(%arg8 : memref<!tpu.dma_semaphore, #tpu.memory_space<semaphore_mem>>)
    %dma_start3A_12 = arith.constant 1 : i32
    %dma_start3A_13 = arith.constant 0 : i32
    %dma_start3A_14 = arith.constant 0 : i32
    %dma_start3A_15 = tpu.memref_slice %arg6[%dma_start3A_12, %dma_start3A_13, %dma_start3A_14] : memref<20x64x32xf32, #tpu.memory_space<vmem>> -> memref<1x64x32xf32, #tpu.memory_space<vmem>>
    %dma_start3A_16 = tpu.memref_squeeze %dma_start3A_15 : memref<1x64x32xf32, #tpu.memory_space<vmem>> -> memref<64x32xf32, #tpu.memory_space<vmem>>
    %dma_start3A_17 = arith.constant 64 : i32
    %dma_start3A_18 = tpu.memref_slice %arg5[%dma_start3A_17] : memref<25600xi32, #tpu.memory_space<vmem>> -> memref<64xi32, #tpu.memory_space<vmem>>
    %dma_start3A_19 = arith.constant 0 : i32
    %dma_start3A_20 = arith.constant 0 : i32
    %dma_start3A_21 = tpu.memref_slice %arg3[%dma_start3A_19, %dma_start3A_20] : memref<1000000x32xf32, #tpu.memory_space<hbm>> -> memref<1000000x32xf32, #tpu.memory_space<hbm>>
    tpu.enqueue_indirect_dma source(%dma_start3A_21 : memref<1000000x32xf32, #tpu.memory_space<hbm>>) target(%dma_start3A_16 : memref<64x32xf32, #tpu.memory_space<vmem>>) offsets(%dma_start3A_18 : memref<64xi32, #tpu.memory_space<vmem>>) semaphore(%arg8 : memref<!tpu.dma_semaphore, #tpu.memory_space<semaphore_mem>>)
    %dma_start3A_22 = arith.constant 2 : i32
    %dma_start3A_23 = arith.constant 0 : i32
    %dma_start3A_24 = arith.constant 0 : i32
    %dma_start3A_25 = tpu.memref_slice %arg6[%dma_start3A_22, %dma_start3A_23, %dma_start3A_24] : memref<20x64x32xf32, #tpu.memory_space<vmem>> -> memref<1x64x32xf32, #tpu.memory_space<vmem>>
    %dma_start3A_26 = tpu.memref_squeeze %dma_start3A_25 : memref<1x64x32xf32, #tpu.memory_space<vmem>> -> memref<64x32xf32, #tpu.memory_space<vmem>>
    %dma_start3A_27 = arith.constant 128 : i32
    %dma_start3A_28 = tpu.memref_slice %arg5[%dma_start3A_27] : memref<25600xi32, #tpu.memory_space<vmem>> -> memref<64xi32, #tpu.memory_space<vmem>>
    %dma_start3A_29 = arith.constant 0 : i32
    %dma_start3A_30 = arith.constant 0 : i32
    %dma_start3A_31 = tpu.memref_slice %arg3[%dma_start3A_29, %dma_start3A_30] : memref<1000000x32xf32, #tpu.memory_space<hbm>> -> memref<1000000x32xf32, #tpu.memory_space<hbm>>
    tpu.enqueue_indirect_dma source(%dma_start3A_31 : memref<1000000x32xf32, #tpu.memory_space<hbm>>) target(%dma_start3A_26 : memref<64x32xf32, #tpu.memory_space<vmem>>) offsets(%dma_start3A_28 : memref<64xi32, #tpu.memory_space<vmem>>) semaphore(%arg8 : memref<!tpu.dma_semaphore, #tpu.memory_space<semaphore_mem>>)
    %dma_start3A_32 = arith.constant 3 : i32
    %dma_start3A_33 = arith.constant 0 : i32
    %dma_start3A_34 = arith.constant 0 : i32
    %dma_start3A_35 = tpu.memref_slice %arg6[%dma_start3A_32, %dma_start3A_33, %dma_start3A_34] : memref<20x64x32xf32, #tpu.memory_space<vmem>> -> memref<1x64x32xf32, #tpu.memory_space<vmem>>
    %dma_start3A_36 = tpu.memref_squeeze %dma_start3A_35 : memref<1x64x32xf32, #tpu.memory_space<vmem>> -> memref<64x32xf32, #tpu.memory_space<vmem>>
    %dma_start3A_37 = arith.constant 192 : i32
    %dma_start3A_38 = tpu.memref_slice %arg5[%dma_start3A_37] : memref<25600xi32, #tpu.memory_space<vmem>> -> memref<64xi32, #tpu.memory_space<vmem>>
    %dma_start3A_39 = arith.constant 0 : i32
    %dma_start3A_40 = arith.constant 0 : i32
    %dma_start3A_41 = tpu.memref_slice %arg3[%dma_start3A_39, %dma_start3A_40] : memref<1000000x32xf32, #tpu.memory_space<hbm>> -> memref<1000000x32xf32, #tpu.memory_space<hbm>>
    tpu.enqueue_indirect_dma source(%dma_start3A_41 : memref<1000000x32xf32, #tpu.memory_space<hbm>>) target(%dma_start3A_36 : memref<64x32xf32, #tpu.memory_space<vmem>>) offsets(%dma_start3A_38 : memref<64xi32, #tpu.memory_space<vmem>>) semaphore(%arg8 : memref<!tpu.dma_semaphore, #tpu.memory_space<semaphore_mem>>)
    %dma_start3A_42 = arith.constant 4 : i32
    %dma_start3A_43 = arith.constant 0 : i32
    %dma_start3A_44 = arith.constant 0 : i32
    %dma_start3A_45 = tpu.memref_slice %arg6[%dma_start3A_42, %dma_start3A_43, %dma_start3A_44] : memref<20x64x32xf32, #tpu.memory_space<vmem>> -> memref<1x64x32xf32, #tpu.memory_space<vmem>>
    %dma_start3A_46 = tpu.memref_squeeze %dma_start3A_45 : memref<1x64x32xf32, #tpu.memory_space<vmem>> -> memref<64x32xf32, #tpu.memory_space<vmem>>
    %dma_start3A_47 = arith.constant 256 : i32
    %dma_start3A_48 = tpu.memref_slice %arg5[%dma_start3A_47] : memref<25600xi32, #tpu.memory_space<vmem>> -> memref<64xi32, #tpu.memory_space<vmem>>
    %dma_start3A_49 = arith.constant 0 : i32
    %dma_start3A_50 = arith.constant 0 : i32
    %dma_start3A_51 = tpu.memref_slice %arg3[%dma_start3A_49, %dma_start3A_50] : memref<1000000x32xf32, #tpu.memory_space<hbm>> -> memref<1000000x32xf32, #tpu.memory_space<hbm>>
    tpu.enqueue_indirect_dma source(%dma_start3A_51 : memref<1000000x32xf32, #tpu.memory_space<hbm>>) target(%dma_start3A_46 : memref<64x32xf32, #tpu.memory_space<vmem>>) offsets(%dma_start3A_48 : memref<64xi32, #tpu.memory_space<vmem>>) semaphore(%arg8 : memref<!tpu.dma_semaphore, #tpu.memory_space<semaphore_mem>>)
    %dma_start3A_52 = arith.constant 5 : i32
    %dma_start3A_53 = arith.constant 0 : i32
    %dma_start3A_54 = arith.constant 0 : i32
    %dma_start3A_55 = tpu.memref_slice %arg6[%dma_start3A_52, %dma_start3A_53, %dma_start3A_54] : memref<20x64x32xf32, #tpu.memory_space<vmem>> -> memref<1x64x32xf32, #tpu.memory_space<vmem>>
    %dma_start3A_56 = tpu.memref_squeeze %dma_start3A_55 : memref<1x64x32xf32, #tpu.memory_space<vmem>> -> memref<64x32xf32, #tpu.memory_space<vmem>>
    %dma_start3A_57 = arith.constant 320 : i32
    %dma_start3A_58 = tpu.memref_slice %arg5[%dma_start3A_57] : memref<25600xi32, #tpu.memory_space<vmem>> -> memref<64xi32, #tpu.memory_space<vmem>>
    %dma_start3A_59 = arith.constant 0 : i32
    %dma_start3A_60 = arith.constant 0 : i32
    %dma_start3A_61 = tpu.memref_slice %arg3[%dma_start3A_59, %dma_start3A_60] : memref<1000000x32xf32, #tpu.memory_space<hbm>> -> memref<1000000x32xf32, #tpu.memory_space<hbm>>
    tpu.enqueue_indirect_dma source(%dma_start3A_61 : memref<1000000x32xf32, #tpu.memory_space<hbm>>) target(%dma_start3A_56 : memref<64x32xf32, #tpu.memory_space<vmem>>) offsets(%dma_start3A_58 : memref<64xi32, #tpu.memory_space<vmem>>) semaphore(%arg8 : memref<!tpu.dma_semaphore, #tpu.memory_space<semaphore_mem>>)
    %dma_start3A_62 = arith.constant 6 : i32
    %dma_start3A_63 = arith.constant 0 : i32
    %dma_start3A_64 = arith.constant 0 : i32
    %dma_start3A_65 = tpu.memref_slice %arg6[%dma_start3A_62, %dma_start3A_63, %dma_start3A_64] : memref<20x64x32xf32, #tpu.memory_space<vmem>> -> memref<1x64x32xf32, #tpu.memory_space<vmem>>
    %dma_start3A_66 = tpu.memref_squeeze %dma_start3A_65 : memref<1x64x32xf32, #tpu.memory_space<vmem>> -> memref<64x32xf32, #tpu.memory_space<vmem>>
    %dma_start3A_67 = arith.constant 384 : i32
    %dma_start3A_68 = tpu.memref_slice %arg5[%dma_start3A_67] : memref<25600xi32, #tpu.memory_space<vmem>> -> memref<64xi32, #tpu.memory_space<vmem>>
    %dma_start3A_69 = arith.constant 0 : i32
    %dma_start3A_70 = arith.constant 0 : i32
    %dma_start3A_71 = tpu.memref_slice %arg3[%dma_start3A_69, %dma_start3A_70] : memref<1000000x32xf32, #tpu.memory_space<hbm>> -> memref<1000000x32xf32, #tpu.memory_space<hbm>>
    tpu.enqueue_indirect_dma source(%dma_start3A_71 : memref<1000000x32xf32, #tpu.memory_space<hbm>>) target(%dma_start3A_66 : memref<64x32xf32, #tpu.memory_space<vmem>>) offsets(%dma_start3A_68 : memref<64xi32, #tpu.memory_space<vmem>>) semaphore(%arg8 : memref<!tpu.dma_semaphore, #tpu.memory_space<semaphore_mem>>)
    %dma_start3A_72 = arith.constant 7 : i32
    %dma_start3A_73 = arith.constant 0 : i32
    %dma_start3A_74 = arith.constant 0 : i32
    %dma_start3A_75 = tpu.memref_slice %arg6[%dma_start3A_72, %dma_start3A_73, %dma_start3A_74] : memref<20x64x32xf32, #tpu.memory_space<vmem>> -> memref<1x64x32xf32, #tpu.memory_space<vmem>>
    %dma_start3A_76 = tpu.memref_squeeze %dma_start3A_75 : memref<1x64x32xf32, #tpu.memory_space<vmem>> -> memref<64x32xf32, #tpu.memory_space<vmem>>
    %dma_start3A_77 = arith.constant 448 : i32
    %dma_start3A_78 = tpu.memref_slice %arg5[%dma_start3A_77] : memref<25600xi32, #tpu.memory_space<vmem>> -> memref<64xi32, #tpu.memory_space<vmem>>
    %dma_start3A_79 = arith.constant 0 : i32
    %dma_start3A_80 = arith.constant 0 : i32
    %dma_start3A_81 = tpu.memref_slice %arg3[%dma_start3A_79, %dma_start3A_80] : memref<1000000x32xf32, #tpu.memory_space<hbm>> -> memref<1000000x32xf32, #tpu.memory_space<hbm>>
    tpu.enqueue_indirect_dma source(%dma_start3A_81 : memref<1000000x32xf32, #tpu.memory_space<hbm>>) target(%dma_start3A_76 : memref<64x32xf32, #tpu.memory_space<vmem>>) offsets(%dma_start3A_78 : memref<64xi32, #tpu.memory_space<vmem>>) semaphore(%arg8 : memref<!tpu.dma_semaphore, #tpu.memory_space<semaphore_mem>>)
    %dma_start3A_82 = arith.constant 8 : i32
    %dma_start3A_83 = arith.constant 0 : i32
    %dma_start3A_84 = arith.constant 0 : i32
    %dma_start3A_85 = tpu.memref_slice %arg6[%dma_start3A_82, %dma_start3A_83, %dma_start3A_84] : memref<20x64x32xf32, #tpu.memory_space<vmem>> -> memref<1x64x32xf32, #tpu.memory_space<vmem>>
    %dma_start3A_86 = tpu.memref_squeeze %dma_start3A_85 : memref<1x64x32xf32, #tpu.memory_space<vmem>> -> memref<64x32xf32, #tpu.memory_space<vmem>>
    %dma_start3A_87 = arith.constant 512 : i32
    %dma_start3A_88 = tpu.memref_slice %arg5[%dma_start3A_87] : memref<25600xi32, #tpu.memory_space<vmem>> -> memref<64xi32, #tpu.memory_space<vmem>>
    %dma_start3A_89 = arith.constant 0 : i32
    %dma_start3A_90 = arith.constant 0 : i32
    %dma_start3A_91 = tpu.memref_slice %arg3[%dma_start3A_89, %dma_start3A_90] : memref<1000000x32xf32, #tpu.memory_space<hbm>> -> memref<1000000x32xf32, #tpu.memory_space<hbm>>
    tpu.enqueue_indirect_dma source(%dma_start3A_91 : memref<1000000x32xf32, #tpu.memory_space<hbm>>) target(%dma_start3A_86 : memref<64x32xf32, #tpu.memory_space<vmem>>) offsets(%dma_start3A_88 : memref<64xi32, #tpu.memory_space<vmem>>) semaphore(%arg8 : memref<!tpu.dma_semaphore, #tpu.memory_space<semaphore_mem>>)
    %dma_start3A_92 = arith.constant 9 : i32
    %dma_start3A_93 = arith.constant 0 : i32
    %dma_start3A_94 = arith.constant 0 : i32
    %dma_start3A_95 = tpu.memref_slice %arg6[%dma_start3A_92, %dma_start3A_93, %dma_start3A_94] : memref<20x64x32xf32, #tpu.memory_space<vmem>> -> memref<1x64x32xf32, #tpu.memory_space<vmem>>
    %dma_start3A_96 = tpu.memref_squeeze %dma_start3A_95 : memref<1x64x32xf32, #tpu.memory_space<vmem>> -> memref<64x32xf32, #tpu.memory_space<vmem>>
    %dma_start3A_97 = arith.constant 576 : i32
    %dma_start3A_98 = tpu.memref_slice %arg5[%dma_start3A_97] : memref<25600xi32, #tpu.memory_space<vmem>> -> memref<64xi32, #tpu.memory_space<vmem>>
    %dma_start3A_99 = arith.constant 0 : i32
    %dma_start3A_100 = arith.constant 0 : i32
    %dma_start3A_101 = tpu.memref_slice %arg3[%dma_start3A_99, %dma_start3A_100] : memref<1000000x32xf32, #tpu.memory_space<hbm>> -> memref<1000000x32xf32, #tpu.memory_space<hbm>>
    tpu.enqueue_indirect_dma source(%dma_start3A_101 : memref<1000000x32xf32, #tpu.memory_space<hbm>>) target(%dma_start3A_96 : memref<64x32xf32, #tpu.memory_space<vmem>>) offsets(%dma_start3A_98 : memref<64xi32, #tpu.memory_space<vmem>>) semaphore(%arg8 : memref<!tpu.dma_semaphore, #tpu.memory_space<semaphore_mem>>)
    %dma_start3A_102 = arith.constant 10 : i32
    %dma_start3A_103 = arith.constant 0 : i32
    %dma_start3A_104 = arith.constant 0 : i32
    %dma_start3A_105 = tpu.memref_slice %arg6[%dma_start3A_102, %dma_start3A_103, %dma_start3A_104] : memref<20x64x32xf32, #tpu.memory_space<vmem>> -> memref<1x64x32xf32, #tpu.memory_space<vmem>>
    %dma_start3A_106 = tpu.memref_squeeze %dma_start3A_105 : memref<1x64x32xf32, #tpu.memory_space<vmem>> -> memref<64x32xf32, #tpu.memory_space<vmem>>
    %dma_start3A_107 = arith.constant 640 : i32
    %dma_start3A_108 = tpu.memref_slice %arg5[%dma_start3A_107] : memref<25600xi32, #tpu.memory_space<vmem>> -> memref<64xi32, #tpu.memory_space<vmem>>
    %dma_start3A_109 = arith.constant 0 : i32
    %dma_start3A_110 = arith.constant 0 : i32
    %dma_start3A_111 = tpu.memref_slice %arg3[%dma_start3A_109, %dma_start3A_110] : memref<1000000x32xf32, #tpu.memory_space<hbm>> -> memref<1000000x32xf32, #tpu.memory_space<hbm>>
    tpu.enqueue_indirect_dma source(%dma_start3A_111 : memref<1000000x32xf32, #tpu.memory_space<hbm>>) target(%dma_start3A_106 : memref<64x32xf32, #tpu.memory_space<vmem>>) offsets(%dma_start3A_108 : memref<64xi32, #tpu.memory_space<vmem>>) semaphore(%arg8 : memref<!tpu.dma_semaphore, #tpu.memory_space<semaphore_mem>>)
    %dma_start3A_112 = arith.constant 11 : i32
    %dma_start3A_113 = arith.constant 0 : i32
    %dma_start3A_114 = arith.constant 0 : i32
    %dma_start3A_115 = tpu.memref_slice %arg6[%dma_start3A_112, %dma_start3A_113, %dma_start3A_114] : memref<20x64x32xf32, #tpu.memory_space<vmem>> -> memref<1x64x32xf32, #tpu.memory_space<vmem>>
    %dma_start3A_116 = tpu.memref_squeeze %dma_start3A_115 : memref<1x64x32xf32, #tpu.memory_space<vmem>> -> memref<64x32xf32, #tpu.memory_space<vmem>>
    %dma_start3A_117 = arith.constant 704 : i32
    %dma_start3A_118 = tpu.memref_slice %arg5[%dma_start3A_117] : memref<25600xi32, #tpu.memory_space<vmem>> -> memref<64xi32, #tpu.memory_space<vmem>>
    %dma_start3A_119 = arith.constant 0 : i32
    %dma_start3A_120 = arith.constant 0 : i32
    %dma_start3A_121 = tpu.memref_slice %arg3[%dma_start3A_119, %dma_start3A_120] : memref<1000000x32xf32, #tpu.memory_space<hbm>> -> memref<1000000x32xf32, #tpu.memory_space<hbm>>
    tpu.enqueue_indirect_dma source(%dma_start3A_121 : memref<1000000x32xf32, #tpu.memory_space<hbm>>) target(%dma_start3A_116 : memref<64x32xf32, #tpu.memory_space<vmem>>) offsets(%dma_start3A_118 : memref<64xi32, #tpu.memory_space<vmem>>) semaphore(%arg8 : memref<!tpu.dma_semaphore, #tpu.memory_space<semaphore_mem>>)
    %dma_start3A_122 = arith.constant 12 : i32
    %dma_start3A_123 = arith.constant 0 : i32
    %dma_start3A_124 = arith.constant 0 : i32
    %dma_start3A_125 = tpu.memref_slice %arg6[%dma_start3A_122, %dma_start3A_123, %dma_start3A_124] : memref<20x64x32xf32, #tpu.memory_space<vmem>> -> memref<1x64x32xf32, #tpu.memory_space<vmem>>
    %dma_start3A_126 = tpu.memref_squeeze %dma_start3A_125 : memref<1x64x32xf32, #tpu.memory_space<vmem>> -> memref<64x32xf32, #tpu.memory_space<vmem>>
    %dma_start3A_127 = arith.constant 768 : i32
    %dma_start3A_128 = tpu.memref_slice %arg5[%dma_start3A_127] : memref<25600xi32, #tpu.memory_space<vmem>> -> memref<64xi32, #tpu.memory_space<vmem>>
    %dma_start3A_129 = arith.constant 0 : i32
    %dma_start3A_130 = arith.constant 0 : i32
    %dma_start3A_131 = tpu.memref_slice %arg3[%dma_start3A_129, %dma_start3A_130] : memref<1000000x32xf32, #tpu.memory_space<hbm>> -> memref<1000000x32xf32, #tpu.memory_space<hbm>>
    tpu.enqueue_indirect_dma source(%dma_start3A_131 : memref<1000000x32xf32, #tpu.memory_space<hbm>>) target(%dma_start3A_126 : memref<64x32xf32, #tpu.memory_space<vmem>>) offsets(%dma_start3A_128 : memref<64xi32, #tpu.memory_space<vmem>>) semaphore(%arg8 : memref<!tpu.dma_semaphore, #tpu.memory_space<semaphore_mem>>)
    %dma_start3A_132 = arith.constant 13 : i32
    %dma_start3A_133 = arith.constant 0 : i32
    %dma_start3A_134 = arith.constant 0 : i32
    %dma_start3A_135 = tpu.memref_slice %arg6[%dma_start3A_132, %dma_start3A_133, %dma_start3A_134] : memref<20x64x32xf32, #tpu.memory_space<vmem>> -> memref<1x64x32xf32, #tpu.memory_space<vmem>>
    %dma_start3A_136 = tpu.memref_squeeze %dma_start3A_135 : memref<1x64x32xf32, #tpu.memory_space<vmem>> -> memref<64x32xf32, #tpu.memory_space<vmem>>
    %dma_start3A_137 = arith.constant 832 : i32
    %dma_start3A_138 = tpu.memref_slice %arg5[%dma_start3A_137] : memref<25600xi32, #tpu.memory_space<vmem>> -> memref<64xi32, #tpu.memory_space<vmem>>
    %dma_start3A_139 = arith.constant 0 : i32
    %dma_start3A_140 = arith.constant 0 : i32
    %dma_start3A_141 = tpu.memref_slice %arg3[%dma_start3A_139, %dma_start3A_140] : memref<1000000x32xf32, #tpu.memory_space<hbm>> -> memref<1000000x32xf32, #tpu.memory_space<hbm>>
    tpu.enqueue_indirect_dma source(%dma_start3A_141 : memref<1000000x32xf32, #tpu.memory_space<hbm>>) target(%dma_start3A_136 : memref<64x32xf32, #tpu.memory_space<vmem>>) offsets(%dma_start3A_138 : memref<64xi32, #tpu.memory_space<vmem>>) semaphore(%arg8 : memref<!tpu.dma_semaphore, #tpu.memory_space<semaphore_mem>>)
    %dma_start3A_142 = arith.constant 14 : i32
    %dma_start3A_143 = arith.constant 0 : i32
    %dma_start3A_144 = arith.constant 0 : i32
    %dma_start3A_145 = tpu.memref_slice %arg6[%dma_start3A_142, %dma_start3A_143, %dma_start3A_144] : memref<20x64x32xf32, #tpu.memory_space<vmem>> -> memref<1x64x32xf32, #tpu.memory_space<vmem>>
    %dma_start3A_146 = tpu.memref_squeeze %dma_start3A_145 : memref<1x64x32xf32, #tpu.memory_space<vmem>> -> memref<64x32xf32, #tpu.memory_space<vmem>>
    %dma_start3A_147 = arith.constant 896 : i32
    %dma_start3A_148 = tpu.memref_slice %arg5[%dma_start3A_147] : memref<25600xi32, #tpu.memory_space<vmem>> -> memref<64xi32, #tpu.memory_space<vmem>>
    %dma_start3A_149 = arith.constant 0 : i32
    %dma_start3A_150 = arith.constant 0 : i32
    %dma_start3A_151 = tpu.memref_slice %arg3[%dma_start3A_149, %dma_start3A_150] : memref<1000000x32xf32, #tpu.memory_space<hbm>> -> memref<1000000x32xf32, #tpu.memory_space<hbm>>
    tpu.enqueue_indirect_dma source(%dma_start3A_151 : memref<1000000x32xf32, #tpu.memory_space<hbm>>) target(%dma_start3A_146 : memref<64x32xf32, #tpu.memory_space<vmem>>) offsets(%dma_start3A_148 : memref<64xi32, #tpu.memory_space<vmem>>) semaphore(%arg8 : memref<!tpu.dma_semaphore, #tpu.memory_space<semaphore_mem>>)
    %dma_start3A_152 = arith.constant 15 : i32
    %dma_start3A_153 = arith.constant 0 : i32
    %dma_start3A_154 = arith.constant 0 : i32
    %dma_start3A_155 = tpu.memref_slice %arg6[%dma_start3A_152, %dma_start3A_153, %dma_start3A_154] : memref<20x64x32xf32, #tpu.memory_space<vmem>> -> memref<1x64x32xf32, #tpu.memory_space<vmem>>
    %dma_start3A_156 = tpu.memref_squeeze %dma_start3A_155 : memref<1x64x32xf32, #tpu.memory_space<vmem>> -> memref<64x32xf32, #tpu.memory_space<vmem>>
    %dma_start3A_157 = arith.constant 960 : i32
    %dma_start3A_158 = tpu.memref_slice %arg5[%dma_start3A_157] : memref<25600xi32, #tpu.memory_space<vmem>> -> memref<64xi32, #tpu.memory_space<vmem>>
    %dma_start3A_159 = arith.constant 0 : i32
    %dma_start3A_160 = arith.constant 0 : i32
    %dma_start3A_161 = tpu.memref_slice %arg3[%dma_start3A_159, %dma_start3A_160] : memref<1000000x32xf32, #tpu.memory_space<hbm>> -> memref<1000000x32xf32, #tpu.memory_space<hbm>>
    tpu.enqueue_indirect_dma source(%dma_start3A_161 : memref<1000000x32xf32, #tpu.memory_space<hbm>>) target(%dma_start3A_156 : memref<64x32xf32, #tpu.memory_space<vmem>>) offsets(%dma_start3A_158 : memref<64xi32, #tpu.memory_space<vmem>>) semaphore(%arg8 : memref<!tpu.dma_semaphore, #tpu.memory_space<semaphore_mem>>)
    %dma_start3A_162 = arith.constant 16 : i32
    %dma_start3A_163 = arith.constant 0 : i32
    %dma_start3A_164 = arith.constant 0 : i32
    %dma_start3A_165 = tpu.memref_slice %arg6[%dma_start3A_162, %dma_start3A_163, %dma_start3A_164] : memref<20x64x32xf32, #tpu.memory_space<vmem>> -> memref<1x64x32xf32, #tpu.memory_space<vmem>>
    %dma_start3A_166 = tpu.memref_squeeze %dma_start3A_165 : memref<1x64x32xf32, #tpu.memory_space<vmem>> -> memref<64x32xf32, #tpu.memory_space<vmem>>
    %dma_start3A_167 = arith.constant 1024 : i32
    %dma_start3A_168 = tpu.memref_slice %arg5[%dma_start3A_167] : memref<25600xi32, #tpu.memory_space<vmem>> -> memref<64xi32, #tpu.memory_space<vmem>>
    %dma_start3A_169 = arith.constant 0 : i32
    %dma_start3A_170 = arith.constant 0 : i32
    %dma_start3A_171 = tpu.memref_slice %arg3[%dma_start3A_169, %dma_start3A_170] : memref<1000000x32xf32, #tpu.memory_space<hbm>> -> memref<1000000x32xf32, #tpu.memory_space<hbm>>
    tpu.enqueue_indirect_dma source(%dma_start3A_171 : memref<1000000x32xf32, #tpu.memory_space<hbm>>) target(%dma_start3A_166 : memref<64x32xf32, #tpu.memory_space<vmem>>) offsets(%dma_start3A_168 : memref<64xi32, #tpu.memory_space<vmem>>) semaphore(%arg8 : memref<!tpu.dma_semaphore, #tpu.memory_space<semaphore_mem>>)
    %dma_start3A_172 = arith.constant 17 : i32
    %dma_start3A_173 = arith.constant 0 : i32
    %dma_start3A_174 = arith.constant 0 : i32
    %dma_start3A_175 = tpu.memref_slice %arg6[%dma_start3A_172, %dma_start3A_173, %dma_start3A_174] : memref<20x64x32xf32, #tpu.memory_space<vmem>> -> memref<1x64x32xf32, #tpu.memory_space<vmem>>
    %dma_start3A_176 = tpu.memref_squeeze %dma_start3A_175 : memref<1x64x32xf32, #tpu.memory_space<vmem>> -> memref<64x32xf32, #tpu.memory_space<vmem>>
    %dma_start3A_177 = arith.constant 1088 : i32
    %dma_start3A_178 = tpu.memref_slice %arg5[%dma_start3A_177] : memref<25600xi32, #tpu.memory_space<vmem>> -> memref<64xi32, #tpu.memory_space<vmem>>
    %dma_start3A_179 = arith.constant 0 : i32
    %dma_start3A_180 = arith.constant 0 : i32
    %dma_start3A_181 = tpu.memref_slice %arg3[%dma_start3A_179, %dma_start3A_180] : memref<1000000x32xf32, #tpu.memory_space<hbm>> -> memref<1000000x32xf32, #tpu.memory_space<hbm>>
    tpu.enqueue_indirect_dma source(%dma_start3A_181 : memref<1000000x32xf32, #tpu.memory_space<hbm>>) target(%dma_start3A_176 : memref<64x32xf32, #tpu.memory_space<vmem>>) offsets(%dma_start3A_178 : memref<64xi32, #tpu.memory_space<vmem>>) semaphore(%arg8 : memref<!tpu.dma_semaphore, #tpu.memory_space<semaphore_mem>>)
    %dma_start3A_182 = arith.constant 18 : i32
    %dma_start3A_183 = arith.constant 0 : i32
    %dma_start3A_184 = arith.constant 0 : i32
    %dma_start3A_185 = tpu.memref_slice %arg6[%dma_start3A_182, %dma_start3A_183, %dma_start3A_184] : memref<20x64x32xf32, #tpu.memory_space<vmem>> -> memref<1x64x32xf32, #tpu.memory_space<vmem>>
    %dma_start3A_186 = tpu.memref_squeeze %dma_start3A_185 : memref<1x64x32xf32, #tpu.memory_space<vmem>> -> memref<64x32xf32, #tpu.memory_space<vmem>>
    %dma_start3A_187 = arith.constant 1152 : i32
    %dma_start3A_188 = tpu.memref_slice %arg5[%dma_start3A_187] : memref<25600xi32, #tpu.memory_space<vmem>> -> memref<64xi32, #tpu.memory_space<vmem>>
    %dma_start3A_189 = arith.constant 0 : i32
    %dma_start3A_190 = arith.constant 0 : i32
    %dma_start3A_191 = tpu.memref_slice %arg3[%dma_start3A_189, %dma_start3A_190] : memref<1000000x32xf32, #tpu.memory_space<hbm>> -> memref<1000000x32xf32, #tpu.memory_space<hbm>>
    tpu.enqueue_indirect_dma source(%dma_start3A_191 : memref<1000000x32xf32, #tpu.memory_space<hbm>>) target(%dma_start3A_186 : memref<64x32xf32, #tpu.memory_space<vmem>>) offsets(%dma_start3A_188 : memref<64xi32, #tpu.memory_space<vmem>>) semaphore(%arg8 : memref<!tpu.dma_semaphore, #tpu.memory_space<semaphore_mem>>)
    %dma_start3A_192 = arith.constant 19 : i32
    %dma_start3A_193 = arith.constant 0 : i32
    %dma_start3A_194 = arith.constant 0 : i32
    %dma_start3A_195 = tpu.memref_slice %arg6[%dma_start3A_192, %dma_start3A_193, %dma_start3A_194] : memref<20x64x32xf32, #tpu.memory_space<vmem>> -> memref<1x64x32xf32, #tpu.memory_space<vmem>>
    %dma_start3A_196 = tpu.memref_squeeze %dma_start3A_195 : memref<1x64x32xf32, #tpu.memory_space<vmem>> -> memref<64x32xf32, #tpu.memory_space<vmem>>
    %dma_start3A_197 = arith.constant 1216 : i32
    %dma_start3A_198 = tpu.memref_slice %arg5[%dma_start3A_197] : memref<25600xi32, #tpu.memory_space<vmem>> -> memref<64xi32, #tpu.memory_space<vmem>>
    %dma_start3A_199 = arith.constant 0 : i32
    %dma_start3A_200 = arith.constant 0 : i32
    %dma_start3A_201 = tpu.memref_slice %arg3[%dma_start3A_199, %dma_start3A_200] : memref<1000000x32xf32, #tpu.memory_space<hbm>> -> memref<1000000x32xf32, #tpu.memory_space<hbm>>
    tpu.enqueue_indirect_dma source(%dma_start3A_201 : memref<1000000x32xf32, #tpu.memory_space<hbm>>) target(%dma_start3A_196 : memref<64x32xf32, #tpu.memory_space<vmem>>) offsets(%dma_start3A_198 : memref<64xi32, #tpu.memory_space<vmem>>) semaphore(%arg8 : memref<!tpu.dma_semaphore, #tpu.memory_space<semaphore_mem>>)
    %add3A_202 = arith.constant 1280 : i32
    %add3A_203 = arith.addi %mul3A_2, %add3A_202 : i32
    "tpu.region"() ({
      %run_scoped3A = tpu.sem_alloc : memref<!tpu.dma_semaphore, #tpu.memory_space<semaphore_mem>>
      %dma_start3A_209 = arith.constant 1280 : i32
      %dma_start3A_210 = tpu.memref_slice %arg5[%dma_start3A_209] : memref<25600xi32, #tpu.memory_space<vmem>> -> memref<24320xi32, #tpu.memory_space<vmem>>
      %dma_start3A_211 = tpu.memref_slice %arg2[%add3A_203] : memref<819200xi32, #tpu.memory_space<hbm>> -> memref<24320xi32, #tpu.memory_space<hbm>>
      %dma_start3A_212 = arith.constant 1280 : i32
      %dma_start3A_213 = tpu.memref_slice %arg5[%dma_start3A_212] : memref<25600xi32, #tpu.memory_space<vmem>> -> memref<24320xi32, #tpu.memory_space<vmem>>
      %dma_start3A_214 = tpu.memref_slice %arg2[%add3A_203] : memref<819200xi32, #tpu.memory_space<hbm>> -> memref<24320xi32, #tpu.memory_space<hbm>>
      tpu.enqueue_dma source(%dma_start3A_214 : memref<24320xi32, #tpu.memory_space<hbm>>) target(%dma_start3A_213 : memref<24320xi32, #tpu.memory_space<vmem>>) target_semaphore(%run_scoped3A : memref<!tpu.dma_semaphore, #tpu.memory_space<semaphore_mem>>)
      %dma_wait3A = arith.constant 1280 : i32
      %dma_wait3A_215 = tpu.memref_slice %arg5[%dma_wait3A] : memref<25600xi32, #tpu.memory_space<vmem>> -> memref<24320xi32, #tpu.memory_space<vmem>>
      %dma_wait3A_216 = tpu.memref_slice %arg2[%add3A_203] : memref<819200xi32, #tpu.memory_space<hbm>> -> memref<24320xi32, #tpu.memory_space<hbm>>
      %dma_wait3A_217 = arith.constant 1280 : i32
      %dma_wait3A_218 = tpu.memref_slice %arg5[%dma_wait3A_217] : memref<25600xi32, #tpu.memory_space<vmem>> -> memref<24320xi32, #tpu.memory_space<vmem>>
      %dma_wait3A_219 = tpu.memref_slice %arg2[%add3A_203] : memref<819200xi32, #tpu.memory_space<hbm>> -> memref<24320xi32, #tpu.memory_space<hbm>>
      tpu.wait_dma2 semaphore(%run_scoped3A : memref<!tpu.dma_semaphore, #tpu.memory_space<semaphore_mem>>) src(%dma_wait3A_219 : memref<24320xi32, #tpu.memory_space<hbm>>) dst(%dma_wait3A_218 : memref<24320xi32, #tpu.memory_space<vmem>>)
      tpu.yield
    }) : () -> ()
    %scan3A = arith.constant 0 : i32
    %scan3A_204 = arith.constant 0 : i32
    %scan3A_205 = arith.constant 10 : i32
    %scan3A_206 = arith.addi %scan3A_204, %scan3A_205 : i32
    %scan3A_207 = arith.constant 1 : i32
    scf.for %scan3A_209 = %scan3A_204 to %scan3A_206 step %scan3A_207  : i32 {
      %mul3A_210 = arith.constant 2 : i32
      %mul3A_211 = arith.muli %mul3A_210, %scan3A_209 : i32
      %add3A_212 = arith.constant 0 : i32
      %add3A_213 = arith.addi %mul3A_211, %add3A_212 : i32
      %add3A_214 = arith.constant 1 : i32
      %add3A_215 = arith.addi %add3A_213, %add3A_214 : i32
      %lt3A = arith.constant 20 : i32
      %lt3A_216 = arith.cmpi slt, %add3A_215, %lt3A : i32
      %convert_element_type3A = arith.extui %lt3A_216 : i1 to i32
      %cond3A = arith.constant 0 : i32
      %cond3A_217 = arith.cmpi ne, %convert_element_type3A, %cond3A : i32
      scf.if %cond3A_217 {
        %add3A_674 = arith.constant 1 : i32
        %add3A_675 = arith.addi %add3A_213, %add3A_674 : i32
        %mul3A_676 = arith.constant 1280 : i32
        %mul3A_677 = arith.muli %add3A_675, %mul3A_676 : i32
        %add3A_678 = arith.constant 0 : i32
        %add3A_679 = arith.addi %mul3A_677, %add3A_678 : i32
        %dma_start3A_680 = arith.constant 0 : i32
        %dma_start3A_681 = arith.constant 0 : i32
        %dma_start3A_682 = arith.constant 0 : i32
        %dma_start3A_683 = tpu.memref_slice %arg7[%dma_start3A_680, %dma_start3A_681, %dma_start3A_682] : memref<20x64x32xf32, #tpu.memory_space<vmem>> -> memref<1x64x32xf32, #tpu.memory_space<vmem>>
        %dma_start3A_684 = tpu.memref_squeeze %dma_start3A_683 : memref<1x64x32xf32, #tpu.memory_space<vmem>> -> memref<64x32xf32, #tpu.memory_space<vmem>>
        %dma_start3A_685 = tpu.memref_slice %arg5[%add3A_679] : memref<25600xi32, #tpu.memory_space<vmem>> -> memref<64xi32, #tpu.memory_space<vmem>>
        %dma_start3A_686 = arith.constant 0 : i32
        %dma_start3A_687 = arith.constant 0 : i32
        %dma_start3A_688 = tpu.memref_slice %arg3[%dma_start3A_686, %dma_start3A_687] : memref<1000000x32xf32, #tpu.memory_space<hbm>> -> memref<1000000x32xf32, #tpu.memory_space<hbm>>
        tpu.enqueue_indirect_dma source(%dma_start3A_688 : memref<1000000x32xf32, #tpu.memory_space<hbm>>) target(%dma_start3A_684 : memref<64x32xf32, #tpu.memory_space<vmem>>) offsets(%dma_start3A_685 : memref<64xi32, #tpu.memory_space<vmem>>) semaphore(%arg9 : memref<!tpu.dma_semaphore, #tpu.memory_space<semaphore_mem>>)
        %mul3A_689 = arith.constant 1280 : i32
        %mul3A_690 = arith.muli %add3A_675, %mul3A_689 : i32
        %add3A_691 = arith.constant 64 : i32
        %add3A_692 = arith.addi %mul3A_690, %add3A_691 : i32
        %dma_start3A_693 = arith.constant 1 : i32
        %dma_start3A_694 = arith.constant 0 : i32
        %dma_start3A_695 = arith.constant 0 : i32
        %dma_start3A_696 = tpu.memref_slice %arg7[%dma_start3A_693, %dma_start3A_694, %dma_start3A_695] : memref<20x64x32xf32, #tpu.memory_space<vmem>> -> memref<1x64x32xf32, #tpu.memory_space<vmem>>
        %dma_start3A_697 = tpu.memref_squeeze %dma_start3A_696 : memref<1x64x32xf32, #tpu.memory_space<vmem>> -> memref<64x32xf32, #tpu.memory_space<vmem>>
        %dma_start3A_698 = tpu.memref_slice %arg5[%add3A_692] : memref<25600xi32, #tpu.memory_space<vmem>> -> memref<64xi32, #tpu.memory_space<vmem>>
        %dma_start3A_699 = arith.constant 0 : i32
        %dma_start3A_700 = arith.constant 0 : i32
        %dma_start3A_701 = tpu.memref_slice %arg3[%dma_start3A_699, %dma_start3A_700] : memref<1000000x32xf32, #tpu.memory_space<hbm>> -> memref<1000000x32xf32, #tpu.memory_space<hbm>>
        tpu.enqueue_indirect_dma source(%dma_start3A_701 : memref<1000000x32xf32, #tpu.memory_space<hbm>>) target(%dma_start3A_697 : memref<64x32xf32, #tpu.memory_space<vmem>>) offsets(%dma_start3A_698 : memref<64xi32, #tpu.memory_space<vmem>>) semaphore(%arg9 : memref<!tpu.dma_semaphore, #tpu.memory_space<semaphore_mem>>)
        %mul3A_702 = arith.constant 1280 : i32
        %mul3A_703 = arith.muli %add3A_675, %mul3A_702 : i32
        %add3A_704 = arith.constant 128 : i32
        %add3A_705 = arith.addi %mul3A_703, %add3A_704 : i32
        %dma_start3A_706 = arith.constant 2 : i32
        %dma_start3A_707 = arith.constant 0 : i32
        %dma_start3A_708 = arith.constant 0 : i32
        %dma_start3A_709 = tpu.memref_slice %arg7[%dma_start3A_706, %dma_start3A_707, %dma_start3A_708] : memref<20x64x32xf32, #tpu.memory_space<vmem>> -> memref<1x64x32xf32, #tpu.memory_space<vmem>>
        %dma_start3A_710 = tpu.memref_squeeze %dma_start3A_709 : memref<1x64x32xf32, #tpu.memory_space<vmem>> -> memref<64x32xf32, #tpu.memory_space<vmem>>
        %dma_start3A_711 = tpu.memref_slice %arg5[%add3A_705] : memref<25600xi32, #tpu.memory_space<vmem>> -> memref<64xi32, #tpu.memory_space<vmem>>
        %dma_start3A_712 = arith.constant 0 : i32
        %dma_start3A_713 = arith.constant 0 : i32
        %dma_start3A_714 = tpu.memref_slice %arg3[%dma_start3A_712, %dma_start3A_713] : memref<1000000x32xf32, #tpu.memory_space<hbm>> -> memref<1000000x32xf32, #tpu.memory_space<hbm>>
        tpu.enqueue_indirect_dma source(%dma_start3A_714 : memref<1000000x32xf32, #tpu.memory_space<hbm>>) target(%dma_start3A_710 : memref<64x32xf32, #tpu.memory_space<vmem>>) offsets(%dma_start3A_711 : memref<64xi32, #tpu.memory_space<vmem>>) semaphore(%arg9 : memref<!tpu.dma_semaphore, #tpu.memory_space<semaphore_mem>>)
        %mul3A_715 = arith.constant 1280 : i32
        %mul3A_716 = arith.muli %add3A_675, %mul3A_715 : i32
        %add3A_717 = arith.constant 192 : i32
        %add3A_718 = arith.addi %mul3A_716, %add3A_717 : i32
        %dma_start3A_719 = arith.constant 3 : i32
        %dma_start3A_720 = arith.constant 0 : i32
        %dma_start3A_721 = arith.constant 0 : i32
        %dma_start3A_722 = tpu.memref_slice %arg7[%dma_start3A_719, %dma_start3A_720, %dma_start3A_721] : memref<20x64x32xf32, #tpu.memory_space<vmem>> -> memref<1x64x32xf32, #tpu.memory_space<vmem>>
        %dma_start3A_723 = tpu.memref_squeeze %dma_start3A_722 : memref<1x64x32xf32, #tpu.memory_space<vmem>> -> memref<64x32xf32, #tpu.memory_space<vmem>>
        %dma_start3A_724 = tpu.memref_slice %arg5[%add3A_718] : memref<25600xi32, #tpu.memory_space<vmem>> -> memref<64xi32, #tpu.memory_space<vmem>>
        %dma_start3A_725 = arith.constant 0 : i32
        %dma_start3A_726 = arith.constant 0 : i32
        %dma_start3A_727 = tpu.memref_slice %arg3[%dma_start3A_725, %dma_start3A_726] : memref<1000000x32xf32, #tpu.memory_space<hbm>> -> memref<1000000x32xf32, #tpu.memory_space<hbm>>
        tpu.enqueue_indirect_dma source(%dma_start3A_727 : memref<1000000x32xf32, #tpu.memory_space<hbm>>) target(%dma_start3A_723 : memref<64x32xf32, #tpu.memory_space<vmem>>) offsets(%dma_start3A_724 : memref<64xi32, #tpu.memory_space<vmem>>) semaphore(%arg9 : memref<!tpu.dma_semaphore, #tpu.memory_space<semaphore_mem>>)
        %mul3A_728 = arith.constant 1280 : i32
        %mul3A_729 = arith.muli %add3A_675, %mul3A_728 : i32
        %add3A_730 = arith.constant 256 : i32
        %add3A_731 = arith.addi %mul3A_729, %add3A_730 : i32
        %dma_start3A_732 = arith.constant 4 : i32
        %dma_start3A_733 = arith.constant 0 : i32
        %dma_start3A_734 = arith.constant 0 : i32
        %dma_start3A_735 = tpu.memref_slice %arg7[%dma_start3A_732, %dma_start3A_733, %dma_start3A_734] : memref<20x64x32xf32, #tpu.memory_space<vmem>> -> memref<1x64x32xf32, #tpu.memory_space<vmem>>
        %dma_start3A_736 = tpu.memref_squeeze %dma_start3A_735 : memref<1x64x32xf32, #tpu.memory_space<vmem>> -> memref<64x32xf32, #tpu.memory_space<vmem>>
        %dma_start3A_737 = tpu.memref_slice %arg5[%add3A_731] : memref<25600xi32, #tpu.memory_space<vmem>> -> memref<64xi32, #tpu.memory_space<vmem>>
        %dma_start3A_738 = arith.constant 0 : i32
        %dma_start3A_739 = arith.constant 0 : i32
        %dma_start3A_740 = tpu.memref_slice %arg3[%dma_start3A_738, %dma_start3A_739] : memref<1000000x32xf32, #tpu.memory_space<hbm>> -> memref<1000000x32xf32, #tpu.memory_space<hbm>>
        tpu.enqueue_indirect_dma source(%dma_start3A_740 : memref<1000000x32xf32, #tpu.memory_space<hbm>>) target(%dma_start3A_736 : memref<64x32xf32, #tpu.memory_space<vmem>>) offsets(%dma_start3A_737 : memref<64xi32, #tpu.memory_space<vmem>>) semaphore(%arg9 : memref<!tpu.dma_semaphore, #tpu.memory_space<semaphore_mem>>)
        %mul3A_741 = arith.constant 1280 : i32
        %mul3A_742 = arith.muli %add3A_675, %mul3A_741 : i32
        %add3A_743 = arith.constant 320 : i32
        %add3A_744 = arith.addi %mul3A_742, %add3A_743 : i32
        %dma_start3A_745 = arith.constant 5 : i32
        %dma_start3A_746 = arith.constant 0 : i32
        %dma_start3A_747 = arith.constant 0 : i32
        %dma_start3A_748 = tpu.memref_slice %arg7[%dma_start3A_745, %dma_start3A_746, %dma_start3A_747] : memref<20x64x32xf32, #tpu.memory_space<vmem>> -> memref<1x64x32xf32, #tpu.memory_space<vmem>>
        %dma_start3A_749 = tpu.memref_squeeze %dma_start3A_748 : memref<1x64x32xf32, #tpu.memory_space<vmem>> -> memref<64x32xf32, #tpu.memory_space<vmem>>
        %dma_start3A_750 = tpu.memref_slice %arg5[%add3A_744] : memref<25600xi32, #tpu.memory_space<vmem>> -> memref<64xi32, #tpu.memory_space<vmem>>
        %dma_start3A_751 = arith.constant 0 : i32
        %dma_start3A_752 = arith.constant 0 : i32
        %dma_start3A_753 = tpu.memref_slice %arg3[%dma_start3A_751, %dma_start3A_752] : memref<1000000x32xf32, #tpu.memory_space<hbm>> -> memref<1000000x32xf32, #tpu.memory_space<hbm>>
        tpu.enqueue_indirect_dma source(%dma_start3A_753 : memref<1000000x32xf32, #tpu.memory_space<hbm>>) target(%dma_start3A_749 : memref<64x32xf32, #tpu.memory_space<vmem>>) offsets(%dma_start3A_750 : memref<64xi32, #tpu.memory_space<vmem>>) semaphore(%arg9 : memref<!tpu.dma_semaphore, #tpu.memory_space<semaphore_mem>>)
        %mul3A_754 = arith.constant 1280 : i32
        %mul3A_755 = arith.muli %add3A_675, %mul3A_754 : i32
        %add3A_756 = arith.constant 384 : i32
        %add3A_757 = arith.addi %mul3A_755, %add3A_756 : i32
        %dma_start3A_758 = arith.constant 6 : i32
        %dma_start3A_759 = arith.constant 0 : i32
        %dma_start3A_760 = arith.constant 0 : i32
        %dma_start3A_761 = tpu.memref_slice %arg7[%dma_start3A_758, %dma_start3A_759, %dma_start3A_760] : memref<20x64x32xf32, #tpu.memory_space<vmem>> -> memref<1x64x32xf32, #tpu.memory_space<vmem>>
        %dma_start3A_762 = tpu.memref_squeeze %dma_start3A_761 : memref<1x64x32xf32, #tpu.memory_space<vmem>> -> memref<64x32xf32, #tpu.memory_space<vmem>>
        %dma_start3A_763 = tpu.memref_slice %arg5[%add3A_757] : memref<25600xi32, #tpu.memory_space<vmem>> -> memref<64xi32, #tpu.memory_space<vmem>>
        %dma_start3A_764 = arith.constant 0 : i32
        %dma_start3A_765 = arith.constant 0 : i32
        %dma_start3A_766 = tpu.memref_slice %arg3[%dma_start3A_764, %dma_start3A_765] : memref<1000000x32xf32, #tpu.memory_space<hbm>> -> memref<1000000x32xf32, #tpu.memory_space<hbm>>
        tpu.enqueue_indirect_dma source(%dma_start3A_766 : memref<1000000x32xf32, #tpu.memory_space<hbm>>) target(%dma_start3A_762 : memref<64x32xf32, #tpu.memory_space<vmem>>) offsets(%dma_start3A_763 : memref<64xi32, #tpu.memory_space<vmem>>) semaphore(%arg9 : memref<!tpu.dma_semaphore, #tpu.memory_space<semaphore_mem>>)
        %mul3A_767 = arith.constant 1280 : i32
        %mul3A_768 = arith.muli %add3A_675, %mul3A_767 : i32
        %add3A_769 = arith.constant 448 : i32
        %add3A_770 = arith.addi %mul3A_768, %add3A_769 : i32
        %dma_start3A_771 = arith.constant 7 : i32
        %dma_start3A_772 = arith.constant 0 : i32
        %dma_start3A_773 = arith.constant 0 : i32
        %dma_start3A_774 = tpu.memref_slice %arg7[%dma_start3A_771, %dma_start3A_772, %dma_start3A_773] : memref<20x64x32xf32, #tpu.memory_space<vmem>> -> memref<1x64x32xf32, #tpu.memory_space<vmem>>
        %dma_start3A_775 = tpu.memref_squeeze %dma_start3A_774 : memref<1x64x32xf32, #tpu.memory_space<vmem>> -> memref<64x32xf32, #tpu.memory_space<vmem>>
        %dma_start3A_776 = tpu.memref_slice %arg5[%add3A_770] : memref<25600xi32, #tpu.memory_space<vmem>> -> memref<64xi32, #tpu.memory_space<vmem>>
        %dma_start3A_777 = arith.constant 0 : i32
        %dma_start3A_778 = arith.constant 0 : i32
        %dma_start3A_779 = tpu.memref_slice %arg3[%dma_start3A_777, %dma_start3A_778] : memref<1000000x32xf32, #tpu.memory_space<hbm>> -> memref<1000000x32xf32, #tpu.memory_space<hbm>>
        tpu.enqueue_indirect_dma source(%dma_start3A_779 : memref<1000000x32xf32, #tpu.memory_space<hbm>>) target(%dma_start3A_775 : memref<64x32xf32, #tpu.memory_space<vmem>>) offsets(%dma_start3A_776 : memref<64xi32, #tpu.memory_space<vmem>>) semaphore(%arg9 : memref<!tpu.dma_semaphore, #tpu.memory_space<semaphore_mem>>)
        %mul3A_780 = arith.constant 1280 : i32
        %mul3A_781 = arith.muli %add3A_675, %mul3A_780 : i32
        %add3A_782 = arith.constant 512 : i32
        %add3A_783 = arith.addi %mul3A_781, %add3A_782 : i32
        %dma_start3A_784 = arith.constant 8 : i32
        %dma_start3A_785 = arith.constant 0 : i32
        %dma_start3A_786 = arith.constant 0 : i32
        %dma_start3A_787 = tpu.memref_slice %arg7[%dma_start3A_784, %dma_start3A_785, %dma_start3A_786] : memref<20x64x32xf32, #tpu.memory_space<vmem>> -> memref<1x64x32xf32, #tpu.memory_space<vmem>>
        %dma_start3A_788 = tpu.memref_squeeze %dma_start3A_787 : memref<1x64x32xf32, #tpu.memory_space<vmem>> -> memref<64x32xf32, #tpu.memory_space<vmem>>
        %dma_start3A_789 = tpu.memref_slice %arg5[%add3A_783] : memref<25600xi32, #tpu.memory_space<vmem>> -> memref<64xi32, #tpu.memory_space<vmem>>
        %dma_start3A_790 = arith.constant 0 : i32
        %dma_start3A_791 = arith.constant 0 : i32
        %dma_start3A_792 = tpu.memref_slice %arg3[%dma_start3A_790, %dma_start3A_791] : memref<1000000x32xf32, #tpu.memory_space<hbm>> -> memref<1000000x32xf32, #tpu.memory_space<hbm>>
        tpu.enqueue_indirect_dma source(%dma_start3A_792 : memref<1000000x32xf32, #tpu.memory_space<hbm>>) target(%dma_start3A_788 : memref<64x32xf32, #tpu.memory_space<vmem>>) offsets(%dma_start3A_789 : memref<64xi32, #tpu.memory_space<vmem>>) semaphore(%arg9 : memref<!tpu.dma_semaphore, #tpu.memory_space<semaphore_mem>>)
        %mul3A_793 = arith.constant 1280 : i32
        %mul3A_794 = arith.muli %add3A_675, %mul3A_793 : i32
        %add3A_795 = arith.constant 576 : i32
        %add3A_796 = arith.addi %mul3A_794, %add3A_795 : i32
        %dma_start3A_797 = arith.constant 9 : i32
        %dma_start3A_798 = arith.constant 0 : i32
        %dma_start3A_799 = arith.constant 0 : i32
        %dma_start3A_800 = tpu.memref_slice %arg7[%dma_start3A_797, %dma_start3A_798, %dma_start3A_799] : memref<20x64x32xf32, #tpu.memory_space<vmem>> -> memref<1x64x32xf32, #tpu.memory_space<vmem>>
        %dma_start3A_801 = tpu.memref_squeeze %dma_start3A_800 : memref<1x64x32xf32, #tpu.memory_space<vmem>> -> memref<64x32xf32, #tpu.memory_space<vmem>>
        %dma_start3A_802 = tpu.memref_slice %arg5[%add3A_796] : memref<25600xi32, #tpu.memory_space<vmem>> -> memref<64xi32, #tpu.memory_space<vmem>>
        %dma_start3A_803 = arith.constant 0 : i32
        %dma_start3A_804 = arith.constant 0 : i32
        %dma_start3A_805 = tpu.memref_slice %arg3[%dma_start3A_803, %dma_start3A_804] : memref<1000000x32xf32, #tpu.memory_space<hbm>> -> memref<1000000x32xf32, #tpu.memory_space<hbm>>
        tpu.enqueue_indirect_dma source(%dma_start3A_805 : memref<1000000x32xf32, #tpu.memory_space<hbm>>) target(%dma_start3A_801 : memref<64x32xf32, #tpu.memory_space<vmem>>) offsets(%dma_start3A_802 : memref<64xi32, #tpu.memory_space<vmem>>) semaphore(%arg9 : memref<!tpu.dma_semaphore, #tpu.memory_space<semaphore_mem>>)
        %mul3A_806 = arith.constant 1280 : i32
        %mul3A_807 = arith.muli %add3A_675, %mul3A_806 : i32
        %add3A_808 = arith.constant 640 : i32
        %add3A_809 = arith.addi %mul3A_807, %add3A_808 : i32
        %dma_start3A_810 = arith.constant 10 : i32
        %dma_start3A_811 = arith.constant 0 : i32
        %dma_start3A_812 = arith.constant 0 : i32
        %dma_start3A_813 = tpu.memref_slice %arg7[%dma_start3A_810, %dma_start3A_811, %dma_start3A_812] : memref<20x64x32xf32, #tpu.memory_space<vmem>> -> memref<1x64x32xf32, #tpu.memory_space<vmem>>
        %dma_start3A_814 = tpu.memref_squeeze %dma_start3A_813 : memref<1x64x32xf32, #tpu.memory_space<vmem>> -> memref<64x32xf32, #tpu.memory_space<vmem>>
        %dma_start3A_815 = tpu.memref_slice %arg5[%add3A_809] : memref<25600xi32, #tpu.memory_space<vmem>> -> memref<64xi32, #tpu.memory_space<vmem>>
        %dma_start3A_816 = arith.constant 0 : i32
        %dma_start3A_817 = arith.constant 0 : i32
        %dma_start3A_818 = tpu.memref_slice %arg3[%dma_start3A_816, %dma_start3A_817] : memref<1000000x32xf32, #tpu.memory_space<hbm>> -> memref<1000000x32xf32, #tpu.memory_space<hbm>>
        tpu.enqueue_indirect_dma source(%dma_start3A_818 : memref<1000000x32xf32, #tpu.memory_space<hbm>>) target(%dma_start3A_814 : memref<64x32xf32, #tpu.memory_space<vmem>>) offsets(%dma_start3A_815 : memref<64xi32, #tpu.memory_space<vmem>>) semaphore(%arg9 : memref<!tpu.dma_semaphore, #tpu.memory_space<semaphore_mem>>)
        %mul3A_819 = arith.constant 1280 : i32
        %mul3A_820 = arith.muli %add3A_675, %mul3A_819 : i32
        %add3A_821 = arith.constant 704 : i32
        %add3A_822 = arith.addi %mul3A_820, %add3A_821 : i32
        %dma_start3A_823 = arith.constant 11 : i32
        %dma_start3A_824 = arith.constant 0 : i32
        %dma_start3A_825 = arith.constant 0 : i32
        %dma_start3A_826 = tpu.memref_slice %arg7[%dma_start3A_823, %dma_start3A_824, %dma_start3A_825] : memref<20x64x32xf32, #tpu.memory_space<vmem>> -> memref<1x64x32xf32, #tpu.memory_space<vmem>>
        %dma_start3A_827 = tpu.memref_squeeze %dma_start3A_826 : memref<1x64x32xf32, #tpu.memory_space<vmem>> -> memref<64x32xf32, #tpu.memory_space<vmem>>
        %dma_start3A_828 = tpu.memref_slice %arg5[%add3A_822] : memref<25600xi32, #tpu.memory_space<vmem>> -> memref<64xi32, #tpu.memory_space<vmem>>
        %dma_start3A_829 = arith.constant 0 : i32
        %dma_start3A_830 = arith.constant 0 : i32
        %dma_start3A_831 = tpu.memref_slice %arg3[%dma_start3A_829, %dma_start3A_830] : memref<1000000x32xf32, #tpu.memory_space<hbm>> -> memref<1000000x32xf32, #tpu.memory_space<hbm>>
        tpu.enqueue_indirect_dma source(%dma_start3A_831 : memref<1000000x32xf32, #tpu.memory_space<hbm>>) target(%dma_start3A_827 : memref<64x32xf32, #tpu.memory_space<vmem>>) offsets(%dma_start3A_828 : memref<64xi32, #tpu.memory_space<vmem>>) semaphore(%arg9 : memref<!tpu.dma_semaphore, #tpu.memory_space<semaphore_mem>>)
        %mul3A_832 = arith.constant 1280 : i32
        %mul3A_833 = arith.muli %add3A_675, %mul3A_832 : i32
        %add3A_834 = arith.constant 768 : i32
        %add3A_835 = arith.addi %mul3A_833, %add3A_834 : i32
        %dma_start3A_836 = arith.constant 12 : i32
        %dma_start3A_837 = arith.constant 0 : i32
        %dma_start3A_838 = arith.constant 0 : i32
        %dma_start3A_839 = tpu.memref_slice %arg7[%dma_start3A_836, %dma_start3A_837, %dma_start3A_838] : memref<20x64x32xf32, #tpu.memory_space<vmem>> -> memref<1x64x32xf32, #tpu.memory_space<vmem>>
        %dma_start3A_840 = tpu.memref_squeeze %dma_start3A_839 : memref<1x64x32xf32, #tpu.memory_space<vmem>> -> memref<64x32xf32, #tpu.memory_space<vmem>>
        %dma_start3A_841 = tpu.memref_slice %arg5[%add3A_835] : memref<25600xi32, #tpu.memory_space<vmem>> -> memref<64xi32, #tpu.memory_space<vmem>>
        %dma_start3A_842 = arith.constant 0 : i32
        %dma_start3A_843 = arith.constant 0 : i32
        %dma_start3A_844 = tpu.memref_slice %arg3[%dma_start3A_842, %dma_start3A_843] : memref<1000000x32xf32, #tpu.memory_space<hbm>> -> memref<1000000x32xf32, #tpu.memory_space<hbm>>
        tpu.enqueue_indirect_dma source(%dma_start3A_844 : memref<1000000x32xf32, #tpu.memory_space<hbm>>) target(%dma_start3A_840 : memref<64x32xf32, #tpu.memory_space<vmem>>) offsets(%dma_start3A_841 : memref<64xi32, #tpu.memory_space<vmem>>) semaphore(%arg9 : memref<!tpu.dma_semaphore, #tpu.memory_space<semaphore_mem>>)
        %mul3A_845 = arith.constant 1280 : i32
        %mul3A_846 = arith.muli %add3A_675, %mul3A_845 : i32
        %add3A_847 = arith.constant 832 : i32
        %add3A_848 = arith.addi %mul3A_846, %add3A_847 : i32
        %dma_start3A_849 = arith.constant 13 : i32
        %dma_start3A_850 = arith.constant 0 : i32
        %dma_start3A_851 = arith.constant 0 : i32
        %dma_start3A_852 = tpu.memref_slice %arg7[%dma_start3A_849, %dma_start3A_850, %dma_start3A_851] : memref<20x64x32xf32, #tpu.memory_space<vmem>> -> memref<1x64x32xf32, #tpu.memory_space<vmem>>
        %dma_start3A_853 = tpu.memref_squeeze %dma_start3A_852 : memref<1x64x32xf32, #tpu.memory_space<vmem>> -> memref<64x32xf32, #tpu.memory_space<vmem>>
        %dma_start3A_854 = tpu.memref_slice %arg5[%add3A_848] : memref<25600xi32, #tpu.memory_space<vmem>> -> memref<64xi32, #tpu.memory_space<vmem>>
        %dma_start3A_855 = arith.constant 0 : i32
        %dma_start3A_856 = arith.constant 0 : i32
        %dma_start3A_857 = tpu.memref_slice %arg3[%dma_start3A_855, %dma_start3A_856] : memref<1000000x32xf32, #tpu.memory_space<hbm>> -> memref<1000000x32xf32, #tpu.memory_space<hbm>>
        tpu.enqueue_indirect_dma source(%dma_start3A_857 : memref<1000000x32xf32, #tpu.memory_space<hbm>>) target(%dma_start3A_853 : memref<64x32xf32, #tpu.memory_space<vmem>>) offsets(%dma_start3A_854 : memref<64xi32, #tpu.memory_space<vmem>>) semaphore(%arg9 : memref<!tpu.dma_semaphore, #tpu.memory_space<semaphore_mem>>)
        %mul3A_858 = arith.constant 1280 : i32
        %mul3A_859 = arith.muli %add3A_675, %mul3A_858 : i32
        %add3A_860 = arith.constant 896 : i32
        %add3A_861 = arith.addi %mul3A_859, %add3A_860 : i32
        %dma_start3A_862 = arith.constant 14 : i32
        %dma_start3A_863 = arith.constant 0 : i32
        %dma_start3A_864 = arith.constant 0 : i32
        %dma_start3A_865 = tpu.memref_slice %arg7[%dma_start3A_862, %dma_start3A_863, %dma_start3A_864] : memref<20x64x32xf32, #tpu.memory_space<vmem>> -> memref<1x64x32xf32, #tpu.memory_space<vmem>>
        %dma_start3A_866 = tpu.memref_squeeze %dma_start3A_865 : memref<1x64x32xf32, #tpu.memory_space<vmem>> -> memref<64x32xf32, #tpu.memory_space<vmem>>
        %dma_start3A_867 = tpu.memref_slice %arg5[%add3A_861] : memref<25600xi32, #tpu.memory_space<vmem>> -> memref<64xi32, #tpu.memory_space<vmem>>
        %dma_start3A_868 = arith.constant 0 : i32
        %dma_start3A_869 = arith.constant 0 : i32
        %dma_start3A_870 = tpu.memref_slice %arg3[%dma_start3A_868, %dma_start3A_869] : memref<1000000x32xf32, #tpu.memory_space<hbm>> -> memref<1000000x32xf32, #tpu.memory_space<hbm>>
        tpu.enqueue_indirect_dma source(%dma_start3A_870 : memref<1000000x32xf32, #tpu.memory_space<hbm>>) target(%dma_start3A_866 : memref<64x32xf32, #tpu.memory_space<vmem>>) offsets(%dma_start3A_867 : memref<64xi32, #tpu.memory_space<vmem>>) semaphore(%arg9 : memref<!tpu.dma_semaphore, #tpu.memory_space<semaphore_mem>>)
        %mul3A_871 = arith.constant 1280 : i32
        %mul3A_872 = arith.muli %add3A_675, %mul3A_871 : i32
        %add3A_873 = arith.constant 960 : i32
        %add3A_874 = arith.addi %mul3A_872, %add3A_873 : i32
        %dma_start3A_875 = arith.constant 15 : i32
        %dma_start3A_876 = arith.constant 0 : i32
        %dma_start3A_877 = arith.constant 0 : i32
        %dma_start3A_878 = tpu.memref_slice %arg7[%dma_start3A_875, %dma_start3A_876, %dma_start3A_877] : memref<20x64x32xf32, #tpu.memory_space<vmem>> -> memref<1x64x32xf32, #tpu.memory_space<vmem>>
        %dma_start3A_879 = tpu.memref_squeeze %dma_start3A_878 : memref<1x64x32xf32, #tpu.memory_space<vmem>> -> memref<64x32xf32, #tpu.memory_space<vmem>>
        %dma_start3A_880 = tpu.memref_slice %arg5[%add3A_874] : memref<25600xi32, #tpu.memory_space<vmem>> -> memref<64xi32, #tpu.memory_space<vmem>>
        %dma_start3A_881 = arith.constant 0 : i32
        %dma_start3A_882 = arith.constant 0 : i32
        %dma_start3A_883 = tpu.memref_slice %arg3[%dma_start3A_881, %dma_start3A_882] : memref<1000000x32xf32, #tpu.memory_space<hbm>> -> memref<1000000x32xf32, #tpu.memory_space<hbm>>
        tpu.enqueue_indirect_dma source(%dma_start3A_883 : memref<1000000x32xf32, #tpu.memory_space<hbm>>) target(%dma_start3A_879 : memref<64x32xf32, #tpu.memory_space<vmem>>) offsets(%dma_start3A_880 : memref<64xi32, #tpu.memory_space<vmem>>) semaphore(%arg9 : memref<!tpu.dma_semaphore, #tpu.memory_space<semaphore_mem>>)
        %mul3A_884 = arith.constant 1280 : i32
        %mul3A_885 = arith.muli %add3A_675, %mul3A_884 : i32
        %add3A_886 = arith.constant 1024 : i32
        %add3A_887 = arith.addi %mul3A_885, %add3A_886 : i32
        %dma_start3A_888 = arith.constant 16 : i32
        %dma_start3A_889 = arith.constant 0 : i32
        %dma_start3A_890 = arith.constant 0 : i32
        %dma_start3A_891 = tpu.memref_slice %arg7[%dma_start3A_888, %dma_start3A_889, %dma_start3A_890] : memref<20x64x32xf32, #tpu.memory_space<vmem>> -> memref<1x64x32xf32, #tpu.memory_space<vmem>>
        %dma_start3A_892 = tpu.memref_squeeze %dma_start3A_891 : memref<1x64x32xf32, #tpu.memory_space<vmem>> -> memref<64x32xf32, #tpu.memory_space<vmem>>
        %dma_start3A_893 = tpu.memref_slice %arg5[%add3A_887] : memref<25600xi32, #tpu.memory_space<vmem>> -> memref<64xi32, #tpu.memory_space<vmem>>
        %dma_start3A_894 = arith.constant 0 : i32
        %dma_start3A_895 = arith.constant 0 : i32
        %dma_start3A_896 = tpu.memref_slice %arg3[%dma_start3A_894, %dma_start3A_895] : memref<1000000x32xf32, #tpu.memory_space<hbm>> -> memref<1000000x32xf32, #tpu.memory_space<hbm>>
        tpu.enqueue_indirect_dma source(%dma_start3A_896 : memref<1000000x32xf32, #tpu.memory_space<hbm>>) target(%dma_start3A_892 : memref<64x32xf32, #tpu.memory_space<vmem>>) offsets(%dma_start3A_893 : memref<64xi32, #tpu.memory_space<vmem>>) semaphore(%arg9 : memref<!tpu.dma_semaphore, #tpu.memory_space<semaphore_mem>>)
        %mul3A_897 = arith.constant 1280 : i32
        %mul3A_898 = arith.muli %add3A_675, %mul3A_897 : i32
        %add3A_899 = arith.constant 1088 : i32
        %add3A_900 = arith.addi %mul3A_898, %add3A_899 : i32
        %dma_start3A_901 = arith.constant 17 : i32
        %dma_start3A_902 = arith.constant 0 : i32
        %dma_start3A_903 = arith.constant 0 : i32
        %dma_start3A_904 = tpu.memref_slice %arg7[%dma_start3A_901, %dma_start3A_902, %dma_start3A_903] : memref<20x64x32xf32, #tpu.memory_space<vmem>> -> memref<1x64x32xf32, #tpu.memory_space<vmem>>
        %dma_start3A_905 = tpu.memref_squeeze %dma_start3A_904 : memref<1x64x32xf32, #tpu.memory_space<vmem>> -> memref<64x32xf32, #tpu.memory_space<vmem>>
        %dma_start3A_906 = tpu.memref_slice %arg5[%add3A_900] : memref<25600xi32, #tpu.memory_space<vmem>> -> memref<64xi32, #tpu.memory_space<vmem>>
        %dma_start3A_907 = arith.constant 0 : i32
        %dma_start3A_908 = arith.constant 0 : i32
        %dma_start3A_909 = tpu.memref_slice %arg3[%dma_start3A_907, %dma_start3A_908] : memref<1000000x32xf32, #tpu.memory_space<hbm>> -> memref<1000000x32xf32, #tpu.memory_space<hbm>>
        tpu.enqueue_indirect_dma source(%dma_start3A_909 : memref<1000000x32xf32, #tpu.memory_space<hbm>>) target(%dma_start3A_905 : memref<64x32xf32, #tpu.memory_space<vmem>>) offsets(%dma_start3A_906 : memref<64xi32, #tpu.memory_space<vmem>>) semaphore(%arg9 : memref<!tpu.dma_semaphore, #tpu.memory_space<semaphore_mem>>)
        %mul3A_910 = arith.constant 1280 : i32
        %mul3A_911 = arith.muli %add3A_675, %mul3A_910 : i32
        %add3A_912 = arith.constant 1152 : i32
        %add3A_913 = arith.addi %mul3A_911, %add3A_912 : i32
        %dma_start3A_914 = arith.constant 18 : i32
        %dma_start3A_915 = arith.constant 0 : i32
        %dma_start3A_916 = arith.constant 0 : i32
        %dma_start3A_917 = tpu.memref_slice %arg7[%dma_start3A_914, %dma_start3A_915, %dma_start3A_916] : memref<20x64x32xf32, #tpu.memory_space<vmem>> -> memref<1x64x32xf32, #tpu.memory_space<vmem>>
        %dma_start3A_918 = tpu.memref_squeeze %dma_start3A_917 : memref<1x64x32xf32, #tpu.memory_space<vmem>> -> memref<64x32xf32, #tpu.memory_space<vmem>>
        %dma_start3A_919 = tpu.memref_slice %arg5[%add3A_913] : memref<25600xi32, #tpu.memory_space<vmem>> -> memref<64xi32, #tpu.memory_space<vmem>>
        %dma_start3A_920 = arith.constant 0 : i32
        %dma_start3A_921 = arith.constant 0 : i32
        %dma_start3A_922 = tpu.memref_slice %arg3[%dma_start3A_920, %dma_start3A_921] : memref<1000000x32xf32, #tpu.memory_space<hbm>> -> memref<1000000x32xf32, #tpu.memory_space<hbm>>
        tpu.enqueue_indirect_dma source(%dma_start3A_922 : memref<1000000x32xf32, #tpu.memory_space<hbm>>) target(%dma_start3A_918 : memref<64x32xf32, #tpu.memory_space<vmem>>) offsets(%dma_start3A_919 : memref<64xi32, #tpu.memory_space<vmem>>) semaphore(%arg9 : memref<!tpu.dma_semaphore, #tpu.memory_space<semaphore_mem>>)
        %mul3A_923 = arith.constant 1280 : i32
        %mul3A_924 = arith.muli %add3A_675, %mul3A_923 : i32
        %add3A_925 = arith.constant 1216 : i32
        %add3A_926 = arith.addi %mul3A_924, %add3A_925 : i32
        %dma_start3A_927 = arith.constant 19 : i32
        %dma_start3A_928 = arith.constant 0 : i32
        %dma_start3A_929 = arith.constant 0 : i32
        %dma_start3A_930 = tpu.memref_slice %arg7[%dma_start3A_927, %dma_start3A_928, %dma_start3A_929] : memref<20x64x32xf32, #tpu.memory_space<vmem>> -> memref<1x64x32xf32, #tpu.memory_space<vmem>>
        %dma_start3A_931 = tpu.memref_squeeze %dma_start3A_930 : memref<1x64x32xf32, #tpu.memory_space<vmem>> -> memref<64x32xf32, #tpu.memory_space<vmem>>
        %dma_start3A_932 = tpu.memref_slice %arg5[%add3A_926] : memref<25600xi32, #tpu.memory_space<vmem>> -> memref<64xi32, #tpu.memory_space<vmem>>
        %dma_start3A_933 = arith.constant 0 : i32
        %dma_start3A_934 = arith.constant 0 : i32
        %dma_start3A_935 = tpu.memref_slice %arg3[%dma_start3A_933, %dma_start3A_934] : memref<1000000x32xf32, #tpu.memory_space<hbm>> -> memref<1000000x32xf32, #tpu.memory_space<hbm>>
        tpu.enqueue_indirect_dma source(%dma_start3A_935 : memref<1000000x32xf32, #tpu.memory_space<hbm>>) target(%dma_start3A_931 : memref<64x32xf32, #tpu.memory_space<vmem>>) offsets(%dma_start3A_932 : memref<64xi32, #tpu.memory_space<vmem>>) semaphore(%arg9 : memref<!tpu.dma_semaphore, #tpu.memory_space<semaphore_mem>>)
      } else {
      }
      %dma_wait3A = arith.constant 0 : i32
      %dma_wait3A_218 = arith.constant 0 : i32
      %dma_wait3A_219 = arith.constant 0 : i32
      %dma_wait3A_220 = tpu.memref_slice %arg6[%dma_wait3A, %dma_wait3A_218, %dma_wait3A_219] : memref<20x64x32xf32, #tpu.memory_space<vmem>> -> memref<1x64x32xf32, #tpu.memory_space<vmem>>
      %dma_wait3A_221 = tpu.memref_squeeze %dma_wait3A_220 : memref<1x64x32xf32, #tpu.memory_space<vmem>> -> memref<64x32xf32, #tpu.memory_space<vmem>>
      %dma_wait3A_222 = arith.constant 0 : i32
      %dma_wait3A_223 = tpu.memref_slice %arg5[%dma_wait3A_222] : memref<25600xi32, #tpu.memory_space<vmem>> -> memref<64xi32, #tpu.memory_space<vmem>>
      %dma_wait3A_224 = arith.constant 0 : i32
      %dma_wait3A_225 = arith.constant 0 : i32
      %dma_wait3A_226 = tpu.memref_slice %arg3[%dma_wait3A_224, %dma_wait3A_225] : memref<1000000x32xf32, #tpu.memory_space<hbm>> -> memref<1000000x32xf32, #tpu.memory_space<hbm>>
      tpu.wait_indirect_dma semaphore(%arg8 : memref<!tpu.dma_semaphore, #tpu.memory_space<semaphore_mem>>) src(%dma_wait3A_226 : memref<1000000x32xf32, #tpu.memory_space<hbm>>) dst(%dma_wait3A_221 : memref<64x32xf32, #tpu.memory_space<vmem>>)
      %dma_wait3A_227 = arith.constant 1 : i32
      %dma_wait3A_228 = arith.constant 0 : i32
      %dma_wait3A_229 = arith.constant 0 : i32
      %dma_wait3A_230 = tpu.memref_slice %arg6[%dma_wait3A_227, %dma_wait3A_228, %dma_wait3A_229] : memref<20x64x32xf32, #tpu.memory_space<vmem>> -> memref<1x64x32xf32, #tpu.memory_space<vmem>>
      %dma_wait3A_231 = tpu.memref_squeeze %dma_wait3A_230 : memref<1x64x32xf32, #tpu.memory_space<vmem>> -> memref<64x32xf32, #tpu.memory_space<vmem>>
      %dma_wait3A_232 = arith.constant 64 : i32
      %dma_wait3A_233 = tpu.memref_slice %arg5[%dma_wait3A_232] : memref<25600xi32, #tpu.memory_space<vmem>> -> memref<64xi32, #tpu.memory_space<vmem>>
      %dma_wait3A_234 = arith.constant 0 : i32
      %dma_wait3A_235 = arith.constant 0 : i32
      %dma_wait3A_236 = tpu.memref_slice %arg3[%dma_wait3A_234, %dma_wait3A_235] : memref<1000000x32xf32, #tpu.memory_space<hbm>> -> memref<1000000x32xf32, #tpu.memory_space<hbm>>
      tpu.wait_indirect_dma semaphore(%arg8 : memref<!tpu.dma_semaphore, #tpu.memory_space<semaphore_mem>>) src(%dma_wait3A_236 : memref<1000000x32xf32, #tpu.memory_space<hbm>>) dst(%dma_wait3A_231 : memref<64x32xf32, #tpu.memory_space<vmem>>)
      %dma_wait3A_237 = arith.constant 2 : i32
      %dma_wait3A_238 = arith.constant 0 : i32
      %dma_wait3A_239 = arith.constant 0 : i32
      %dma_wait3A_240 = tpu.memref_slice %arg6[%dma_wait3A_237, %dma_wait3A_238, %dma_wait3A_239] : memref<20x64x32xf32, #tpu.memory_space<vmem>> -> memref<1x64x32xf32, #tpu.memory_space<vmem>>
      %dma_wait3A_241 = tpu.memref_squeeze %dma_wait3A_240 : memref<1x64x32xf32, #tpu.memory_space<vmem>> -> memref<64x32xf32, #tpu.memory_space<vmem>>
      %dma_wait3A_242 = arith.constant 128 : i32
      %dma_wait3A_243 = tpu.memref_slice %arg5[%dma_wait3A_242] : memref<25600xi32, #tpu.memory_space<vmem>> -> memref<64xi32, #tpu.memory_space<vmem>>
      %dma_wait3A_244 = arith.constant 0 : i32
      %dma_wait3A_245 = arith.constant 0 : i32
      %dma_wait3A_246 = tpu.memref_slice %arg3[%dma_wait3A_244, %dma_wait3A_245] : memref<1000000x32xf32, #tpu.memory_space<hbm>> -> memref<1000000x32xf32, #tpu.memory_space<hbm>>
      tpu.wait_indirect_dma semaphore(%arg8 : memref<!tpu.dma_semaphore, #tpu.memory_space<semaphore_mem>>) src(%dma_wait3A_246 : memref<1000000x32xf32, #tpu.memory_space<hbm>>) dst(%dma_wait3A_241 : memref<64x32xf32, #tpu.memory_space<vmem>>)
      %dma_wait3A_247 = arith.constant 3 : i32
      %dma_wait3A_248 = arith.constant 0 : i32
      %dma_wait3A_249 = arith.constant 0 : i32
      %dma_wait3A_250 = tpu.memref_slice %arg6[%dma_wait3A_247, %dma_wait3A_248, %dma_wait3A_249] : memref<20x64x32xf32, #tpu.memory_space<vmem>> -> memref<1x64x32xf32, #tpu.memory_space<vmem>>
      %dma_wait3A_251 = tpu.memref_squeeze %dma_wait3A_250 : memref<1x64x32xf32, #tpu.memory_space<vmem>> -> memref<64x32xf32, #tpu.memory_space<vmem>>
      %dma_wait3A_252 = arith.constant 192 : i32
      %dma_wait3A_253 = tpu.memref_slice %arg5[%dma_wait3A_252] : memref<25600xi32, #tpu.memory_space<vmem>> -> memref<64xi32, #tpu.memory_space<vmem>>
      %dma_wait3A_254 = arith.constant 0 : i32
      %dma_wait3A_255 = arith.constant 0 : i32
      %dma_wait3A_256 = tpu.memref_slice %arg3[%dma_wait3A_254, %dma_wait3A_255] : memref<1000000x32xf32, #tpu.memory_space<hbm>> -> memref<1000000x32xf32, #tpu.memory_space<hbm>>
      tpu.wait_indirect_dma semaphore(%arg8 : memref<!tpu.dma_semaphore, #tpu.memory_space<semaphore_mem>>) src(%dma_wait3A_256 : memref<1000000x32xf32, #tpu.memory_space<hbm>>) dst(%dma_wait3A_251 : memref<64x32xf32, #tpu.memory_space<vmem>>)
      %dma_wait3A_257 = arith.constant 4 : i32
      %dma_wait3A_258 = arith.constant 0 : i32
      %dma_wait3A_259 = arith.constant 0 : i32
      %dma_wait3A_260 = tpu.memref_slice %arg6[%dma_wait3A_257, %dma_wait3A_258, %dma_wait3A_259] : memref<20x64x32xf32, #tpu.memory_space<vmem>> -> memref<1x64x32xf32, #tpu.memory_space<vmem>>
      %dma_wait3A_261 = tpu.memref_squeeze %dma_wait3A_260 : memref<1x64x32xf32, #tpu.memory_space<vmem>> -> memref<64x32xf32, #tpu.memory_space<vmem>>
      %dma_wait3A_262 = arith.constant 256 : i32
      %dma_wait3A_263 = tpu.memref_slice %arg5[%dma_wait3A_262] : memref<25600xi32, #tpu.memory_space<vmem>> -> memref<64xi32, #tpu.memory_space<vmem>>
      %dma_wait3A_264 = arith.constant 0 : i32
      %dma_wait3A_265 = arith.constant 0 : i32
      %dma_wait3A_266 = tpu.memref_slice %arg3[%dma_wait3A_264, %dma_wait3A_265] : memref<1000000x32xf32, #tpu.memory_space<hbm>> -> memref<1000000x32xf32, #tpu.memory_space<hbm>>
      tpu.wait_indirect_dma semaphore(%arg8 : memref<!tpu.dma_semaphore, #tpu.memory_space<semaphore_mem>>) src(%dma_wait3A_266 : memref<1000000x32xf32, #tpu.memory_space<hbm>>) dst(%dma_wait3A_261 : memref<64x32xf32, #tpu.memory_space<vmem>>)
      %dma_wait3A_267 = arith.constant 5 : i32
      %dma_wait3A_268 = arith.constant 0 : i32
      %dma_wait3A_269 = arith.constant 0 : i32
      %dma_wait3A_270 = tpu.memref_slice %arg6[%dma_wait3A_267, %dma_wait3A_268, %dma_wait3A_269] : memref<20x64x32xf32, #tpu.memory_space<vmem>> -> memref<1x64x32xf32, #tpu.memory_space<vmem>>
      %dma_wait3A_271 = tpu.memref_squeeze %dma_wait3A_270 : memref<1x64x32xf32, #tpu.memory_space<vmem>> -> memref<64x32xf32, #tpu.memory_space<vmem>>
      %dma_wait3A_272 = arith.constant 320 : i32
      %dma_wait3A_273 = tpu.memref_slice %arg5[%dma_wait3A_272] : memref<25600xi32, #tpu.memory_space<vmem>> -> memref<64xi32, #tpu.memory_space<vmem>>
      %dma_wait3A_274 = arith.constant 0 : i32
      %dma_wait3A_275 = arith.constant 0 : i32
      %dma_wait3A_276 = tpu.memref_slice %arg3[%dma_wait3A_274, %dma_wait3A_275] : memref<1000000x32xf32, #tpu.memory_space<hbm>> -> memref<1000000x32xf32, #tpu.memory_space<hbm>>
      tpu.wait_indirect_dma semaphore(%arg8 : memref<!tpu.dma_semaphore, #tpu.memory_space<semaphore_mem>>) src(%dma_wait3A_276 : memref<1000000x32xf32, #tpu.memory_space<hbm>>) dst(%dma_wait3A_271 : memref<64x32xf32, #tpu.memory_space<vmem>>)
      %dma_wait3A_277 = arith.constant 6 : i32
      %dma_wait3A_278 = arith.constant 0 : i32
      %dma_wait3A_279 = arith.constant 0 : i32
      %dma_wait3A_280 = tpu.memref_slice %arg6[%dma_wait3A_277, %dma_wait3A_278, %dma_wait3A_279] : memref<20x64x32xf32, #tpu.memory_space<vmem>> -> memref<1x64x32xf32, #tpu.memory_space<vmem>>
      %dma_wait3A_281 = tpu.memref_squeeze %dma_wait3A_280 : memref<1x64x32xf32, #tpu.memory_space<vmem>> -> memref<64x32xf32, #tpu.memory_space<vmem>>
      %dma_wait3A_282 = arith.constant 384 : i32
      %dma_wait3A_283 = tpu.memref_slice %arg5[%dma_wait3A_282] : memref<25600xi32, #tpu.memory_space<vmem>> -> memref<64xi32, #tpu.memory_space<vmem>>
      %dma_wait3A_284 = arith.constant 0 : i32
      %dma_wait3A_285 = arith.constant 0 : i32
      %dma_wait3A_286 = tpu.memref_slice %arg3[%dma_wait3A_284, %dma_wait3A_285] : memref<1000000x32xf32, #tpu.memory_space<hbm>> -> memref<1000000x32xf32, #tpu.memory_space<hbm>>
      tpu.wait_indirect_dma semaphore(%arg8 : memref<!tpu.dma_semaphore, #tpu.memory_space<semaphore_mem>>) src(%dma_wait3A_286 : memref<1000000x32xf32, #tpu.memory_space<hbm>>) dst(%dma_wait3A_281 : memref<64x32xf32, #tpu.memory_space<vmem>>)
      %dma_wait3A_287 = arith.constant 7 : i32
      %dma_wait3A_288 = arith.constant 0 : i32
      %dma_wait3A_289 = arith.constant 0 : i32
      %dma_wait3A_290 = tpu.memref_slice %arg6[%dma_wait3A_287, %dma_wait3A_288, %dma_wait3A_289] : memref<20x64x32xf32, #tpu.memory_space<vmem>> -> memref<1x64x32xf32, #tpu.memory_space<vmem>>
      %dma_wait3A_291 = tpu.memref_squeeze %dma_wait3A_290 : memref<1x64x32xf32, #tpu.memory_space<vmem>> -> memref<64x32xf32, #tpu.memory_space<vmem>>
      %dma_wait3A_292 = arith.constant 448 : i32
      %dma_wait3A_293 = tpu.memref_slice %arg5[%dma_wait3A_292] : memref<25600xi32, #tpu.memory_space<vmem>> -> memref<64xi32, #tpu.memory_space<vmem>>
      %dma_wait3A_294 = arith.constant 0 : i32
      %dma_wait3A_295 = arith.constant 0 : i32
      %dma_wait3A_296 = tpu.memref_slice %arg3[%dma_wait3A_294, %dma_wait3A_295] : memref<1000000x32xf32, #tpu.memory_space<hbm>> -> memref<1000000x32xf32, #tpu.memory_space<hbm>>
      tpu.wait_indirect_dma semaphore(%arg8 : memref<!tpu.dma_semaphore, #tpu.memory_space<semaphore_mem>>) src(%dma_wait3A_296 : memref<1000000x32xf32, #tpu.memory_space<hbm>>) dst(%dma_wait3A_291 : memref<64x32xf32, #tpu.memory_space<vmem>>)
      %dma_wait3A_297 = arith.constant 8 : i32
      %dma_wait3A_298 = arith.constant 0 : i32
      %dma_wait3A_299 = arith.constant 0 : i32
      %dma_wait3A_300 = tpu.memref_slice %arg6[%dma_wait3A_297, %dma_wait3A_298, %dma_wait3A_299] : memref<20x64x32xf32, #tpu.memory_space<vmem>> -> memref<1x64x32xf32, #tpu.memory_space<vmem>>
      %dma_wait3A_301 = tpu.memref_squeeze %dma_wait3A_300 : memref<1x64x32xf32, #tpu.memory_space<vmem>> -> memref<64x32xf32, #tpu.memory_space<vmem>>
      %dma_wait3A_302 = arith.constant 512 : i32
      %dma_wait3A_303 = tpu.memref_slice %arg5[%dma_wait3A_302] : memref<25600xi32, #tpu.memory_space<vmem>> -> memref<64xi32, #tpu.memory_space<vmem>>
      %dma_wait3A_304 = arith.constant 0 : i32
      %dma_wait3A_305 = arith.constant 0 : i32
      %dma_wait3A_306 = tpu.memref_slice %arg3[%dma_wait3A_304, %dma_wait3A_305] : memref<1000000x32xf32, #tpu.memory_space<hbm>> -> memref<1000000x32xf32, #tpu.memory_space<hbm>>
      tpu.wait_indirect_dma semaphore(%arg8 : memref<!tpu.dma_semaphore, #tpu.memory_space<semaphore_mem>>) src(%dma_wait3A_306 : memref<1000000x32xf32, #tpu.memory_space<hbm>>) dst(%dma_wait3A_301 : memref<64x32xf32, #tpu.memory_space<vmem>>)
      %dma_wait3A_307 = arith.constant 9 : i32
      %dma_wait3A_308 = arith.constant 0 : i32
      %dma_wait3A_309 = arith.constant 0 : i32
      %dma_wait3A_310 = tpu.memref_slice %arg6[%dma_wait3A_307, %dma_wait3A_308, %dma_wait3A_309] : memref<20x64x32xf32, #tpu.memory_space<vmem>> -> memref<1x64x32xf32, #tpu.memory_space<vmem>>
      %dma_wait3A_311 = tpu.memref_squeeze %dma_wait3A_310 : memref<1x64x32xf32, #tpu.memory_space<vmem>> -> memref<64x32xf32, #tpu.memory_space<vmem>>
      %dma_wait3A_312 = arith.constant 576 : i32
      %dma_wait3A_313 = tpu.memref_slice %arg5[%dma_wait3A_312] : memref<25600xi32, #tpu.memory_space<vmem>> -> memref<64xi32, #tpu.memory_space<vmem>>
      %dma_wait3A_314 = arith.constant 0 : i32
      %dma_wait3A_315 = arith.constant 0 : i32
      %dma_wait3A_316 = tpu.memref_slice %arg3[%dma_wait3A_314, %dma_wait3A_315] : memref<1000000x32xf32, #tpu.memory_space<hbm>> -> memref<1000000x32xf32, #tpu.memory_space<hbm>>
      tpu.wait_indirect_dma semaphore(%arg8 : memref<!tpu.dma_semaphore, #tpu.memory_space<semaphore_mem>>) src(%dma_wait3A_316 : memref<1000000x32xf32, #tpu.memory_space<hbm>>) dst(%dma_wait3A_311 : memref<64x32xf32, #tpu.memory_space<vmem>>)
      %dma_wait3A_317 = arith.constant 10 : i32
      %dma_wait3A_318 = arith.constant 0 : i32
      %dma_wait3A_319 = arith.constant 0 : i32
      %dma_wait3A_320 = tpu.memref_slice %arg6[%dma_wait3A_317, %dma_wait3A_318, %dma_wait3A_319] : memref<20x64x32xf32, #tpu.memory_space<vmem>> -> memref<1x64x32xf32, #tpu.memory_space<vmem>>
      %dma_wait3A_321 = tpu.memref_squeeze %dma_wait3A_320 : memref<1x64x32xf32, #tpu.memory_space<vmem>> -> memref<64x32xf32, #tpu.memory_space<vmem>>
      %dma_wait3A_322 = arith.constant 640 : i32
      %dma_wait3A_323 = tpu.memref_slice %arg5[%dma_wait3A_322] : memref<25600xi32, #tpu.memory_space<vmem>> -> memref<64xi32, #tpu.memory_space<vmem>>
      %dma_wait3A_324 = arith.constant 0 : i32
      %dma_wait3A_325 = arith.constant 0 : i32
      %dma_wait3A_326 = tpu.memref_slice %arg3[%dma_wait3A_324, %dma_wait3A_325] : memref<1000000x32xf32, #tpu.memory_space<hbm>> -> memref<1000000x32xf32, #tpu.memory_space<hbm>>
      tpu.wait_indirect_dma semaphore(%arg8 : memref<!tpu.dma_semaphore, #tpu.memory_space<semaphore_mem>>) src(%dma_wait3A_326 : memref<1000000x32xf32, #tpu.memory_space<hbm>>) dst(%dma_wait3A_321 : memref<64x32xf32, #tpu.memory_space<vmem>>)
      %dma_wait3A_327 = arith.constant 11 : i32
      %dma_wait3A_328 = arith.constant 0 : i32
      %dma_wait3A_329 = arith.constant 0 : i32
      %dma_wait3A_330 = tpu.memref_slice %arg6[%dma_wait3A_327, %dma_wait3A_328, %dma_wait3A_329] : memref<20x64x32xf32, #tpu.memory_space<vmem>> -> memref<1x64x32xf32, #tpu.memory_space<vmem>>
      %dma_wait3A_331 = tpu.memref_squeeze %dma_wait3A_330 : memref<1x64x32xf32, #tpu.memory_space<vmem>> -> memref<64x32xf32, #tpu.memory_space<vmem>>
      %dma_wait3A_332 = arith.constant 704 : i32
      %dma_wait3A_333 = tpu.memref_slice %arg5[%dma_wait3A_332] : memref<25600xi32, #tpu.memory_space<vmem>> -> memref<64xi32, #tpu.memory_space<vmem>>
      %dma_wait3A_334 = arith.constant 0 : i32
      %dma_wait3A_335 = arith.constant 0 : i32
      %dma_wait3A_336 = tpu.memref_slice %arg3[%dma_wait3A_334, %dma_wait3A_335] : memref<1000000x32xf32, #tpu.memory_space<hbm>> -> memref<1000000x32xf32, #tpu.memory_space<hbm>>
      tpu.wait_indirect_dma semaphore(%arg8 : memref<!tpu.dma_semaphore, #tpu.memory_space<semaphore_mem>>) src(%dma_wait3A_336 : memref<1000000x32xf32, #tpu.memory_space<hbm>>) dst(%dma_wait3A_331 : memref<64x32xf32, #tpu.memory_space<vmem>>)
      %dma_wait3A_337 = arith.constant 12 : i32
      %dma_wait3A_338 = arith.constant 0 : i32
      %dma_wait3A_339 = arith.constant 0 : i32
      %dma_wait3A_340 = tpu.memref_slice %arg6[%dma_wait3A_337, %dma_wait3A_338, %dma_wait3A_339] : memref<20x64x32xf32, #tpu.memory_space<vmem>> -> memref<1x64x32xf32, #tpu.memory_space<vmem>>
      %dma_wait3A_341 = tpu.memref_squeeze %dma_wait3A_340 : memref<1x64x32xf32, #tpu.memory_space<vmem>> -> memref<64x32xf32, #tpu.memory_space<vmem>>
      %dma_wait3A_342 = arith.constant 768 : i32
      %dma_wait3A_343 = tpu.memref_slice %arg5[%dma_wait3A_342] : memref<25600xi32, #tpu.memory_space<vmem>> -> memref<64xi32, #tpu.memory_space<vmem>>
      %dma_wait3A_344 = arith.constant 0 : i32
      %dma_wait3A_345 = arith.constant 0 : i32
      %dma_wait3A_346 = tpu.memref_slice %arg3[%dma_wait3A_344, %dma_wait3A_345] : memref<1000000x32xf32, #tpu.memory_space<hbm>> -> memref<1000000x32xf32, #tpu.memory_space<hbm>>
      tpu.wait_indirect_dma semaphore(%arg8 : memref<!tpu.dma_semaphore, #tpu.memory_space<semaphore_mem>>) src(%dma_wait3A_346 : memref<1000000x32xf32, #tpu.memory_space<hbm>>) dst(%dma_wait3A_341 : memref<64x32xf32, #tpu.memory_space<vmem>>)
      %dma_wait3A_347 = arith.constant 13 : i32
      %dma_wait3A_348 = arith.constant 0 : i32
      %dma_wait3A_349 = arith.constant 0 : i32
      %dma_wait3A_350 = tpu.memref_slice %arg6[%dma_wait3A_347, %dma_wait3A_348, %dma_wait3A_349] : memref<20x64x32xf32, #tpu.memory_space<vmem>> -> memref<1x64x32xf32, #tpu.memory_space<vmem>>
      %dma_wait3A_351 = tpu.memref_squeeze %dma_wait3A_350 : memref<1x64x32xf32, #tpu.memory_space<vmem>> -> memref<64x32xf32, #tpu.memory_space<vmem>>
      %dma_wait3A_352 = arith.constant 832 : i32
      %dma_wait3A_353 = tpu.memref_slice %arg5[%dma_wait3A_352] : memref<25600xi32, #tpu.memory_space<vmem>> -> memref<64xi32, #tpu.memory_space<vmem>>
      %dma_wait3A_354 = arith.constant 0 : i32
      %dma_wait3A_355 = arith.constant 0 : i32
      %dma_wait3A_356 = tpu.memref_slice %arg3[%dma_wait3A_354, %dma_wait3A_355] : memref<1000000x32xf32, #tpu.memory_space<hbm>> -> memref<1000000x32xf32, #tpu.memory_space<hbm>>
      tpu.wait_indirect_dma semaphore(%arg8 : memref<!tpu.dma_semaphore, #tpu.memory_space<semaphore_mem>>) src(%dma_wait3A_356 : memref<1000000x32xf32, #tpu.memory_space<hbm>>) dst(%dma_wait3A_351 : memref<64x32xf32, #tpu.memory_space<vmem>>)
      %dma_wait3A_357 = arith.constant 14 : i32
      %dma_wait3A_358 = arith.constant 0 : i32
      %dma_wait3A_359 = arith.constant 0 : i32
      %dma_wait3A_360 = tpu.memref_slice %arg6[%dma_wait3A_357, %dma_wait3A_358, %dma_wait3A_359] : memref<20x64x32xf32, #tpu.memory_space<vmem>> -> memref<1x64x32xf32, #tpu.memory_space<vmem>>
      %dma_wait3A_361 = tpu.memref_squeeze %dma_wait3A_360 : memref<1x64x32xf32, #tpu.memory_space<vmem>> -> memref<64x32xf32, #tpu.memory_space<vmem>>
      %dma_wait3A_362 = arith.constant 896 : i32
      %dma_wait3A_363 = tpu.memref_slice %arg5[%dma_wait3A_362] : memref<25600xi32, #tpu.memory_space<vmem>> -> memref<64xi32, #tpu.memory_space<vmem>>
      %dma_wait3A_364 = arith.constant 0 : i32
      %dma_wait3A_365 = arith.constant 0 : i32
      %dma_wait3A_366 = tpu.memref_slice %arg3[%dma_wait3A_364, %dma_wait3A_365] : memref<1000000x32xf32, #tpu.memory_space<hbm>> -> memref<1000000x32xf32, #tpu.memory_space<hbm>>
      tpu.wait_indirect_dma semaphore(%arg8 : memref<!tpu.dma_semaphore, #tpu.memory_space<semaphore_mem>>) src(%dma_wait3A_366 : memref<1000000x32xf32, #tpu.memory_space<hbm>>) dst(%dma_wait3A_361 : memref<64x32xf32, #tpu.memory_space<vmem>>)
      %dma_wait3A_367 = arith.constant 15 : i32
      %dma_wait3A_368 = arith.constant 0 : i32
      %dma_wait3A_369 = arith.constant 0 : i32
      %dma_wait3A_370 = tpu.memref_slice %arg6[%dma_wait3A_367, %dma_wait3A_368, %dma_wait3A_369] : memref<20x64x32xf32, #tpu.memory_space<vmem>> -> memref<1x64x32xf32, #tpu.memory_space<vmem>>
      %dma_wait3A_371 = tpu.memref_squeeze %dma_wait3A_370 : memref<1x64x32xf32, #tpu.memory_space<vmem>> -> memref<64x32xf32, #tpu.memory_space<vmem>>
      %dma_wait3A_372 = arith.constant 960 : i32
      %dma_wait3A_373 = tpu.memref_slice %arg5[%dma_wait3A_372] : memref<25600xi32, #tpu.memory_space<vmem>> -> memref<64xi32, #tpu.memory_space<vmem>>
      %dma_wait3A_374 = arith.constant 0 : i32
      %dma_wait3A_375 = arith.constant 0 : i32
      %dma_wait3A_376 = tpu.memref_slice %arg3[%dma_wait3A_374, %dma_wait3A_375] : memref<1000000x32xf32, #tpu.memory_space<hbm>> -> memref<1000000x32xf32, #tpu.memory_space<hbm>>
      tpu.wait_indirect_dma semaphore(%arg8 : memref<!tpu.dma_semaphore, #tpu.memory_space<semaphore_mem>>) src(%dma_wait3A_376 : memref<1000000x32xf32, #tpu.memory_space<hbm>>) dst(%dma_wait3A_371 : memref<64x32xf32, #tpu.memory_space<vmem>>)
      %dma_wait3A_377 = arith.constant 16 : i32
      %dma_wait3A_378 = arith.constant 0 : i32
      %dma_wait3A_379 = arith.constant 0 : i32
      %dma_wait3A_380 = tpu.memref_slice %arg6[%dma_wait3A_377, %dma_wait3A_378, %dma_wait3A_379] : memref<20x64x32xf32, #tpu.memory_space<vmem>> -> memref<1x64x32xf32, #tpu.memory_space<vmem>>
      %dma_wait3A_381 = tpu.memref_squeeze %dma_wait3A_380 : memref<1x64x32xf32, #tpu.memory_space<vmem>> -> memref<64x32xf32, #tpu.memory_space<vmem>>
      %dma_wait3A_382 = arith.constant 1024 : i32
      %dma_wait3A_383 = tpu.memref_slice %arg5[%dma_wait3A_382] : memref<25600xi32, #tpu.memory_space<vmem>> -> memref<64xi32, #tpu.memory_space<vmem>>
      %dma_wait3A_384 = arith.constant 0 : i32
      %dma_wait3A_385 = arith.constant 0 : i32
      %dma_wait3A_386 = tpu.memref_slice %arg3[%dma_wait3A_384, %dma_wait3A_385] : memref<1000000x32xf32, #tpu.memory_space<hbm>> -> memref<1000000x32xf32, #tpu.memory_space<hbm>>
      tpu.wait_indirect_dma semaphore(%arg8 : memref<!tpu.dma_semaphore, #tpu.memory_space<semaphore_mem>>) src(%dma_wait3A_386 : memref<1000000x32xf32, #tpu.memory_space<hbm>>) dst(%dma_wait3A_381 : memref<64x32xf32, #tpu.memory_space<vmem>>)
      %dma_wait3A_387 = arith.constant 17 : i32
      %dma_wait3A_388 = arith.constant 0 : i32
      %dma_wait3A_389 = arith.constant 0 : i32
      %dma_wait3A_390 = tpu.memref_slice %arg6[%dma_wait3A_387, %dma_wait3A_388, %dma_wait3A_389] : memref<20x64x32xf32, #tpu.memory_space<vmem>> -> memref<1x64x32xf32, #tpu.memory_space<vmem>>
      %dma_wait3A_391 = tpu.memref_squeeze %dma_wait3A_390 : memref<1x64x32xf32, #tpu.memory_space<vmem>> -> memref<64x32xf32, #tpu.memory_space<vmem>>
      %dma_wait3A_392 = arith.constant 1088 : i32
      %dma_wait3A_393 = tpu.memref_slice %arg5[%dma_wait3A_392] : memref<25600xi32, #tpu.memory_space<vmem>> -> memref<64xi32, #tpu.memory_space<vmem>>
      %dma_wait3A_394 = arith.constant 0 : i32
      %dma_wait3A_395 = arith.constant 0 : i32
      %dma_wait3A_396 = tpu.memref_slice %arg3[%dma_wait3A_394, %dma_wait3A_395] : memref<1000000x32xf32, #tpu.memory_space<hbm>> -> memref<1000000x32xf32, #tpu.memory_space<hbm>>
      tpu.wait_indirect_dma semaphore(%arg8 : memref<!tpu.dma_semaphore, #tpu.memory_space<semaphore_mem>>) src(%dma_wait3A_396 : memref<1000000x32xf32, #tpu.memory_space<hbm>>) dst(%dma_wait3A_391 : memref<64x32xf32, #tpu.memory_space<vmem>>)
      %dma_wait3A_397 = arith.constant 18 : i32
      %dma_wait3A_398 = arith.constant 0 : i32
      %dma_wait3A_399 = arith.constant 0 : i32
      %dma_wait3A_400 = tpu.memref_slice %arg6[%dma_wait3A_397, %dma_wait3A_398, %dma_wait3A_399] : memref<20x64x32xf32, #tpu.memory_space<vmem>> -> memref<1x64x32xf32, #tpu.memory_space<vmem>>
      %dma_wait3A_401 = tpu.memref_squeeze %dma_wait3A_400 : memref<1x64x32xf32, #tpu.memory_space<vmem>> -> memref<64x32xf32, #tpu.memory_space<vmem>>
      %dma_wait3A_402 = arith.constant 1152 : i32
      %dma_wait3A_403 = tpu.memref_slice %arg5[%dma_wait3A_402] : memref<25600xi32, #tpu.memory_space<vmem>> -> memref<64xi32, #tpu.memory_space<vmem>>
      %dma_wait3A_404 = arith.constant 0 : i32
      %dma_wait3A_405 = arith.constant 0 : i32
      %dma_wait3A_406 = tpu.memref_slice %arg3[%dma_wait3A_404, %dma_wait3A_405] : memref<1000000x32xf32, #tpu.memory_space<hbm>> -> memref<1000000x32xf32, #tpu.memory_space<hbm>>
      tpu.wait_indirect_dma semaphore(%arg8 : memref<!tpu.dma_semaphore, #tpu.memory_space<semaphore_mem>>) src(%dma_wait3A_406 : memref<1000000x32xf32, #tpu.memory_space<hbm>>) dst(%dma_wait3A_401 : memref<64x32xf32, #tpu.memory_space<vmem>>)
      %dma_wait3A_407 = arith.constant 19 : i32
      %dma_wait3A_408 = arith.constant 0 : i32
      %dma_wait3A_409 = arith.constant 0 : i32
      %dma_wait3A_410 = tpu.memref_slice %arg6[%dma_wait3A_407, %dma_wait3A_408, %dma_wait3A_409] : memref<20x64x32xf32, #tpu.memory_space<vmem>> -> memref<1x64x32xf32, #tpu.memory_space<vmem>>
      %dma_wait3A_411 = tpu.memref_squeeze %dma_wait3A_410 : memref<1x64x32xf32, #tpu.memory_space<vmem>> -> memref<64x32xf32, #tpu.memory_space<vmem>>
      %dma_wait3A_412 = arith.constant 1216 : i32
      %dma_wait3A_413 = tpu.memref_slice %arg5[%dma_wait3A_412] : memref<25600xi32, #tpu.memory_space<vmem>> -> memref<64xi32, #tpu.memory_space<vmem>>
      %dma_wait3A_414 = arith.constant 0 : i32
      %dma_wait3A_415 = arith.constant 0 : i32
      %dma_wait3A_416 = tpu.memref_slice %arg3[%dma_wait3A_414, %dma_wait3A_415] : memref<1000000x32xf32, #tpu.memory_space<hbm>> -> memref<1000000x32xf32, #tpu.memory_space<hbm>>
      tpu.wait_indirect_dma semaphore(%arg8 : memref<!tpu.dma_semaphore, #tpu.memory_space<semaphore_mem>>) src(%dma_wait3A_416 : memref<1000000x32xf32, #tpu.memory_space<hbm>>) dst(%dma_wait3A_411 : memref<64x32xf32, #tpu.memory_space<vmem>>)
      %jit3A = arith.constant 64 : i32
      %div3A = arith.divsi %mul3A_2, %jit3A : i32
      %sign3A = arith.constant 0 : i32
      %sign3A_417 = arith.cmpi sgt, %mul3A_2, %sign3A : i32
      %sign3A_418 = arith.extui %sign3A_417 : i1 to i32
      %sign3A_419 = arith.constant 0 : i32
      %sign3A_420 = arith.cmpi slt, %mul3A_2, %sign3A_419 : i32
      %sign3A_421 = arith.extui %sign3A_420 : i1 to i32
      %sign3A_422 = arith.subi %sign3A_418, %sign3A_421 : i32
      %sign3A_423 = arith.constant 0 : i32
      %sign3A_424 = arith.cmpi sgt, %jit3A, %sign3A_423 : i32
      %sign3A_425 = arith.extui %sign3A_424 : i1 to i32
      %sign3A_426 = arith.constant 0 : i32
      %sign3A_427 = arith.cmpi slt, %jit3A, %sign3A_426 : i32
      %sign3A_428 = arith.extui %sign3A_427 : i1 to i32
      %sign3A_429 = arith.subi %sign3A_425, %sign3A_428 : i32
      %ne3A = arith.cmpi ne, %sign3A_422, %sign3A_429 : i32
      %rem3A = arith.remsi %mul3A_2, %jit3A : i32
      %ne3A_430 = arith.constant 0 : i32
      %ne3A_431 = arith.cmpi ne, %rem3A, %ne3A_430 : i32
      %and3A = arith.andi %ne3A, %ne3A_431 : i1
      %sub3A = arith.constant 1 : i32
      %sub3A_432 = arith.subi %div3A, %sub3A : i32
      %select_n3A = arith.select %and3A, %sub3A_432, %div3A : i32
      %mul3A_433 = arith.constant 20 : i32
      %mul3A_434 = arith.muli %add3A_213, %mul3A_433 : i32
      %add3A_435 = arith.addi %select_n3A, %mul3A_434 : i32
      "tpu.region"() ({
        %run_scoped3A = tpu.sem_alloc : memref<!tpu.dma_semaphore, #tpu.memory_space<semaphore_mem>>
        %dma_start3A_674 = arith.constant 0 : i32
        %dma_start3A_675 = arith.constant 0 : i32
        %dma_start3A_676 = tpu.memref_slice %arg4[%add3A_435, %dma_start3A_674, %dma_start3A_675] : memref<12800x64x32xf32, #tpu.memory_space<hbm>> -> memref<20x64x32xf32, #tpu.memory_space<hbm>>
        %dma_start3A_677 = arith.constant 0 : i32
        %dma_start3A_678 = arith.constant 0 : i32
        %dma_start3A_679 = tpu.memref_slice %arg4[%add3A_435, %dma_start3A_677, %dma_start3A_678] : memref<12800x64x32xf32, #tpu.memory_space<hbm>> -> memref<20x64x32xf32, #tpu.memory_space<hbm>>
        tpu.enqueue_dma source(%arg6 : memref<20x64x32xf32, #tpu.memory_space<vmem>>) target(%dma_start3A_679 : memref<20x64x32xf32, #tpu.memory_space<hbm>>) target_semaphore(%run_scoped3A : memref<!tpu.dma_semaphore, #tpu.memory_space<semaphore_mem>>)
        %dma_wait3A_680 = arith.constant 0 : i32
        %dma_wait3A_681 = arith.constant 0 : i32
        %dma_wait3A_682 = tpu.memref_slice %arg4[%add3A_435, %dma_wait3A_680, %dma_wait3A_681] : memref<12800x64x32xf32, #tpu.memory_space<hbm>> -> memref<20x64x32xf32, #tpu.memory_space<hbm>>
        %dma_wait3A_683 = arith.constant 0 : i32
        %dma_wait3A_684 = arith.constant 0 : i32
        %dma_wait3A_685 = tpu.memref_slice %arg4[%add3A_435, %dma_wait3A_683, %dma_wait3A_684] : memref<12800x64x32xf32, #tpu.memory_space<hbm>> -> memref<20x64x32xf32, #tpu.memory_space<hbm>>
        tpu.wait_dma2 semaphore(%run_scoped3A : memref<!tpu.dma_semaphore, #tpu.memory_space<semaphore_mem>>) src(%arg6 : memref<20x64x32xf32, #tpu.memory_space<vmem>>) dst(%dma_wait3A_685 : memref<20x64x32xf32, #tpu.memory_space<hbm>>)
        tpu.yield
      }) : () -> ()
      %mul3A_436 = arith.constant 2 : i32
      %mul3A_437 = arith.muli %mul3A_436, %scan3A_209 : i32
      %add3A_438 = arith.constant 1 : i32
      %add3A_439 = arith.addi %mul3A_437, %add3A_438 : i32
      %add3A_440 = arith.constant 1 : i32
      %add3A_441 = arith.addi %add3A_439, %add3A_440 : i32
      %lt3A_442 = arith.constant 20 : i32
      %lt3A_443 = arith.cmpi slt, %add3A_441, %lt3A_442 : i32
      %convert_element_type3A_444 = arith.extui %lt3A_443 : i1 to i32
      %cond3A_445 = arith.constant 0 : i32
      %cond3A_446 = arith.cmpi ne, %convert_element_type3A_444, %cond3A_445 : i32
      scf.if %cond3A_446 {
        %add3A_674 = arith.constant 1 : i32
        %add3A_675 = arith.addi %add3A_439, %add3A_674 : i32
        %mul3A_676 = arith.constant 1280 : i32
        %mul3A_677 = arith.muli %add3A_675, %mul3A_676 : i32
        %add3A_678 = arith.constant 0 : i32
        %add3A_679 = arith.addi %mul3A_677, %add3A_678 : i32
        %dma_start3A_680 = arith.constant 0 : i32
        %dma_start3A_681 = arith.constant 0 : i32
        %dma_start3A_682 = arith.constant 0 : i32
        %dma_start3A_683 = tpu.memref_slice %arg6[%dma_start3A_680, %dma_start3A_681, %dma_start3A_682] : memref<20x64x32xf32, #tpu.memory_space<vmem>> -> memref<1x64x32xf32, #tpu.memory_space<vmem>>
        %dma_start3A_684 = tpu.memref_squeeze %dma_start3A_683 : memref<1x64x32xf32, #tpu.memory_space<vmem>> -> memref<64x32xf32, #tpu.memory_space<vmem>>
        %dma_start3A_685 = tpu.memref_slice %arg5[%add3A_679] : memref<25600xi32, #tpu.memory_space<vmem>> -> memref<64xi32, #tpu.memory_space<vmem>>
        %dma_start3A_686 = arith.constant 0 : i32
        %dma_start3A_687 = arith.constant 0 : i32
        %dma_start3A_688 = tpu.memref_slice %arg3[%dma_start3A_686, %dma_start3A_687] : memref<1000000x32xf32, #tpu.memory_space<hbm>> -> memref<1000000x32xf32, #tpu.memory_space<hbm>>
        tpu.enqueue_indirect_dma source(%dma_start3A_688 : memref<1000000x32xf32, #tpu.memory_space<hbm>>) target(%dma_start3A_684 : memref<64x32xf32, #tpu.memory_space<vmem>>) offsets(%dma_start3A_685 : memref<64xi32, #tpu.memory_space<vmem>>) semaphore(%arg8 : memref<!tpu.dma_semaphore, #tpu.memory_space<semaphore_mem>>)
        %mul3A_689 = arith.constant 1280 : i32
        %mul3A_690 = arith.muli %add3A_675, %mul3A_689 : i32
        %add3A_691 = arith.constant 64 : i32
        %add3A_692 = arith.addi %mul3A_690, %add3A_691 : i32
        %dma_start3A_693 = arith.constant 1 : i32
        %dma_start3A_694 = arith.constant 0 : i32
        %dma_start3A_695 = arith.constant 0 : i32
        %dma_start3A_696 = tpu.memref_slice %arg6[%dma_start3A_693, %dma_start3A_694, %dma_start3A_695] : memref<20x64x32xf32, #tpu.memory_space<vmem>> -> memref<1x64x32xf32, #tpu.memory_space<vmem>>
        %dma_start3A_697 = tpu.memref_squeeze %dma_start3A_696 : memref<1x64x32xf32, #tpu.memory_space<vmem>> -> memref<64x32xf32, #tpu.memory_space<vmem>>
        %dma_start3A_698 = tpu.memref_slice %arg5[%add3A_692] : memref<25600xi32, #tpu.memory_space<vmem>> -> memref<64xi32, #tpu.memory_space<vmem>>
        %dma_start3A_699 = arith.constant 0 : i32
        %dma_start3A_700 = arith.constant 0 : i32
        %dma_start3A_701 = tpu.memref_slice %arg3[%dma_start3A_699, %dma_start3A_700] : memref<1000000x32xf32, #tpu.memory_space<hbm>> -> memref<1000000x32xf32, #tpu.memory_space<hbm>>
        tpu.enqueue_indirect_dma source(%dma_start3A_701 : memref<1000000x32xf32, #tpu.memory_space<hbm>>) target(%dma_start3A_697 : memref<64x32xf32, #tpu.memory_space<vmem>>) offsets(%dma_start3A_698 : memref<64xi32, #tpu.memory_space<vmem>>) semaphore(%arg8 : memref<!tpu.dma_semaphore, #tpu.memory_space<semaphore_mem>>)
        %mul3A_702 = arith.constant 1280 : i32
        %mul3A_703 = arith.muli %add3A_675, %mul3A_702 : i32
        %add3A_704 = arith.constant 128 : i32
        %add3A_705 = arith.addi %mul3A_703, %add3A_704 : i32
        %dma_start3A_706 = arith.constant 2 : i32
        %dma_start3A_707 = arith.constant 0 : i32
        %dma_start3A_708 = arith.constant 0 : i32
        %dma_start3A_709 = tpu.memref_slice %arg6[%dma_start3A_706, %dma_start3A_707, %dma_start3A_708] : memref<20x64x32xf32, #tpu.memory_space<vmem>> -> memref<1x64x32xf32, #tpu.memory_space<vmem>>
        %dma_start3A_710 = tpu.memref_squeeze %dma_start3A_709 : memref<1x64x32xf32, #tpu.memory_space<vmem>> -> memref<64x32xf32, #tpu.memory_space<vmem>>
        %dma_start3A_711 = tpu.memref_slice %arg5[%add3A_705] : memref<25600xi32, #tpu.memory_space<vmem>> -> memref<64xi32, #tpu.memory_space<vmem>>
        %dma_start3A_712 = arith.constant 0 : i32
        %dma_start3A_713 = arith.constant 0 : i32
        %dma_start3A_714 = tpu.memref_slice %arg3[%dma_start3A_712, %dma_start3A_713] : memref<1000000x32xf32, #tpu.memory_space<hbm>> -> memref<1000000x32xf32, #tpu.memory_space<hbm>>
        tpu.enqueue_indirect_dma source(%dma_start3A_714 : memref<1000000x32xf32, #tpu.memory_space<hbm>>) target(%dma_start3A_710 : memref<64x32xf32, #tpu.memory_space<vmem>>) offsets(%dma_start3A_711 : memref<64xi32, #tpu.memory_space<vmem>>) semaphore(%arg8 : memref<!tpu.dma_semaphore, #tpu.memory_space<semaphore_mem>>)
        %mul3A_715 = arith.constant 1280 : i32
        %mul3A_716 = arith.muli %add3A_675, %mul3A_715 : i32
        %add3A_717 = arith.constant 192 : i32
        %add3A_718 = arith.addi %mul3A_716, %add3A_717 : i32
        %dma_start3A_719 = arith.constant 3 : i32
        %dma_start3A_720 = arith.constant 0 : i32
        %dma_start3A_721 = arith.constant 0 : i32
        %dma_start3A_722 = tpu.memref_slice %arg6[%dma_start3A_719, %dma_start3A_720, %dma_start3A_721] : memref<20x64x32xf32, #tpu.memory_space<vmem>> -> memref<1x64x32xf32, #tpu.memory_space<vmem>>
        %dma_start3A_723 = tpu.memref_squeeze %dma_start3A_722 : memref<1x64x32xf32, #tpu.memory_space<vmem>> -> memref<64x32xf32, #tpu.memory_space<vmem>>
        %dma_start3A_724 = tpu.memref_slice %arg5[%add3A_718] : memref<25600xi32, #tpu.memory_space<vmem>> -> memref<64xi32, #tpu.memory_space<vmem>>
        %dma_start3A_725 = arith.constant 0 : i32
        %dma_start3A_726 = arith.constant 0 : i32
        %dma_start3A_727 = tpu.memref_slice %arg3[%dma_start3A_725, %dma_start3A_726] : memref<1000000x32xf32, #tpu.memory_space<hbm>> -> memref<1000000x32xf32, #tpu.memory_space<hbm>>
        tpu.enqueue_indirect_dma source(%dma_start3A_727 : memref<1000000x32xf32, #tpu.memory_space<hbm>>) target(%dma_start3A_723 : memref<64x32xf32, #tpu.memory_space<vmem>>) offsets(%dma_start3A_724 : memref<64xi32, #tpu.memory_space<vmem>>) semaphore(%arg8 : memref<!tpu.dma_semaphore, #tpu.memory_space<semaphore_mem>>)
        %mul3A_728 = arith.constant 1280 : i32
        %mul3A_729 = arith.muli %add3A_675, %mul3A_728 : i32
        %add3A_730 = arith.constant 256 : i32
        %add3A_731 = arith.addi %mul3A_729, %add3A_730 : i32
        %dma_start3A_732 = arith.constant 4 : i32
        %dma_start3A_733 = arith.constant 0 : i32
        %dma_start3A_734 = arith.constant 0 : i32
        %dma_start3A_735 = tpu.memref_slice %arg6[%dma_start3A_732, %dma_start3A_733, %dma_start3A_734] : memref<20x64x32xf32, #tpu.memory_space<vmem>> -> memref<1x64x32xf32, #tpu.memory_space<vmem>>
        %dma_start3A_736 = tpu.memref_squeeze %dma_start3A_735 : memref<1x64x32xf32, #tpu.memory_space<vmem>> -> memref<64x32xf32, #tpu.memory_space<vmem>>
        %dma_start3A_737 = tpu.memref_slice %arg5[%add3A_731] : memref<25600xi32, #tpu.memory_space<vmem>> -> memref<64xi32, #tpu.memory_space<vmem>>
        %dma_start3A_738 = arith.constant 0 : i32
        %dma_start3A_739 = arith.constant 0 : i32
        %dma_start3A_740 = tpu.memref_slice %arg3[%dma_start3A_738, %dma_start3A_739] : memref<1000000x32xf32, #tpu.memory_space<hbm>> -> memref<1000000x32xf32, #tpu.memory_space<hbm>>
        tpu.enqueue_indirect_dma source(%dma_start3A_740 : memref<1000000x32xf32, #tpu.memory_space<hbm>>) target(%dma_start3A_736 : memref<64x32xf32, #tpu.memory_space<vmem>>) offsets(%dma_start3A_737 : memref<64xi32, #tpu.memory_space<vmem>>) semaphore(%arg8 : memref<!tpu.dma_semaphore, #tpu.memory_space<semaphore_mem>>)
        %mul3A_741 = arith.constant 1280 : i32
        %mul3A_742 = arith.muli %add3A_675, %mul3A_741 : i32
        %add3A_743 = arith.constant 320 : i32
        %add3A_744 = arith.addi %mul3A_742, %add3A_743 : i32
        %dma_start3A_745 = arith.constant 5 : i32
        %dma_start3A_746 = arith.constant 0 : i32
        %dma_start3A_747 = arith.constant 0 : i32
        %dma_start3A_748 = tpu.memref_slice %arg6[%dma_start3A_745, %dma_start3A_746, %dma_start3A_747] : memref<20x64x32xf32, #tpu.memory_space<vmem>> -> memref<1x64x32xf32, #tpu.memory_space<vmem>>
        %dma_start3A_749 = tpu.memref_squeeze %dma_start3A_748 : memref<1x64x32xf32, #tpu.memory_space<vmem>> -> memref<64x32xf32, #tpu.memory_space<vmem>>
        %dma_start3A_750 = tpu.memref_slice %arg5[%add3A_744] : memref<25600xi32, #tpu.memory_space<vmem>> -> memref<64xi32, #tpu.memory_space<vmem>>
        %dma_start3A_751 = arith.constant 0 : i32
        %dma_start3A_752 = arith.constant 0 : i32
        %dma_start3A_753 = tpu.memref_slice %arg3[%dma_start3A_751, %dma_start3A_752] : memref<1000000x32xf32, #tpu.memory_space<hbm>> -> memref<1000000x32xf32, #tpu.memory_space<hbm>>
        tpu.enqueue_indirect_dma source(%dma_start3A_753 : memref<1000000x32xf32, #tpu.memory_space<hbm>>) target(%dma_start3A_749 : memref<64x32xf32, #tpu.memory_space<vmem>>) offsets(%dma_start3A_750 : memref<64xi32, #tpu.memory_space<vmem>>) semaphore(%arg8 : memref<!tpu.dma_semaphore, #tpu.memory_space<semaphore_mem>>)
        %mul3A_754 = arith.constant 1280 : i32
        %mul3A_755 = arith.muli %add3A_675, %mul3A_754 : i32
        %add3A_756 = arith.constant 384 : i32
        %add3A_757 = arith.addi %mul3A_755, %add3A_756 : i32
        %dma_start3A_758 = arith.constant 6 : i32
        %dma_start3A_759 = arith.constant 0 : i32
        %dma_start3A_760 = arith.constant 0 : i32
        %dma_start3A_761 = tpu.memref_slice %arg6[%dma_start3A_758, %dma_start3A_759, %dma_start3A_760] : memref<20x64x32xf32, #tpu.memory_space<vmem>> -> memref<1x64x32xf32, #tpu.memory_space<vmem>>
        %dma_start3A_762 = tpu.memref_squeeze %dma_start3A_761 : memref<1x64x32xf32, #tpu.memory_space<vmem>> -> memref<64x32xf32, #tpu.memory_space<vmem>>
        %dma_start3A_763 = tpu.memref_slice %arg5[%add3A_757] : memref<25600xi32, #tpu.memory_space<vmem>> -> memref<64xi32, #tpu.memory_space<vmem>>
        %dma_start3A_764 = arith.constant 0 : i32
        %dma_start3A_765 = arith.constant 0 : i32
        %dma_start3A_766 = tpu.memref_slice %arg3[%dma_start3A_764, %dma_start3A_765] : memref<1000000x32xf32, #tpu.memory_space<hbm>> -> memref<1000000x32xf32, #tpu.memory_space<hbm>>
        tpu.enqueue_indirect_dma source(%dma_start3A_766 : memref<1000000x32xf32, #tpu.memory_space<hbm>>) target(%dma_start3A_762 : memref<64x32xf32, #tpu.memory_space<vmem>>) offsets(%dma_start3A_763 : memref<64xi32, #tpu.memory_space<vmem>>) semaphore(%arg8 : memref<!tpu.dma_semaphore, #tpu.memory_space<semaphore_mem>>)
        %mul3A_767 = arith.constant 1280 : i32
        %mul3A_768 = arith.muli %add3A_675, %mul3A_767 : i32
        %add3A_769 = arith.constant 448 : i32
        %add3A_770 = arith.addi %mul3A_768, %add3A_769 : i32
        %dma_start3A_771 = arith.constant 7 : i32
        %dma_start3A_772 = arith.constant 0 : i32
        %dma_start3A_773 = arith.constant 0 : i32
        %dma_start3A_774 = tpu.memref_slice %arg6[%dma_start3A_771, %dma_start3A_772, %dma_start3A_773] : memref<20x64x32xf32, #tpu.memory_space<vmem>> -> memref<1x64x32xf32, #tpu.memory_space<vmem>>
        %dma_start3A_775 = tpu.memref_squeeze %dma_start3A_774 : memref<1x64x32xf32, #tpu.memory_space<vmem>> -> memref<64x32xf32, #tpu.memory_space<vmem>>
        %dma_start3A_776 = tpu.memref_slice %arg5[%add3A_770] : memref<25600xi32, #tpu.memory_space<vmem>> -> memref<64xi32, #tpu.memory_space<vmem>>
        %dma_start3A_777 = arith.constant 0 : i32
        %dma_start3A_778 = arith.constant 0 : i32
        %dma_start3A_779 = tpu.memref_slice %arg3[%dma_start3A_777, %dma_start3A_778] : memref<1000000x32xf32, #tpu.memory_space<hbm>> -> memref<1000000x32xf32, #tpu.memory_space<hbm>>
        tpu.enqueue_indirect_dma source(%dma_start3A_779 : memref<1000000x32xf32, #tpu.memory_space<hbm>>) target(%dma_start3A_775 : memref<64x32xf32, #tpu.memory_space<vmem>>) offsets(%dma_start3A_776 : memref<64xi32, #tpu.memory_space<vmem>>) semaphore(%arg8 : memref<!tpu.dma_semaphore, #tpu.memory_space<semaphore_mem>>)
        %mul3A_780 = arith.constant 1280 : i32
        %mul3A_781 = arith.muli %add3A_675, %mul3A_780 : i32
        %add3A_782 = arith.constant 512 : i32
        %add3A_783 = arith.addi %mul3A_781, %add3A_782 : i32
        %dma_start3A_784 = arith.constant 8 : i32
        %dma_start3A_785 = arith.constant 0 : i32
        %dma_start3A_786 = arith.constant 0 : i32
        %dma_start3A_787 = tpu.memref_slice %arg6[%dma_start3A_784, %dma_start3A_785, %dma_start3A_786] : memref<20x64x32xf32, #tpu.memory_space<vmem>> -> memref<1x64x32xf32, #tpu.memory_space<vmem>>
        %dma_start3A_788 = tpu.memref_squeeze %dma_start3A_787 : memref<1x64x32xf32, #tpu.memory_space<vmem>> -> memref<64x32xf32, #tpu.memory_space<vmem>>
        %dma_start3A_789 = tpu.memref_slice %arg5[%add3A_783] : memref<25600xi32, #tpu.memory_space<vmem>> -> memref<64xi32, #tpu.memory_space<vmem>>
        %dma_start3A_790 = arith.constant 0 : i32
        %dma_start3A_791 = arith.constant 0 : i32
        %dma_start3A_792 = tpu.memref_slice %arg3[%dma_start3A_790, %dma_start3A_791] : memref<1000000x32xf32, #tpu.memory_space<hbm>> -> memref<1000000x32xf32, #tpu.memory_space<hbm>>
        tpu.enqueue_indirect_dma source(%dma_start3A_792 : memref<1000000x32xf32, #tpu.memory_space<hbm>>) target(%dma_start3A_788 : memref<64x32xf32, #tpu.memory_space<vmem>>) offsets(%dma_start3A_789 : memref<64xi32, #tpu.memory_space<vmem>>) semaphore(%arg8 : memref<!tpu.dma_semaphore, #tpu.memory_space<semaphore_mem>>)
        %mul3A_793 = arith.constant 1280 : i32
        %mul3A_794 = arith.muli %add3A_675, %mul3A_793 : i32
        %add3A_795 = arith.constant 576 : i32
        %add3A_796 = arith.addi %mul3A_794, %add3A_795 : i32
        %dma_start3A_797 = arith.constant 9 : i32
        %dma_start3A_798 = arith.constant 0 : i32
        %dma_start3A_799 = arith.constant 0 : i32
        %dma_start3A_800 = tpu.memref_slice %arg6[%dma_start3A_797, %dma_start3A_798, %dma_start3A_799] : memref<20x64x32xf32, #tpu.memory_space<vmem>> -> memref<1x64x32xf32, #tpu.memory_space<vmem>>
        %dma_start3A_801 = tpu.memref_squeeze %dma_start3A_800 : memref<1x64x32xf32, #tpu.memory_space<vmem>> -> memref<64x32xf32, #tpu.memory_space<vmem>>
        %dma_start3A_802 = tpu.memref_slice %arg5[%add3A_796] : memref<25600xi32, #tpu.memory_space<vmem>> -> memref<64xi32, #tpu.memory_space<vmem>>
        %dma_start3A_803 = arith.constant 0 : i32
        %dma_start3A_804 = arith.constant 0 : i32
        %dma_start3A_805 = tpu.memref_slice %arg3[%dma_start3A_803, %dma_start3A_804] : memref<1000000x32xf32, #tpu.memory_space<hbm>> -> memref<1000000x32xf32, #tpu.memory_space<hbm>>
        tpu.enqueue_indirect_dma source(%dma_start3A_805 : memref<1000000x32xf32, #tpu.memory_space<hbm>>) target(%dma_start3A_801 : memref<64x32xf32, #tpu.memory_space<vmem>>) offsets(%dma_start3A_802 : memref<64xi32, #tpu.memory_space<vmem>>) semaphore(%arg8 : memref<!tpu.dma_semaphore, #tpu.memory_space<semaphore_mem>>)
        %mul3A_806 = arith.constant 1280 : i32
        %mul3A_807 = arith.muli %add3A_675, %mul3A_806 : i32
        %add3A_808 = arith.constant 640 : i32
        %add3A_809 = arith.addi %mul3A_807, %add3A_808 : i32
        %dma_start3A_810 = arith.constant 10 : i32
        %dma_start3A_811 = arith.constant 0 : i32
        %dma_start3A_812 = arith.constant 0 : i32
        %dma_start3A_813 = tpu.memref_slice %arg6[%dma_start3A_810, %dma_start3A_811, %dma_start3A_812] : memref<20x64x32xf32, #tpu.memory_space<vmem>> -> memref<1x64x32xf32, #tpu.memory_space<vmem>>
        %dma_start3A_814 = tpu.memref_squeeze %dma_start3A_813 : memref<1x64x32xf32, #tpu.memory_space<vmem>> -> memref<64x32xf32, #tpu.memory_space<vmem>>
        %dma_start3A_815 = tpu.memref_slice %arg5[%add3A_809] : memref<25600xi32, #tpu.memory_space<vmem>> -> memref<64xi32, #tpu.memory_space<vmem>>
        %dma_start3A_816 = arith.constant 0 : i32
        %dma_start3A_817 = arith.constant 0 : i32
        %dma_start3A_818 = tpu.memref_slice %arg3[%dma_start3A_816, %dma_start3A_817] : memref<1000000x32xf32, #tpu.memory_space<hbm>> -> memref<1000000x32xf32, #tpu.memory_space<hbm>>
        tpu.enqueue_indirect_dma source(%dma_start3A_818 : memref<1000000x32xf32, #tpu.memory_space<hbm>>) target(%dma_start3A_814 : memref<64x32xf32, #tpu.memory_space<vmem>>) offsets(%dma_start3A_815 : memref<64xi32, #tpu.memory_space<vmem>>) semaphore(%arg8 : memref<!tpu.dma_semaphore, #tpu.memory_space<semaphore_mem>>)
        %mul3A_819 = arith.constant 1280 : i32
        %mul3A_820 = arith.muli %add3A_675, %mul3A_819 : i32
        %add3A_821 = arith.constant 704 : i32
        %add3A_822 = arith.addi %mul3A_820, %add3A_821 : i32
        %dma_start3A_823 = arith.constant 11 : i32
        %dma_start3A_824 = arith.constant 0 : i32
        %dma_start3A_825 = arith.constant 0 : i32
        %dma_start3A_826 = tpu.memref_slice %arg6[%dma_start3A_823, %dma_start3A_824, %dma_start3A_825] : memref<20x64x32xf32, #tpu.memory_space<vmem>> -> memref<1x64x32xf32, #tpu.memory_space<vmem>>
        %dma_start3A_827 = tpu.memref_squeeze %dma_start3A_826 : memref<1x64x32xf32, #tpu.memory_space<vmem>> -> memref<64x32xf32, #tpu.memory_space<vmem>>
        %dma_start3A_828 = tpu.memref_slice %arg5[%add3A_822] : memref<25600xi32, #tpu.memory_space<vmem>> -> memref<64xi32, #tpu.memory_space<vmem>>
        %dma_start3A_829 = arith.constant 0 : i32
        %dma_start3A_830 = arith.constant 0 : i32
        %dma_start3A_831 = tpu.memref_slice %arg3[%dma_start3A_829, %dma_start3A_830] : memref<1000000x32xf32, #tpu.memory_space<hbm>> -> memref<1000000x32xf32, #tpu.memory_space<hbm>>
        tpu.enqueue_indirect_dma source(%dma_start3A_831 : memref<1000000x32xf32, #tpu.memory_space<hbm>>) target(%dma_start3A_827 : memref<64x32xf32, #tpu.memory_space<vmem>>) offsets(%dma_start3A_828 : memref<64xi32, #tpu.memory_space<vmem>>) semaphore(%arg8 : memref<!tpu.dma_semaphore, #tpu.memory_space<semaphore_mem>>)
        %mul3A_832 = arith.constant 1280 : i32
        %mul3A_833 = arith.muli %add3A_675, %mul3A_832 : i32
        %add3A_834 = arith.constant 768 : i32
        %add3A_835 = arith.addi %mul3A_833, %add3A_834 : i32
        %dma_start3A_836 = arith.constant 12 : i32
        %dma_start3A_837 = arith.constant 0 : i32
        %dma_start3A_838 = arith.constant 0 : i32
        %dma_start3A_839 = tpu.memref_slice %arg6[%dma_start3A_836, %dma_start3A_837, %dma_start3A_838] : memref<20x64x32xf32, #tpu.memory_space<vmem>> -> memref<1x64x32xf32, #tpu.memory_space<vmem>>
        %dma_start3A_840 = tpu.memref_squeeze %dma_start3A_839 : memref<1x64x32xf32, #tpu.memory_space<vmem>> -> memref<64x32xf32, #tpu.memory_space<vmem>>
        %dma_start3A_841 = tpu.memref_slice %arg5[%add3A_835] : memref<25600xi32, #tpu.memory_space<vmem>> -> memref<64xi32, #tpu.memory_space<vmem>>
        %dma_start3A_842 = arith.constant 0 : i32
        %dma_start3A_843 = arith.constant 0 : i32
        %dma_start3A_844 = tpu.memref_slice %arg3[%dma_start3A_842, %dma_start3A_843] : memref<1000000x32xf32, #tpu.memory_space<hbm>> -> memref<1000000x32xf32, #tpu.memory_space<hbm>>
        tpu.enqueue_indirect_dma source(%dma_start3A_844 : memref<1000000x32xf32, #tpu.memory_space<hbm>>) target(%dma_start3A_840 : memref<64x32xf32, #tpu.memory_space<vmem>>) offsets(%dma_start3A_841 : memref<64xi32, #tpu.memory_space<vmem>>) semaphore(%arg8 : memref<!tpu.dma_semaphore, #tpu.memory_space<semaphore_mem>>)
        %mul3A_845 = arith.constant 1280 : i32
        %mul3A_846 = arith.muli %add3A_675, %mul3A_845 : i32
        %add3A_847 = arith.constant 832 : i32
        %add3A_848 = arith.addi %mul3A_846, %add3A_847 : i32
        %dma_start3A_849 = arith.constant 13 : i32
        %dma_start3A_850 = arith.constant 0 : i32
        %dma_start3A_851 = arith.constant 0 : i32
        %dma_start3A_852 = tpu.memref_slice %arg6[%dma_start3A_849, %dma_start3A_850, %dma_start3A_851] : memref<20x64x32xf32, #tpu.memory_space<vmem>> -> memref<1x64x32xf32, #tpu.memory_space<vmem>>
        %dma_start3A_853 = tpu.memref_squeeze %dma_start3A_852 : memref<1x64x32xf32, #tpu.memory_space<vmem>> -> memref<64x32xf32, #tpu.memory_space<vmem>>
        %dma_start3A_854 = tpu.memref_slice %arg5[%add3A_848] : memref<25600xi32, #tpu.memory_space<vmem>> -> memref<64xi32, #tpu.memory_space<vmem>>
        %dma_start3A_855 = arith.constant 0 : i32
        %dma_start3A_856 = arith.constant 0 : i32
        %dma_start3A_857 = tpu.memref_slice %arg3[%dma_start3A_855, %dma_start3A_856] : memref<1000000x32xf32, #tpu.memory_space<hbm>> -> memref<1000000x32xf32, #tpu.memory_space<hbm>>
        tpu.enqueue_indirect_dma source(%dma_start3A_857 : memref<1000000x32xf32, #tpu.memory_space<hbm>>) target(%dma_start3A_853 : memref<64x32xf32, #tpu.memory_space<vmem>>) offsets(%dma_start3A_854 : memref<64xi32, #tpu.memory_space<vmem>>) semaphore(%arg8 : memref<!tpu.dma_semaphore, #tpu.memory_space<semaphore_mem>>)
        %mul3A_858 = arith.constant 1280 : i32
        %mul3A_859 = arith.muli %add3A_675, %mul3A_858 : i32
        %add3A_860 = arith.constant 896 : i32
        %add3A_861 = arith.addi %mul3A_859, %add3A_860 : i32
        %dma_start3A_862 = arith.constant 14 : i32
        %dma_start3A_863 = arith.constant 0 : i32
        %dma_start3A_864 = arith.constant 0 : i32
        %dma_start3A_865 = tpu.memref_slice %arg6[%dma_start3A_862, %dma_start3A_863, %dma_start3A_864] : memref<20x64x32xf32, #tpu.memory_space<vmem>> -> memref<1x64x32xf32, #tpu.memory_space<vmem>>
        %dma_start3A_866 = tpu.memref_squeeze %dma_start3A_865 : memref<1x64x32xf32, #tpu.memory_space<vmem>> -> memref<64x32xf32, #tpu.memory_space<vmem>>
        %dma_start3A_867 = tpu.memref_slice %arg5[%add3A_861] : memref<25600xi32, #tpu.memory_space<vmem>> -> memref<64xi32, #tpu.memory_space<vmem>>
        %dma_start3A_868 = arith.constant 0 : i32
        %dma_start3A_869 = arith.constant 0 : i32
        %dma_start3A_870 = tpu.memref_slice %arg3[%dma_start3A_868, %dma_start3A_869] : memref<1000000x32xf32, #tpu.memory_space<hbm>> -> memref<1000000x32xf32, #tpu.memory_space<hbm>>
        tpu.enqueue_indirect_dma source(%dma_start3A_870 : memref<1000000x32xf32, #tpu.memory_space<hbm>>) target(%dma_start3A_866 : memref<64x32xf32, #tpu.memory_space<vmem>>) offsets(%dma_start3A_867 : memref<64xi32, #tpu.memory_space<vmem>>) semaphore(%arg8 : memref<!tpu.dma_semaphore, #tpu.memory_space<semaphore_mem>>)
        %mul3A_871 = arith.constant 1280 : i32
        %mul3A_872 = arith.muli %add3A_675, %mul3A_871 : i32
        %add3A_873 = arith.constant 960 : i32
        %add3A_874 = arith.addi %mul3A_872, %add3A_873 : i32
        %dma_start3A_875 = arith.constant 15 : i32
        %dma_start3A_876 = arith.constant 0 : i32
        %dma_start3A_877 = arith.constant 0 : i32
        %dma_start3A_878 = tpu.memref_slice %arg6[%dma_start3A_875, %dma_start3A_876, %dma_start3A_877] : memref<20x64x32xf32, #tpu.memory_space<vmem>> -> memref<1x64x32xf32, #tpu.memory_space<vmem>>
        %dma_start3A_879 = tpu.memref_squeeze %dma_start3A_878 : memref<1x64x32xf32, #tpu.memory_space<vmem>> -> memref<64x32xf32, #tpu.memory_space<vmem>>
        %dma_start3A_880 = tpu.memref_slice %arg5[%add3A_874] : memref<25600xi32, #tpu.memory_space<vmem>> -> memref<64xi32, #tpu.memory_space<vmem>>
        %dma_start3A_881 = arith.constant 0 : i32
        %dma_start3A_882 = arith.constant 0 : i32
        %dma_start3A_883 = tpu.memref_slice %arg3[%dma_start3A_881, %dma_start3A_882] : memref<1000000x32xf32, #tpu.memory_space<hbm>> -> memref<1000000x32xf32, #tpu.memory_space<hbm>>
        tpu.enqueue_indirect_dma source(%dma_start3A_883 : memref<1000000x32xf32, #tpu.memory_space<hbm>>) target(%dma_start3A_879 : memref<64x32xf32, #tpu.memory_space<vmem>>) offsets(%dma_start3A_880 : memref<64xi32, #tpu.memory_space<vmem>>) semaphore(%arg8 : memref<!tpu.dma_semaphore, #tpu.memory_space<semaphore_mem>>)
        %mul3A_884 = arith.constant 1280 : i32
        %mul3A_885 = arith.muli %add3A_675, %mul3A_884 : i32
        %add3A_886 = arith.constant 1024 : i32
        %add3A_887 = arith.addi %mul3A_885, %add3A_886 : i32
        %dma_start3A_888 = arith.constant 16 : i32
        %dma_start3A_889 = arith.constant 0 : i32
        %dma_start3A_890 = arith.constant 0 : i32
        %dma_start3A_891 = tpu.memref_slice %arg6[%dma_start3A_888, %dma_start3A_889, %dma_start3A_890] : memref<20x64x32xf32, #tpu.memory_space<vmem>> -> memref<1x64x32xf32, #tpu.memory_space<vmem>>
        %dma_start3A_892 = tpu.memref_squeeze %dma_start3A_891 : memref<1x64x32xf32, #tpu.memory_space<vmem>> -> memref<64x32xf32, #tpu.memory_space<vmem>>
        %dma_start3A_893 = tpu.memref_slice %arg5[%add3A_887] : memref<25600xi32, #tpu.memory_space<vmem>> -> memref<64xi32, #tpu.memory_space<vmem>>
        %dma_start3A_894 = arith.constant 0 : i32
        %dma_start3A_895 = arith.constant 0 : i32
        %dma_start3A_896 = tpu.memref_slice %arg3[%dma_start3A_894, %dma_start3A_895] : memref<1000000x32xf32, #tpu.memory_space<hbm>> -> memref<1000000x32xf32, #tpu.memory_space<hbm>>
        tpu.enqueue_indirect_dma source(%dma_start3A_896 : memref<1000000x32xf32, #tpu.memory_space<hbm>>) target(%dma_start3A_892 : memref<64x32xf32, #tpu.memory_space<vmem>>) offsets(%dma_start3A_893 : memref<64xi32, #tpu.memory_space<vmem>>) semaphore(%arg8 : memref<!tpu.dma_semaphore, #tpu.memory_space<semaphore_mem>>)
        %mul3A_897 = arith.constant 1280 : i32
        %mul3A_898 = arith.muli %add3A_675, %mul3A_897 : i32
        %add3A_899 = arith.constant 1088 : i32
        %add3A_900 = arith.addi %mul3A_898, %add3A_899 : i32
        %dma_start3A_901 = arith.constant 17 : i32
        %dma_start3A_902 = arith.constant 0 : i32
        %dma_start3A_903 = arith.constant 0 : i32
        %dma_start3A_904 = tpu.memref_slice %arg6[%dma_start3A_901, %dma_start3A_902, %dma_start3A_903] : memref<20x64x32xf32, #tpu.memory_space<vmem>> -> memref<1x64x32xf32, #tpu.memory_space<vmem>>
        %dma_start3A_905 = tpu.memref_squeeze %dma_start3A_904 : memref<1x64x32xf32, #tpu.memory_space<vmem>> -> memref<64x32xf32, #tpu.memory_space<vmem>>
        %dma_start3A_906 = tpu.memref_slice %arg5[%add3A_900] : memref<25600xi32, #tpu.memory_space<vmem>> -> memref<64xi32, #tpu.memory_space<vmem>>
        %dma_start3A_907 = arith.constant 0 : i32
        %dma_start3A_908 = arith.constant 0 : i32
        %dma_start3A_909 = tpu.memref_slice %arg3[%dma_start3A_907, %dma_start3A_908] : memref<1000000x32xf32, #tpu.memory_space<hbm>> -> memref<1000000x32xf32, #tpu.memory_space<hbm>>
        tpu.enqueue_indirect_dma source(%dma_start3A_909 : memref<1000000x32xf32, #tpu.memory_space<hbm>>) target(%dma_start3A_905 : memref<64x32xf32, #tpu.memory_space<vmem>>) offsets(%dma_start3A_906 : memref<64xi32, #tpu.memory_space<vmem>>) semaphore(%arg8 : memref<!tpu.dma_semaphore, #tpu.memory_space<semaphore_mem>>)
        %mul3A_910 = arith.constant 1280 : i32
        %mul3A_911 = arith.muli %add3A_675, %mul3A_910 : i32
        %add3A_912 = arith.constant 1152 : i32
        %add3A_913 = arith.addi %mul3A_911, %add3A_912 : i32
        %dma_start3A_914 = arith.constant 18 : i32
        %dma_start3A_915 = arith.constant 0 : i32
        %dma_start3A_916 = arith.constant 0 : i32
        %dma_start3A_917 = tpu.memref_slice %arg6[%dma_start3A_914, %dma_start3A_915, %dma_start3A_916] : memref<20x64x32xf32, #tpu.memory_space<vmem>> -> memref<1x64x32xf32, #tpu.memory_space<vmem>>
        %dma_start3A_918 = tpu.memref_squeeze %dma_start3A_917 : memref<1x64x32xf32, #tpu.memory_space<vmem>> -> memref<64x32xf32, #tpu.memory_space<vmem>>
        %dma_start3A_919 = tpu.memref_slice %arg5[%add3A_913] : memref<25600xi32, #tpu.memory_space<vmem>> -> memref<64xi32, #tpu.memory_space<vmem>>
        %dma_start3A_920 = arith.constant 0 : i32
        %dma_start3A_921 = arith.constant 0 : i32
        %dma_start3A_922 = tpu.memref_slice %arg3[%dma_start3A_920, %dma_start3A_921] : memref<1000000x32xf32, #tpu.memory_space<hbm>> -> memref<1000000x32xf32, #tpu.memory_space<hbm>>
        tpu.enqueue_indirect_dma source(%dma_start3A_922 : memref<1000000x32xf32, #tpu.memory_space<hbm>>) target(%dma_start3A_918 : memref<64x32xf32, #tpu.memory_space<vmem>>) offsets(%dma_start3A_919 : memref<64xi32, #tpu.memory_space<vmem>>) semaphore(%arg8 : memref<!tpu.dma_semaphore, #tpu.memory_space<semaphore_mem>>)
        %mul3A_923 = arith.constant 1280 : i32
        %mul3A_924 = arith.muli %add3A_675, %mul3A_923 : i32
        %add3A_925 = arith.constant 1216 : i32
        %add3A_926 = arith.addi %mul3A_924, %add3A_925 : i32
        %dma_start3A_927 = arith.constant 19 : i32
        %dma_start3A_928 = arith.constant 0 : i32
        %dma_start3A_929 = arith.constant 0 : i32
        %dma_start3A_930 = tpu.memref_slice %arg6[%dma_start3A_927, %dma_start3A_928, %dma_start3A_929] : memref<20x64x32xf32, #tpu.memory_space<vmem>> -> memref<1x64x32xf32, #tpu.memory_space<vmem>>
        %dma_start3A_931 = tpu.memref_squeeze %dma_start3A_930 : memref<1x64x32xf32, #tpu.memory_space<vmem>> -> memref<64x32xf32, #tpu.memory_space<vmem>>
        %dma_start3A_932 = tpu.memref_slice %arg5[%add3A_926] : memref<25600xi32, #tpu.memory_space<vmem>> -> memref<64xi32, #tpu.memory_space<vmem>>
        %dma_start3A_933 = arith.constant 0 : i32
        %dma_start3A_934 = arith.constant 0 : i32
        %dma_start3A_935 = tpu.memref_slice %arg3[%dma_start3A_933, %dma_start3A_934] : memref<1000000x32xf32, #tpu.memory_space<hbm>> -> memref<1000000x32xf32, #tpu.memory_space<hbm>>
        tpu.enqueue_indirect_dma source(%dma_start3A_935 : memref<1000000x32xf32, #tpu.memory_space<hbm>>) target(%dma_start3A_931 : memref<64x32xf32, #tpu.memory_space<vmem>>) offsets(%dma_start3A_932 : memref<64xi32, #tpu.memory_space<vmem>>) semaphore(%arg8 : memref<!tpu.dma_semaphore, #tpu.memory_space<semaphore_mem>>)
      } else {
      }
      %dma_wait3A_447 = arith.constant 0 : i32
      %dma_wait3A_448 = arith.constant 0 : i32
      %dma_wait3A_449 = arith.constant 0 : i32
      %dma_wait3A_450 = tpu.memref_slice %arg7[%dma_wait3A_447, %dma_wait3A_448, %dma_wait3A_449] : memref<20x64x32xf32, #tpu.memory_space<vmem>> -> memref<1x64x32xf32, #tpu.memory_space<vmem>>
      %dma_wait3A_451 = tpu.memref_squeeze %dma_wait3A_450 : memref<1x64x32xf32, #tpu.memory_space<vmem>> -> memref<64x32xf32, #tpu.memory_space<vmem>>
      %dma_wait3A_452 = arith.constant 0 : i32
      %dma_wait3A_453 = tpu.memref_slice %arg5[%dma_wait3A_452] : memref<25600xi32, #tpu.memory_space<vmem>> -> memref<64xi32, #tpu.memory_space<vmem>>
      %dma_wait3A_454 = arith.constant 0 : i32
      %dma_wait3A_455 = arith.constant 0 : i32
      %dma_wait3A_456 = tpu.memref_slice %arg3[%dma_wait3A_454, %dma_wait3A_455] : memref<1000000x32xf32, #tpu.memory_space<hbm>> -> memref<1000000x32xf32, #tpu.memory_space<hbm>>
      tpu.wait_indirect_dma semaphore(%arg9 : memref<!tpu.dma_semaphore, #tpu.memory_space<semaphore_mem>>) src(%dma_wait3A_456 : memref<1000000x32xf32, #tpu.memory_space<hbm>>) dst(%dma_wait3A_451 : memref<64x32xf32, #tpu.memory_space<vmem>>)
      %dma_wait3A_457 = arith.constant 1 : i32
      %dma_wait3A_458 = arith.constant 0 : i32
      %dma_wait3A_459 = arith.constant 0 : i32
      %dma_wait3A_460 = tpu.memref_slice %arg7[%dma_wait3A_457, %dma_wait3A_458, %dma_wait3A_459] : memref<20x64x32xf32, #tpu.memory_space<vmem>> -> memref<1x64x32xf32, #tpu.memory_space<vmem>>
      %dma_wait3A_461 = tpu.memref_squeeze %dma_wait3A_460 : memref<1x64x32xf32, #tpu.memory_space<vmem>> -> memref<64x32xf32, #tpu.memory_space<vmem>>
      %dma_wait3A_462 = arith.constant 64 : i32
      %dma_wait3A_463 = tpu.memref_slice %arg5[%dma_wait3A_462] : memref<25600xi32, #tpu.memory_space<vmem>> -> memref<64xi32, #tpu.memory_space<vmem>>
      %dma_wait3A_464 = arith.constant 0 : i32
      %dma_wait3A_465 = arith.constant 0 : i32
      %dma_wait3A_466 = tpu.memref_slice %arg3[%dma_wait3A_464, %dma_wait3A_465] : memref<1000000x32xf32, #tpu.memory_space<hbm>> -> memref<1000000x32xf32, #tpu.memory_space<hbm>>
      tpu.wait_indirect_dma semaphore(%arg9 : memref<!tpu.dma_semaphore, #tpu.memory_space<semaphore_mem>>) src(%dma_wait3A_466 : memref<1000000x32xf32, #tpu.memory_space<hbm>>) dst(%dma_wait3A_461 : memref<64x32xf32, #tpu.memory_space<vmem>>)
      %dma_wait3A_467 = arith.constant 2 : i32
      %dma_wait3A_468 = arith.constant 0 : i32
      %dma_wait3A_469 = arith.constant 0 : i32
      %dma_wait3A_470 = tpu.memref_slice %arg7[%dma_wait3A_467, %dma_wait3A_468, %dma_wait3A_469] : memref<20x64x32xf32, #tpu.memory_space<vmem>> -> memref<1x64x32xf32, #tpu.memory_space<vmem>>
      %dma_wait3A_471 = tpu.memref_squeeze %dma_wait3A_470 : memref<1x64x32xf32, #tpu.memory_space<vmem>> -> memref<64x32xf32, #tpu.memory_space<vmem>>
      %dma_wait3A_472 = arith.constant 128 : i32
      %dma_wait3A_473 = tpu.memref_slice %arg5[%dma_wait3A_472] : memref<25600xi32, #tpu.memory_space<vmem>> -> memref<64xi32, #tpu.memory_space<vmem>>
      %dma_wait3A_474 = arith.constant 0 : i32
      %dma_wait3A_475 = arith.constant 0 : i32
      %dma_wait3A_476 = tpu.memref_slice %arg3[%dma_wait3A_474, %dma_wait3A_475] : memref<1000000x32xf32, #tpu.memory_space<hbm>> -> memref<1000000x32xf32, #tpu.memory_space<hbm>>
      tpu.wait_indirect_dma semaphore(%arg9 : memref<!tpu.dma_semaphore, #tpu.memory_space<semaphore_mem>>) src(%dma_wait3A_476 : memref<1000000x32xf32, #tpu.memory_space<hbm>>) dst(%dma_wait3A_471 : memref<64x32xf32, #tpu.memory_space<vmem>>)
      %dma_wait3A_477 = arith.constant 3 : i32
      %dma_wait3A_478 = arith.constant 0 : i32
      %dma_wait3A_479 = arith.constant 0 : i32
      %dma_wait3A_480 = tpu.memref_slice %arg7[%dma_wait3A_477, %dma_wait3A_478, %dma_wait3A_479] : memref<20x64x32xf32, #tpu.memory_space<vmem>> -> memref<1x64x32xf32, #tpu.memory_space<vmem>>
      %dma_wait3A_481 = tpu.memref_squeeze %dma_wait3A_480 : memref<1x64x32xf32, #tpu.memory_space<vmem>> -> memref<64x32xf32, #tpu.memory_space<vmem>>
      %dma_wait3A_482 = arith.constant 192 : i32
      %dma_wait3A_483 = tpu.memref_slice %arg5[%dma_wait3A_482] : memref<25600xi32, #tpu.memory_space<vmem>> -> memref<64xi32, #tpu.memory_space<vmem>>
      %dma_wait3A_484 = arith.constant 0 : i32
      %dma_wait3A_485 = arith.constant 0 : i32
      %dma_wait3A_486 = tpu.memref_slice %arg3[%dma_wait3A_484, %dma_wait3A_485] : memref<1000000x32xf32, #tpu.memory_space<hbm>> -> memref<1000000x32xf32, #tpu.memory_space<hbm>>
      tpu.wait_indirect_dma semaphore(%arg9 : memref<!tpu.dma_semaphore, #tpu.memory_space<semaphore_mem>>) src(%dma_wait3A_486 : memref<1000000x32xf32, #tpu.memory_space<hbm>>) dst(%dma_wait3A_481 : memref<64x32xf32, #tpu.memory_space<vmem>>)
      %dma_wait3A_487 = arith.constant 4 : i32
      %dma_wait3A_488 = arith.constant 0 : i32
      %dma_wait3A_489 = arith.constant 0 : i32
      %dma_wait3A_490 = tpu.memref_slice %arg7[%dma_wait3A_487, %dma_wait3A_488, %dma_wait3A_489] : memref<20x64x32xf32, #tpu.memory_space<vmem>> -> memref<1x64x32xf32, #tpu.memory_space<vmem>>
      %dma_wait3A_491 = tpu.memref_squeeze %dma_wait3A_490 : memref<1x64x32xf32, #tpu.memory_space<vmem>> -> memref<64x32xf32, #tpu.memory_space<vmem>>
      %dma_wait3A_492 = arith.constant 256 : i32
      %dma_wait3A_493 = tpu.memref_slice %arg5[%dma_wait3A_492] : memref<25600xi32, #tpu.memory_space<vmem>> -> memref<64xi32, #tpu.memory_space<vmem>>
      %dma_wait3A_494 = arith.constant 0 : i32
      %dma_wait3A_495 = arith.constant 0 : i32
      %dma_wait3A_496 = tpu.memref_slice %arg3[%dma_wait3A_494, %dma_wait3A_495] : memref<1000000x32xf32, #tpu.memory_space<hbm>> -> memref<1000000x32xf32, #tpu.memory_space<hbm>>
      tpu.wait_indirect_dma semaphore(%arg9 : memref<!tpu.dma_semaphore, #tpu.memory_space<semaphore_mem>>) src(%dma_wait3A_496 : memref<1000000x32xf32, #tpu.memory_space<hbm>>) dst(%dma_wait3A_491 : memref<64x32xf32, #tpu.memory_space<vmem>>)
      %dma_wait3A_497 = arith.constant 5 : i32
      %dma_wait3A_498 = arith.constant 0 : i32
      %dma_wait3A_499 = arith.constant 0 : i32
      %dma_wait3A_500 = tpu.memref_slice %arg7[%dma_wait3A_497, %dma_wait3A_498, %dma_wait3A_499] : memref<20x64x32xf32, #tpu.memory_space<vmem>> -> memref<1x64x32xf32, #tpu.memory_space<vmem>>
      %dma_wait3A_501 = tpu.memref_squeeze %dma_wait3A_500 : memref<1x64x32xf32, #tpu.memory_space<vmem>> -> memref<64x32xf32, #tpu.memory_space<vmem>>
      %dma_wait3A_502 = arith.constant 320 : i32
      %dma_wait3A_503 = tpu.memref_slice %arg5[%dma_wait3A_502] : memref<25600xi32, #tpu.memory_space<vmem>> -> memref<64xi32, #tpu.memory_space<vmem>>
      %dma_wait3A_504 = arith.constant 0 : i32
      %dma_wait3A_505 = arith.constant 0 : i32
      %dma_wait3A_506 = tpu.memref_slice %arg3[%dma_wait3A_504, %dma_wait3A_505] : memref<1000000x32xf32, #tpu.memory_space<hbm>> -> memref<1000000x32xf32, #tpu.memory_space<hbm>>
      tpu.wait_indirect_dma semaphore(%arg9 : memref<!tpu.dma_semaphore, #tpu.memory_space<semaphore_mem>>) src(%dma_wait3A_506 : memref<1000000x32xf32, #tpu.memory_space<hbm>>) dst(%dma_wait3A_501 : memref<64x32xf32, #tpu.memory_space<vmem>>)
      %dma_wait3A_507 = arith.constant 6 : i32
      %dma_wait3A_508 = arith.constant 0 : i32
      %dma_wait3A_509 = arith.constant 0 : i32
      %dma_wait3A_510 = tpu.memref_slice %arg7[%dma_wait3A_507, %dma_wait3A_508, %dma_wait3A_509] : memref<20x64x32xf32, #tpu.memory_space<vmem>> -> memref<1x64x32xf32, #tpu.memory_space<vmem>>
      %dma_wait3A_511 = tpu.memref_squeeze %dma_wait3A_510 : memref<1x64x32xf32, #tpu.memory_space<vmem>> -> memref<64x32xf32, #tpu.memory_space<vmem>>
      %dma_wait3A_512 = arith.constant 384 : i32
      %dma_wait3A_513 = tpu.memref_slice %arg5[%dma_wait3A_512] : memref<25600xi32, #tpu.memory_space<vmem>> -> memref<64xi32, #tpu.memory_space<vmem>>
      %dma_wait3A_514 = arith.constant 0 : i32
      %dma_wait3A_515 = arith.constant 0 : i32
      %dma_wait3A_516 = tpu.memref_slice %arg3[%dma_wait3A_514, %dma_wait3A_515] : memref<1000000x32xf32, #tpu.memory_space<hbm>> -> memref<1000000x32xf32, #tpu.memory_space<hbm>>
      tpu.wait_indirect_dma semaphore(%arg9 : memref<!tpu.dma_semaphore, #tpu.memory_space<semaphore_mem>>) src(%dma_wait3A_516 : memref<1000000x32xf32, #tpu.memory_space<hbm>>) dst(%dma_wait3A_511 : memref<64x32xf32, #tpu.memory_space<vmem>>)
      %dma_wait3A_517 = arith.constant 7 : i32
      %dma_wait3A_518 = arith.constant 0 : i32
      %dma_wait3A_519 = arith.constant 0 : i32
      %dma_wait3A_520 = tpu.memref_slice %arg7[%dma_wait3A_517, %dma_wait3A_518, %dma_wait3A_519] : memref<20x64x32xf32, #tpu.memory_space<vmem>> -> memref<1x64x32xf32, #tpu.memory_space<vmem>>
      %dma_wait3A_521 = tpu.memref_squeeze %dma_wait3A_520 : memref<1x64x32xf32, #tpu.memory_space<vmem>> -> memref<64x32xf32, #tpu.memory_space<vmem>>
      %dma_wait3A_522 = arith.constant 448 : i32
      %dma_wait3A_523 = tpu.memref_slice %arg5[%dma_wait3A_522] : memref<25600xi32, #tpu.memory_space<vmem>> -> memref<64xi32, #tpu.memory_space<vmem>>
      %dma_wait3A_524 = arith.constant 0 : i32
      %dma_wait3A_525 = arith.constant 0 : i32
      %dma_wait3A_526 = tpu.memref_slice %arg3[%dma_wait3A_524, %dma_wait3A_525] : memref<1000000x32xf32, #tpu.memory_space<hbm>> -> memref<1000000x32xf32, #tpu.memory_space<hbm>>
      tpu.wait_indirect_dma semaphore(%arg9 : memref<!tpu.dma_semaphore, #tpu.memory_space<semaphore_mem>>) src(%dma_wait3A_526 : memref<1000000x32xf32, #tpu.memory_space<hbm>>) dst(%dma_wait3A_521 : memref<64x32xf32, #tpu.memory_space<vmem>>)
      %dma_wait3A_527 = arith.constant 8 : i32
      %dma_wait3A_528 = arith.constant 0 : i32
      %dma_wait3A_529 = arith.constant 0 : i32
      %dma_wait3A_530 = tpu.memref_slice %arg7[%dma_wait3A_527, %dma_wait3A_528, %dma_wait3A_529] : memref<20x64x32xf32, #tpu.memory_space<vmem>> -> memref<1x64x32xf32, #tpu.memory_space<vmem>>
      %dma_wait3A_531 = tpu.memref_squeeze %dma_wait3A_530 : memref<1x64x32xf32, #tpu.memory_space<vmem>> -> memref<64x32xf32, #tpu.memory_space<vmem>>
      %dma_wait3A_532 = arith.constant 512 : i32
      %dma_wait3A_533 = tpu.memref_slice %arg5[%dma_wait3A_532] : memref<25600xi32, #tpu.memory_space<vmem>> -> memref<64xi32, #tpu.memory_space<vmem>>
      %dma_wait3A_534 = arith.constant 0 : i32
      %dma_wait3A_535 = arith.constant 0 : i32
      %dma_wait3A_536 = tpu.memref_slice %arg3[%dma_wait3A_534, %dma_wait3A_535] : memref<1000000x32xf32, #tpu.memory_space<hbm>> -> memref<1000000x32xf32, #tpu.memory_space<hbm>>
      tpu.wait_indirect_dma semaphore(%arg9 : memref<!tpu.dma_semaphore, #tpu.memory_space<semaphore_mem>>) src(%dma_wait3A_536 : memref<1000000x32xf32, #tpu.memory_space<hbm>>) dst(%dma_wait3A_531 : memref<64x32xf32, #tpu.memory_space<vmem>>)
      %dma_wait3A_537 = arith.constant 9 : i32
      %dma_wait3A_538 = arith.constant 0 : i32
      %dma_wait3A_539 = arith.constant 0 : i32
      %dma_wait3A_540 = tpu.memref_slice %arg7[%dma_wait3A_537, %dma_wait3A_538, %dma_wait3A_539] : memref<20x64x32xf32, #tpu.memory_space<vmem>> -> memref<1x64x32xf32, #tpu.memory_space<vmem>>
      %dma_wait3A_541 = tpu.memref_squeeze %dma_wait3A_540 : memref<1x64x32xf32, #tpu.memory_space<vmem>> -> memref<64x32xf32, #tpu.memory_space<vmem>>
      %dma_wait3A_542 = arith.constant 576 : i32
      %dma_wait3A_543 = tpu.memref_slice %arg5[%dma_wait3A_542] : memref<25600xi32, #tpu.memory_space<vmem>> -> memref<64xi32, #tpu.memory_space<vmem>>
      %dma_wait3A_544 = arith.constant 0 : i32
      %dma_wait3A_545 = arith.constant 0 : i32
      %dma_wait3A_546 = tpu.memref_slice %arg3[%dma_wait3A_544, %dma_wait3A_545] : memref<1000000x32xf32, #tpu.memory_space<hbm>> -> memref<1000000x32xf32, #tpu.memory_space<hbm>>
      tpu.wait_indirect_dma semaphore(%arg9 : memref<!tpu.dma_semaphore, #tpu.memory_space<semaphore_mem>>) src(%dma_wait3A_546 : memref<1000000x32xf32, #tpu.memory_space<hbm>>) dst(%dma_wait3A_541 : memref<64x32xf32, #tpu.memory_space<vmem>>)
      %dma_wait3A_547 = arith.constant 10 : i32
      %dma_wait3A_548 = arith.constant 0 : i32
      %dma_wait3A_549 = arith.constant 0 : i32
      %dma_wait3A_550 = tpu.memref_slice %arg7[%dma_wait3A_547, %dma_wait3A_548, %dma_wait3A_549] : memref<20x64x32xf32, #tpu.memory_space<vmem>> -> memref<1x64x32xf32, #tpu.memory_space<vmem>>
      %dma_wait3A_551 = tpu.memref_squeeze %dma_wait3A_550 : memref<1x64x32xf32, #tpu.memory_space<vmem>> -> memref<64x32xf32, #tpu.memory_space<vmem>>
      %dma_wait3A_552 = arith.constant 640 : i32
      %dma_wait3A_553 = tpu.memref_slice %arg5[%dma_wait3A_552] : memref<25600xi32, #tpu.memory_space<vmem>> -> memref<64xi32, #tpu.memory_space<vmem>>
      %dma_wait3A_554 = arith.constant 0 : i32
      %dma_wait3A_555 = arith.constant 0 : i32
      %dma_wait3A_556 = tpu.memref_slice %arg3[%dma_wait3A_554, %dma_wait3A_555] : memref<1000000x32xf32, #tpu.memory_space<hbm>> -> memref<1000000x32xf32, #tpu.memory_space<hbm>>
      tpu.wait_indirect_dma semaphore(%arg9 : memref<!tpu.dma_semaphore, #tpu.memory_space<semaphore_mem>>) src(%dma_wait3A_556 : memref<1000000x32xf32, #tpu.memory_space<hbm>>) dst(%dma_wait3A_551 : memref<64x32xf32, #tpu.memory_space<vmem>>)
      %dma_wait3A_557 = arith.constant 11 : i32
      %dma_wait3A_558 = arith.constant 0 : i32
      %dma_wait3A_559 = arith.constant 0 : i32
      %dma_wait3A_560 = tpu.memref_slice %arg7[%dma_wait3A_557, %dma_wait3A_558, %dma_wait3A_559] : memref<20x64x32xf32, #tpu.memory_space<vmem>> -> memref<1x64x32xf32, #tpu.memory_space<vmem>>
      %dma_wait3A_561 = tpu.memref_squeeze %dma_wait3A_560 : memref<1x64x32xf32, #tpu.memory_space<vmem>> -> memref<64x32xf32, #tpu.memory_space<vmem>>
      %dma_wait3A_562 = arith.constant 704 : i32
      %dma_wait3A_563 = tpu.memref_slice %arg5[%dma_wait3A_562] : memref<25600xi32, #tpu.memory_space<vmem>> -> memref<64xi32, #tpu.memory_space<vmem>>
      %dma_wait3A_564 = arith.constant 0 : i32
      %dma_wait3A_565 = arith.constant 0 : i32
      %dma_wait3A_566 = tpu.memref_slice %arg3[%dma_wait3A_564, %dma_wait3A_565] : memref<1000000x32xf32, #tpu.memory_space<hbm>> -> memref<1000000x32xf32, #tpu.memory_space<hbm>>
      tpu.wait_indirect_dma semaphore(%arg9 : memref<!tpu.dma_semaphore, #tpu.memory_space<semaphore_mem>>) src(%dma_wait3A_566 : memref<1000000x32xf32, #tpu.memory_space<hbm>>) dst(%dma_wait3A_561 : memref<64x32xf32, #tpu.memory_space<vmem>>)
      %dma_wait3A_567 = arith.constant 12 : i32
      %dma_wait3A_568 = arith.constant 0 : i32
      %dma_wait3A_569 = arith.constant 0 : i32
      %dma_wait3A_570 = tpu.memref_slice %arg7[%dma_wait3A_567, %dma_wait3A_568, %dma_wait3A_569] : memref<20x64x32xf32, #tpu.memory_space<vmem>> -> memref<1x64x32xf32, #tpu.memory_space<vmem>>
      %dma_wait3A_571 = tpu.memref_squeeze %dma_wait3A_570 : memref<1x64x32xf32, #tpu.memory_space<vmem>> -> memref<64x32xf32, #tpu.memory_space<vmem>>
      %dma_wait3A_572 = arith.constant 768 : i32
      %dma_wait3A_573 = tpu.memref_slice %arg5[%dma_wait3A_572] : memref<25600xi32, #tpu.memory_space<vmem>> -> memref<64xi32, #tpu.memory_space<vmem>>
      %dma_wait3A_574 = arith.constant 0 : i32
      %dma_wait3A_575 = arith.constant 0 : i32
      %dma_wait3A_576 = tpu.memref_slice %arg3[%dma_wait3A_574, %dma_wait3A_575] : memref<1000000x32xf32, #tpu.memory_space<hbm>> -> memref<1000000x32xf32, #tpu.memory_space<hbm>>
      tpu.wait_indirect_dma semaphore(%arg9 : memref<!tpu.dma_semaphore, #tpu.memory_space<semaphore_mem>>) src(%dma_wait3A_576 : memref<1000000x32xf32, #tpu.memory_space<hbm>>) dst(%dma_wait3A_571 : memref<64x32xf32, #tpu.memory_space<vmem>>)
      %dma_wait3A_577 = arith.constant 13 : i32
      %dma_wait3A_578 = arith.constant 0 : i32
      %dma_wait3A_579 = arith.constant 0 : i32
      %dma_wait3A_580 = tpu.memref_slice %arg7[%dma_wait3A_577, %dma_wait3A_578, %dma_wait3A_579] : memref<20x64x32xf32, #tpu.memory_space<vmem>> -> memref<1x64x32xf32, #tpu.memory_space<vmem>>
      %dma_wait3A_581 = tpu.memref_squeeze %dma_wait3A_580 : memref<1x64x32xf32, #tpu.memory_space<vmem>> -> memref<64x32xf32, #tpu.memory_space<vmem>>
      %dma_wait3A_582 = arith.constant 832 : i32
      %dma_wait3A_583 = tpu.memref_slice %arg5[%dma_wait3A_582] : memref<25600xi32, #tpu.memory_space<vmem>> -> memref<64xi32, #tpu.memory_space<vmem>>
      %dma_wait3A_584 = arith.constant 0 : i32
      %dma_wait3A_585 = arith.constant 0 : i32
      %dma_wait3A_586 = tpu.memref_slice %arg3[%dma_wait3A_584, %dma_wait3A_585] : memref<1000000x32xf32, #tpu.memory_space<hbm>> -> memref<1000000x32xf32, #tpu.memory_space<hbm>>
      tpu.wait_indirect_dma semaphore(%arg9 : memref<!tpu.dma_semaphore, #tpu.memory_space<semaphore_mem>>) src(%dma_wait3A_586 : memref<1000000x32xf32, #tpu.memory_space<hbm>>) dst(%dma_wait3A_581 : memref<64x32xf32, #tpu.memory_space<vmem>>)
      %dma_wait3A_587 = arith.constant 14 : i32
      %dma_wait3A_588 = arith.constant 0 : i32
      %dma_wait3A_589 = arith.constant 0 : i32
      %dma_wait3A_590 = tpu.memref_slice %arg7[%dma_wait3A_587, %dma_wait3A_588, %dma_wait3A_589] : memref<20x64x32xf32, #tpu.memory_space<vmem>> -> memref<1x64x32xf32, #tpu.memory_space<vmem>>
      %dma_wait3A_591 = tpu.memref_squeeze %dma_wait3A_590 : memref<1x64x32xf32, #tpu.memory_space<vmem>> -> memref<64x32xf32, #tpu.memory_space<vmem>>
      %dma_wait3A_592 = arith.constant 896 : i32
      %dma_wait3A_593 = tpu.memref_slice %arg5[%dma_wait3A_592] : memref<25600xi32, #tpu.memory_space<vmem>> -> memref<64xi32, #tpu.memory_space<vmem>>
      %dma_wait3A_594 = arith.constant 0 : i32
      %dma_wait3A_595 = arith.constant 0 : i32
      %dma_wait3A_596 = tpu.memref_slice %arg3[%dma_wait3A_594, %dma_wait3A_595] : memref<1000000x32xf32, #tpu.memory_space<hbm>> -> memref<1000000x32xf32, #tpu.memory_space<hbm>>
      tpu.wait_indirect_dma semaphore(%arg9 : memref<!tpu.dma_semaphore, #tpu.memory_space<semaphore_mem>>) src(%dma_wait3A_596 : memref<1000000x32xf32, #tpu.memory_space<hbm>>) dst(%dma_wait3A_591 : memref<64x32xf32, #tpu.memory_space<vmem>>)
      %dma_wait3A_597 = arith.constant 15 : i32
      %dma_wait3A_598 = arith.constant 0 : i32
      %dma_wait3A_599 = arith.constant 0 : i32
      %dma_wait3A_600 = tpu.memref_slice %arg7[%dma_wait3A_597, %dma_wait3A_598, %dma_wait3A_599] : memref<20x64x32xf32, #tpu.memory_space<vmem>> -> memref<1x64x32xf32, #tpu.memory_space<vmem>>
      %dma_wait3A_601 = tpu.memref_squeeze %dma_wait3A_600 : memref<1x64x32xf32, #tpu.memory_space<vmem>> -> memref<64x32xf32, #tpu.memory_space<vmem>>
      %dma_wait3A_602 = arith.constant 960 : i32
      %dma_wait3A_603 = tpu.memref_slice %arg5[%dma_wait3A_602] : memref<25600xi32, #tpu.memory_space<vmem>> -> memref<64xi32, #tpu.memory_space<vmem>>
      %dma_wait3A_604 = arith.constant 0 : i32
      %dma_wait3A_605 = arith.constant 0 : i32
      %dma_wait3A_606 = tpu.memref_slice %arg3[%dma_wait3A_604, %dma_wait3A_605] : memref<1000000x32xf32, #tpu.memory_space<hbm>> -> memref<1000000x32xf32, #tpu.memory_space<hbm>>
      tpu.wait_indirect_dma semaphore(%arg9 : memref<!tpu.dma_semaphore, #tpu.memory_space<semaphore_mem>>) src(%dma_wait3A_606 : memref<1000000x32xf32, #tpu.memory_space<hbm>>) dst(%dma_wait3A_601 : memref<64x32xf32, #tpu.memory_space<vmem>>)
      %dma_wait3A_607 = arith.constant 16 : i32
      %dma_wait3A_608 = arith.constant 0 : i32
      %dma_wait3A_609 = arith.constant 0 : i32
      %dma_wait3A_610 = tpu.memref_slice %arg7[%dma_wait3A_607, %dma_wait3A_608, %dma_wait3A_609] : memref<20x64x32xf32, #tpu.memory_space<vmem>> -> memref<1x64x32xf32, #tpu.memory_space<vmem>>
      %dma_wait3A_611 = tpu.memref_squeeze %dma_wait3A_610 : memref<1x64x32xf32, #tpu.memory_space<vmem>> -> memref<64x32xf32, #tpu.memory_space<vmem>>
      %dma_wait3A_612 = arith.constant 1024 : i32
      %dma_wait3A_613 = tpu.memref_slice %arg5[%dma_wait3A_612] : memref<25600xi32, #tpu.memory_space<vmem>> -> memref<64xi32, #tpu.memory_space<vmem>>
      %dma_wait3A_614 = arith.constant 0 : i32
      %dma_wait3A_615 = arith.constant 0 : i32
      %dma_wait3A_616 = tpu.memref_slice %arg3[%dma_wait3A_614, %dma_wait3A_615] : memref<1000000x32xf32, #tpu.memory_space<hbm>> -> memref<1000000x32xf32, #tpu.memory_space<hbm>>
      tpu.wait_indirect_dma semaphore(%arg9 : memref<!tpu.dma_semaphore, #tpu.memory_space<semaphore_mem>>) src(%dma_wait3A_616 : memref<1000000x32xf32, #tpu.memory_space<hbm>>) dst(%dma_wait3A_611 : memref<64x32xf32, #tpu.memory_space<vmem>>)
      %dma_wait3A_617 = arith.constant 17 : i32
      %dma_wait3A_618 = arith.constant 0 : i32
      %dma_wait3A_619 = arith.constant 0 : i32
      %dma_wait3A_620 = tpu.memref_slice %arg7[%dma_wait3A_617, %dma_wait3A_618, %dma_wait3A_619] : memref<20x64x32xf32, #tpu.memory_space<vmem>> -> memref<1x64x32xf32, #tpu.memory_space<vmem>>
      %dma_wait3A_621 = tpu.memref_squeeze %dma_wait3A_620 : memref<1x64x32xf32, #tpu.memory_space<vmem>> -> memref<64x32xf32, #tpu.memory_space<vmem>>
      %dma_wait3A_622 = arith.constant 1088 : i32
      %dma_wait3A_623 = tpu.memref_slice %arg5[%dma_wait3A_622] : memref<25600xi32, #tpu.memory_space<vmem>> -> memref<64xi32, #tpu.memory_space<vmem>>
      %dma_wait3A_624 = arith.constant 0 : i32
      %dma_wait3A_625 = arith.constant 0 : i32
      %dma_wait3A_626 = tpu.memref_slice %arg3[%dma_wait3A_624, %dma_wait3A_625] : memref<1000000x32xf32, #tpu.memory_space<hbm>> -> memref<1000000x32xf32, #tpu.memory_space<hbm>>
      tpu.wait_indirect_dma semaphore(%arg9 : memref<!tpu.dma_semaphore, #tpu.memory_space<semaphore_mem>>) src(%dma_wait3A_626 : memref<1000000x32xf32, #tpu.memory_space<hbm>>) dst(%dma_wait3A_621 : memref<64x32xf32, #tpu.memory_space<vmem>>)
      %dma_wait3A_627 = arith.constant 18 : i32
      %dma_wait3A_628 = arith.constant 0 : i32
      %dma_wait3A_629 = arith.constant 0 : i32
      %dma_wait3A_630 = tpu.memref_slice %arg7[%dma_wait3A_627, %dma_wait3A_628, %dma_wait3A_629] : memref<20x64x32xf32, #tpu.memory_space<vmem>> -> memref<1x64x32xf32, #tpu.memory_space<vmem>>
      %dma_wait3A_631 = tpu.memref_squeeze %dma_wait3A_630 : memref<1x64x32xf32, #tpu.memory_space<vmem>> -> memref<64x32xf32, #tpu.memory_space<vmem>>
      %dma_wait3A_632 = arith.constant 1152 : i32
      %dma_wait3A_633 = tpu.memref_slice %arg5[%dma_wait3A_632] : memref<25600xi32, #tpu.memory_space<vmem>> -> memref<64xi32, #tpu.memory_space<vmem>>
      %dma_wait3A_634 = arith.constant 0 : i32
      %dma_wait3A_635 = arith.constant 0 : i32
      %dma_wait3A_636 = tpu.memref_slice %arg3[%dma_wait3A_634, %dma_wait3A_635] : memref<1000000x32xf32, #tpu.memory_space<hbm>> -> memref<1000000x32xf32, #tpu.memory_space<hbm>>
      tpu.wait_indirect_dma semaphore(%arg9 : memref<!tpu.dma_semaphore, #tpu.memory_space<semaphore_mem>>) src(%dma_wait3A_636 : memref<1000000x32xf32, #tpu.memory_space<hbm>>) dst(%dma_wait3A_631 : memref<64x32xf32, #tpu.memory_space<vmem>>)
      %dma_wait3A_637 = arith.constant 19 : i32
      %dma_wait3A_638 = arith.constant 0 : i32
      %dma_wait3A_639 = arith.constant 0 : i32
      %dma_wait3A_640 = tpu.memref_slice %arg7[%dma_wait3A_637, %dma_wait3A_638, %dma_wait3A_639] : memref<20x64x32xf32, #tpu.memory_space<vmem>> -> memref<1x64x32xf32, #tpu.memory_space<vmem>>
      %dma_wait3A_641 = tpu.memref_squeeze %dma_wait3A_640 : memref<1x64x32xf32, #tpu.memory_space<vmem>> -> memref<64x32xf32, #tpu.memory_space<vmem>>
      %dma_wait3A_642 = arith.constant 1216 : i32
      %dma_wait3A_643 = tpu.memref_slice %arg5[%dma_wait3A_642] : memref<25600xi32, #tpu.memory_space<vmem>> -> memref<64xi32, #tpu.memory_space<vmem>>
      %dma_wait3A_644 = arith.constant 0 : i32
      %dma_wait3A_645 = arith.constant 0 : i32
      %dma_wait3A_646 = tpu.memref_slice %arg3[%dma_wait3A_644, %dma_wait3A_645] : memref<1000000x32xf32, #tpu.memory_space<hbm>> -> memref<1000000x32xf32, #tpu.memory_space<hbm>>
      tpu.wait_indirect_dma semaphore(%arg9 : memref<!tpu.dma_semaphore, #tpu.memory_space<semaphore_mem>>) src(%dma_wait3A_646 : memref<1000000x32xf32, #tpu.memory_space<hbm>>) dst(%dma_wait3A_641 : memref<64x32xf32, #tpu.memory_space<vmem>>)
      %jit3A_647 = arith.constant 64 : i32
      %div3A_648 = arith.divsi %mul3A_2, %jit3A_647 : i32
      %sign3A_649 = arith.constant 0 : i32
      %sign3A_650 = arith.cmpi sgt, %mul3A_2, %sign3A_649 : i32
      %sign3A_651 = arith.extui %sign3A_650 : i1 to i32
      %sign3A_652 = arith.constant 0 : i32
      %sign3A_653 = arith.cmpi slt, %mul3A_2, %sign3A_652 : i32
      %sign3A_654 = arith.extui %sign3A_653 : i1 to i32
      %sign3A_655 = arith.subi %sign3A_651, %sign3A_654 : i32
      %sign3A_656 = arith.constant 0 : i32
      %sign3A_657 = arith.cmpi sgt, %jit3A_647, %sign3A_656 : i32
      %sign3A_658 = arith.extui %sign3A_657 : i1 to i32
      %sign3A_659 = arith.constant 0 : i32
      %sign3A_660 = arith.cmpi slt, %jit3A_647, %sign3A_659 : i32
      %sign3A_661 = arith.extui %sign3A_660 : i1 to i32
      %sign3A_662 = arith.subi %sign3A_658, %sign3A_661 : i32
      %ne3A_663 = arith.cmpi ne, %sign3A_655, %sign3A_662 : i32
      %rem3A_664 = arith.remsi %mul3A_2, %jit3A_647 : i32
      %ne3A_665 = arith.constant 0 : i32
      %ne3A_666 = arith.cmpi ne, %rem3A_664, %ne3A_665 : i32
      %and3A_667 = arith.andi %ne3A_663, %ne3A_666 : i1
      %sub3A_668 = arith.constant 1 : i32
      %sub3A_669 = arith.subi %div3A_648, %sub3A_668 : i32
      %select_n3A_670 = arith.select %and3A_667, %sub3A_669, %div3A_648 : i32
      %mul3A_671 = arith.constant 20 : i32
      %mul3A_672 = arith.muli %add3A_439, %mul3A_671 : i32
      %add3A_673 = arith.addi %select_n3A_670, %mul3A_672 : i32
      "tpu.region"() ({
        %run_scoped3A = tpu.sem_alloc : memref<!tpu.dma_semaphore, #tpu.memory_space<semaphore_mem>>
        %dma_start3A_674 = arith.constant 0 : i32
        %dma_start3A_675 = arith.constant 0 : i32
        %dma_start3A_676 = tpu.memref_slice %arg4[%add3A_673, %dma_start3A_674, %dma_start3A_675] : memref<12800x64x32xf32, #tpu.memory_space<hbm>> -> memref<20x64x32xf32, #tpu.memory_space<hbm>>
        %dma_start3A_677 = arith.constant 0 : i32
        %dma_start3A_678 = arith.constant 0 : i32
        %dma_start3A_679 = tpu.memref_slice %arg4[%add3A_673, %dma_start3A_677, %dma_start3A_678] : memref<12800x64x32xf32, #tpu.memory_space<hbm>> -> memref<20x64x32xf32, #tpu.memory_space<hbm>>
        tpu.enqueue_dma source(%arg7 : memref<20x64x32xf32, #tpu.memory_space<vmem>>) target(%dma_start3A_679 : memref<20x64x32xf32, #tpu.memory_space<hbm>>) target_semaphore(%run_scoped3A : memref<!tpu.dma_semaphore, #tpu.memory_space<semaphore_mem>>)
        %dma_wait3A_680 = arith.constant 0 : i32
        %dma_wait3A_681 = arith.constant 0 : i32
        %dma_wait3A_682 = tpu.memref_slice %arg4[%add3A_673, %dma_wait3A_680, %dma_wait3A_681] : memref<12800x64x32xf32, #tpu.memory_space<hbm>> -> memref<20x64x32xf32, #tpu.memory_space<hbm>>
        %dma_wait3A_683 = arith.constant 0 : i32
        %dma_wait3A_684 = arith.constant 0 : i32
        %dma_wait3A_685 = tpu.memref_slice %arg4[%add3A_673, %dma_wait3A_683, %dma_wait3A_684] : memref<12800x64x32xf32, #tpu.memory_space<hbm>> -> memref<20x64x32xf32, #tpu.memory_space<hbm>>
        tpu.wait_dma2 semaphore(%run_scoped3A : memref<!tpu.dma_semaphore, #tpu.memory_space<semaphore_mem>>) src(%arg7 : memref<20x64x32xf32, #tpu.memory_space<vmem>>) dst(%dma_wait3A_685 : memref<20x64x32xf32, #tpu.memory_space<hbm>>)
        tpu.yield
      }) : () -> ()
    }
    %scan3A_208 = arith.constant 10 : i32
    return
  }
}

</mosaic_0001>

<sc_bundles>
// kernel: _sc_gather.3.cloned.1.call-start
scs
__scs_entry_jumppad:
0x0: {  	(pc) =	sbr.rel $0x88, $3  }
0x1: {  	(tag) =	ssettag $0x0;
	lr =	simm.s32 $0x1  }
0x2: {  	[smem:$0x3F9F] =	sst lr;
	_ =	strace $0xD0000000  }
0x3: {  	_ = 	snop  }
0x4: {  	_ = 	snop  }
0x5: {  	_ = 	snop  }
0x6: {  	_ = 	snop  }
0x7: {  	_ = 	snop  }
__scs_overlays_trampoline_lowered:
0x8: {  	[smem:$0x3FAE] =	sst s0  }
0x9: {  	[smem:$0x3FAF] =	sst s1  }
0xa: {  	[smem:$0x3FB0] =	sst s2  }
0xb: {  	[smem:$0x3FB1] =	sst s3  }
0xc: {  	[smem:$0x3FB2] =	sst s4  }
0xd: {  	[smem:$0x3FB3] =	sst s5  }
0xe: {  	[smem:$0x3FB4] =	sst s6  }
0xf: {  	[smem:$0x3FB5] =	sst s7  }
0x10: {  	[smem:$0x3FB6] =	sst s8  }
0x11: {  	[smem:$0x3FB7] =	sst s9;
	s0 =	simm.s32 @!p0 $0x0  }
0x12: {  	s1 =	sld [smem:$0x3F9D];
	s0 =	simm.s32 @p0 $0x1  }
0x13: {  	[smem:$0x3FB8] =	sst s0;
	s0 =	simm.s32 @!p1 $0x0  }
0x14: {  	s2 =	sld [smem:$0x3F9C];
	s0 =	simm.s32 @p1 $0x1  }
0x15: {  	[smem:$0x3FB9] =	sst s0;
	s0 =	simm.s32 @!p2 $0x0  }
0x16: {  	s3 =	sld [smem:$0x3FDB];
	s0 =	simm.s32 @p2 $0x1  }
0x17: {  	s4 =	simm.s32 $0x1BF5;
	[smem:$0x3FBB] =	sst s0  }
0x18: {  	s0 =	sld [smem:$0x3F9E];
	_ =	swait.ge [sflag:s4], $0x0  }
0x19: {  	s7 =	sld [smem:$0x3F9F]  }
0x1a: {  	s8 =	sadd.s32 $0xFFFFE003, lr  }
0x1b: {  	s9 =	sadd.s32 $0xFFFFFEF7, lr;
	s5 =	simm.s32 $0xFFFFFFFF;
	p2 =	slt.u32 s8, $0xFFFFF086  }
0x1c: {  	p1 =	slt.u32 s9, $0xF7A;
	s5 =	simm.s32 @!p2 $0x0  }
0x1d: {  	s5 =	simm.s32 @p1 $0x1;
	p0 =	seq.s32 s7, s2  }
0x1e: {  	s7 =	smul.u32 @!p0 $0xF7A, s2;
	p2 =	seq.s32 @!p0 s5, $0x0  }
0x1f: {  	s9 =	smul.u32 $0xF7A, s1;
	s8 =	simm.s32 @!p0 $0x1BF5;
	p2 =	por !p2, p0  }
0x20: {  	[sflag:s8] =	ssyncset.s32 @!p0 $0xFFFFF086;
	s6 =	sadd.s32 @!p0 s3, s7;
	s7 =	simm.s32 @!p0 $0x108  }
0x21: {  	s3 =	sadd.s32 s3, s9;
	s6 =	sadd.s32 @!p0 $0x88, s6;
	s7 =	simm.s32 @p2 $0x1082  }
0x22: {  	[simem:s7], [sflag:s8] =	dma.local @!p0 [hbm:s6], $0xF7A  }
0x23: {  	s9 =	sor.u32 $0xD0000000, s2;
	s6 =	simm.s32 $0x108;
	_ =	swait.ge @!p0 [sflag:s8], $0x0  }
0x24: {  	s3 =	sadd.s32 $0x88, s3;
	s6 =	simm.s32 @!p1 $0x1082;
	[sflag:s4] =	ssyncset.s32 $0xFFFFF086  }
0x25: {  	[simem:s6], [sflag:s4] =	dma.local [hbm:s3], $0xF7A  }
0x26: {  	[smem:$0x3F9F] =	sst s1;
	(tag) =	ssettag s2;
	_ =	strace s9  }
0x27: {  	s1 =	sld [smem:$0x3FAF]  }
0x28: {  	s2 =	sld [smem:$0x3FB0]  }
0x29: {  	s4 =	sld [smem:$0x3FB2]  }
0x2a: {  	p0 =	seq.s32 s5, $0x0;
	s5 =	sld [smem:$0x3FB3]  }
0x2b: {  	s6 =	sld [smem:$0x3FB4]  }
0x2c: {  	s7 =	sld [smem:$0x3FB5]  }
0x2d: {  	s3 =	simm.s32 $0x108;
	s8 =	sld [smem:$0x3FB6]  }
0x2e: {  	s3 =	simm.s32 @!p0 $0x1082;
	s9 =	sld [smem:$0x3FB7]  }
0x2f: {  	lr =	sadd.s32 s0, s3;
	s0 =	sld [smem:$0x3FAE]  }
0x30: {  	s3 =	sld [smem:$0x3FB1]  }
0x31: {  	[smem:$0x3FBA] =	sst s10  }
0x32: {  	s10 =	sld [smem:$0x3FB8];
	_ =	sdelay $0x3  }
0x33: {  	p0 =	seq.s32 s10, $0x1;
	s10 =	sld [smem:$0x3FBA];
	_ =	sdelay $0x3  }
0x34: {  	[smem:$0x3FBA] =	sst s10  }
0x35: {  	s10 =	sld [smem:$0x3FB9];
	_ =	sdelay $0x3  }
0x36: {  	p1 =	seq.s32 s10, $0x1;
	s10 =	sld [smem:$0x3FBA];
	_ =	sdelay $0x3  }
0x37: {  	[smem:$0x3FBA] =	sst s10  }
0x38: {  	s10 =	sld [smem:$0x3FBB]  }
0x39: {  	_ = 	snop;
	(pc) =	sbr.ind lr, $3  }
0x3a: {  	_ = 	snop  }
0x3b: {  	_ = 	snop  }
0x3c: {  	p2 =	seq.s32 s10, $0x1;
	s10 =	sld [smem:$0x3FBA]  }
0x3d: {  	_ =	shalt  }
0x3e: {  	_ =	shalt  }
0x3f: {  	_ =	shalt  }
0x40: {  	_ =	shalt  }
0x41: {  	_ =	shalt  }
0x42: {  	_ =	shalt  }
0x43: {  	_ =	shalt  }
0x44: {  	_ =	shalt  }
0x45: {  	_ =	shalt  }
0x46: {  	_ =	shalt  }
0x47: {  	_ =	shalt  }
0x48: {  	_ =	shalt  }
0x49: {  	_ =	shalt  }
0x4a: {  	_ =	shalt  }
0x4b: {  	_ =	shalt  }
0x4c: {  	_ =	shalt  }
0x4d: {  	_ =	shalt  }
0x4e: {  	_ =	shalt  }
0x4f: {  	_ =	shalt  }
0x50: {  	_ =	shalt  }
0x51: {  	_ =	shalt  }
0x52: {  	_ =	shalt  }
0x53: {  	_ =	shalt  }
0x54: {  	_ =	shalt  }
0x55: {  	_ =	shalt  }
0x56: {  	_ =	shalt  }
0x57: {  	_ =	shalt  }
0x58: {  	_ =	shalt  }
0x59: {  	_ =	shalt  }
0x5a: {  	_ =	shalt  }
0x5b: {  	_ =	shalt  }
0x5c: {  	_ =	shalt  }
0x5d: {  	_ =	shalt  }
0x5e: {  	_ =	shalt  }
0x5f: {  	_ =	shalt  }
0x60: {  	_ =	shalt  }
0x61: {  	_ =	shalt  }
0x62: {  	_ =	shalt  }
0x63: {  	_ =	shalt  }
0x64: {  	_ =	shalt  }
0x65: {  	_ =	shalt  }
0x66: {  	_ =	shalt  }
0x67: {  	_ =	shalt  }
0x68: {  	_ =	shalt  }
0x69: {  	_ =	shalt  }
0x6a: {  	_ =	shalt  }
0x6b: {  	_ =	shalt  }
0x6c: {  	_ =	shalt  }
0x6d: {  	_ =	shalt  }
0x6e: {  	_ =	shalt  }
0x6f: {  	_ =	shalt  }
0x70: {  	_ =	shalt  }
0x71: {  	_ =	shalt  }
0x72: {  	_ =	shalt  }
0x73: {  	_ =	shalt  }
0x74: {  	_ =	shalt  }
0x75: {  	_ =	shalt  }
0x76: {  	_ =	shalt  }
0x77: {  	_ =	shalt  }
0x78: {  	_ =	shalt  }
0x79: {  	_ =	shalt  }
0x7a: {  	_ =	shalt  }
0x7b: {  	_ =	shalt  }
0x7c: {  	_ =	shalt  }
0x7d: {  	_ =	shalt  }
0x7e: {  	_ =	shalt  }
0x7f: {  	_ =	shalt  }
0x80: {  	_ =	shalt  }
0x81: {  	_ =	shalt  }
0x82: {  	_ =	shalt  }
0x83: {  	_ =	shalt  }
0x84: {  	_ =	shalt  }
0x85: {  	_ =	shalt  }
0x86: {  	_ =	shalt  }
0x87: {  	_ =	shalt  }
.Lfunc_end0:
.L_simem_size_0:
called_computation.1_lowered:
.L_overlay_start_0:
0x88: {  	s2 =	sld [smem:$0x3FD9]  }
0x89: {  	s3 =	sld [smem:$0x3FFE];
	_ =	sdelay $0x1  }
0x8a: {  	s1 =	srdreg.scid  }
0x8b: {  	s0 =	sand.u32 $0x1, s1  }
0x8c: {  	s17 =	sshll.u32 s0, $0xA;
	s2 =	sadd.s32 s3, s2  }
0x8d: {  	s2 =	sadd.s32 s2, s17  }
0x8e: {  	[smem:$0x3FC6] =	sst s2  }
0x8f: {  	_ = 	snop  }
0x90: {  	s2 =	sld [smem:$0x3FC9]  }
0x91: {  	s18 =	sld [smem:$0x3FD0];
	(tm) =	ssettm $0x1  }
0x92: {  	s4 =	sld [smem:$0x3FFB];
	_ =	sdelay $0x3  }
0x93: {  	_ =	strace s4  }
0x94: {  	s4 =	sld [smem:$0x3FFC];
	_ =	sdelay $0x3  }
0x95: {  	_ =	strace s4  }
0x96: {  	s4 =	sld [smem:$0x3FFD];
	_ =	sdelay $0x3  }
0x97: {  	_ =	strace s4  }
0x98: {  	_ =	strace $0x8FFFFFFF  }
0x99: {  	s19 =	sld [smem:$0x3FDB];
	_ =	sdelay $0x1  }
0x9a: {  	s5 =	simm.s32 $_scs_section_size  }
0x9b: {  	s6 =	simm.s32 $_size__tile_overlayer_lowered;
	s7 =	simm.s32 $_tile_overlayer_lowered  }
0x9c: {  	s22 =	simm.s32 $0x1BFF;
	s21 =	sshll.u32 s7, $0x1;
	s4 =	sadd.s32 s5, s19  }
0x9d: {  	s8 =	simm.s32 $0x0;
	s20 =	sshll.u32 s6, $0x1;
	s6 =	sadd.s32 s21, s4  }
0x9e: {  	[timem:s8], [sflag:s22] =	dma.local [hbm:s6], s20  }
0x9f: {  	_ =	swait.ge [sflag:s22], s20  }
0xa0: {  	s5 =	ssub.s32 $0x0, s20;
	[sflag:s22] =	ssyncset.done $0x0  }
0xa1: {  	[sflag:s22] =	ssyncadd.s32 s5;
	_ =	sdelay $0x1  }
0xa2: {  	s23 =	simm.s32 $0x1B8B  }
0xa3: {  	_ =	swait.ge [sflag:s23], $0x1  }
0xa4: {  	[sflag:s23] =	ssyncset.done $0x0  }
0xa5: {  	s25 =	simm.s32 $0x1B8E;
	s24 =	sld [smem:$0x3FFE];
	[sflag:s23] =	ssyncadd.s32 $0xFFFFFFFF  }
0xa6: {  	s26 =	simm.s32 $execute0_lowered;
	[smem:$0x3FD2] =	sst s25  }
0xa7: {  	s6 =	sshll.u32 s26, $0x1;
	_ =	strace $0x80000046;
	[dreg:$0x1] =	wrdreg $0xFFFFFFFF  }
0xa8: {  	s28 =	simm.s32 $_size_execute0_lowered;
	s4 =	sadd.s32 s4, s6;
	[dreg:$0x0] =	wrdreg $0x0  }
0xa9: {  	s6 =	sshll.u32 s28, $0x1;
	[dreg:$0x2] =	wrdreg s4  }
0xaa: {  	[dreg:$0x3] =	wrdreg s6  }
0xab: {  	[dreg:$0x4] =	wrdreg $0xC0  }
0xac: {  	_ =	task [dreg:s8], $0x5FFFF  }
0xad: {  	[dreg:$0x1] =	wrdreg $0xFFFFFFFF  }
0xae: {  	[dreg:$0x0] =	wrdreg $0x60  }
0xaf: {  	[dreg:$0x2] =	wrdreg s2  }
0xb0: {  	[dreg:$0x3] =	wrdreg s24  }
0xb1: {  	[dreg:$0x4] =	wrdreg s18  }
0xb2: {  	[dreg:$0x5] =	wrdreg $0x9  }
0xb3: {  	_ =	task.clear_ibuf [dreg:s8], $0x6FFFF;
	_ =	strace $0x90000046  }
0xb4: {  	s29 =	simm.s32 $0x9;
	_ =	strace $0x80000048  }
0xb5: {  	_ =	swait.ge [sflag:s29], $0x1  }
0xb6: {  	[sflag:s29] =	ssyncadd.s32 $0xFFFFFFFF  }
0xb7: {  	_ =	strace $0x90000048  }
0xb8: {  	_ =	sfence  }
0xb9: {  	s30 =	sld [smem:$0x0];
	_ =	sdelay $0x2  }
0xba: {  	s31 =	sshll.u32 s1, $0xD;
	s1 =	sshrl.u32 s1, $0x2  }
0xbb: {  	s3 =	sand.u32 $0x4000, s31;
	s1 =	sadd.s32 s1, s30  }
0xbc: {  	s0 =	sor.u32 s3, s0;
	s1 =	sshll.u32 s1, $0x11  }
0xbd: {  	s0 =	sor.u32 s1, s0  }
0xbe: {  	s0 =	sadd.s32 $0x8F2B, s0  }
0xbf: {  	[sflag:s0] =	ssyncadd.remote.s32 $0x1  }
0xc0: {  	_ =	sfence.sel $0xFFFF  }
0xc1: {  	[dreg:$0x0] =	wrdreg $0xFFFFFFFF;
	(pc) =	sbr.abs _section_cstart, $3  }
0xc2: {  	[dreg:$0x1] =	wrdreg $0xFFFFFFFF  }
0xc3: {  	_ =	task.clear_ibuf [dreg:s8], $0x2FFFF;
	_ =	strace $0x9FFFFFFF  }
0xc4: {  	(tm) =	ssettm $0x7FFFFFFF  }
0xc5: {  	_ =	shalt  }
tec
execute0_lowered:
.L_overlay_start_1:
0x0: {  	(tag) =	ssettag $0x1  }
0x1: {  	s0 =	rddreg [dreg:$0x0]  }
0x2: {  	s1 =	srdreg.scid;
	s6 =	stileid.u32  }
0x3: {  	s3 =	rddreg [dreg:$0x1];
	s1 =	sand.u32 $0x1, s1;
	s2 =	sshll.u32 s6, $0x1  }
0x4: {  	s4 =	rddreg [dreg:$0x2];
	s5 =	sor.u32 s1, s2;
	s2 =	simm.s32 $0x0  }
0x5: {  	s10 =	simm.s32 $0x10C00;
	[smem:$0x7FF] =	sst s2  }
0x6: {  	s11 =	simm.s32 $0x11400;
	_ =	strace $0x80000047;
	[dreg:$0x5] =	wrdreg s10  }
0x7: {  	s12 =	simm.s32 $0x11C00;
	[dreg:$0x6] =	wrdreg s11  }
0x8: {  	s13 =	simm.s32 $0x12400;
	[dreg:$0x7] =	wrdreg s12  }
0x9: {  	s14 =	simm.s32 $0x12C00;
	[dreg:$0x8] =	wrdreg s13  }
0xa: {  	s15 =	simm.s32 $0x13400;
	[dreg:$0x9] =	wrdreg s14  }
0xb: {  	s16 =	simm.s32 $0x13C00;
	s17 =	simm.s32 $0x14400;
	[dreg:$0xa] =	wrdreg s15  }
0xc: {  	s18 =	simm.s32 $0x14C00;
	s19 =	simm.s32 $0x15400;
	[dreg:$0xb] =	wrdreg s16  }
0xd: {  	s20 =	simm.s32 $0x15C00;
	s21 =	simm.s32 $0x16400;
	[dreg:$0xc] =	wrdreg s17  }
0xe: {  	s22 =	simm.s32 $0x16C00;
	s23 =	simm.s32 $0x17400;
	[dreg:$0xd] =	wrdreg s18  }
0xf: {  	s24 =	simm.s32 $0x17C00;
	s25 =	simm.s32 $0x18400;
	[dreg:$0xe] =	wrdreg s19  }
0x10: {  	s26 =	simm.s32 $0x18C00;
	s30 =	simm.s32 $0x19400;
	[dreg:$0xf] =	wrdreg s20  }
0x11: {  	s31 =	simm.s32 $0x19C00;
	s28 =	simm.s32 $0x2;
	[dreg:$0x10] =	wrdreg s21  }
0x12: {  	s29 =	simm.s32 $0x0;
	s6 =	smul.u32 $0x32000, s6;
	[dreg:$0x11] =	wrdreg s22  }
0x13: {  	s7 =	ssub.s32 $0x2, s1;
	s1 =	smul.u32 $0x19000, s1;
	[dreg:$0x12] =	wrdreg s23  }
0x14: {  	s3 =	sadd.s32 $0xF42C00, s3;
	s5 =	smul.u32 $0x6400, s5;
	[dreg:$0x13] =	wrdreg s24  }
0x15: {  	s8 =	sshrl.u32 s7, $0x1;
	s4 =	sadd.s32 s6, s4;
	[dreg:$0x14] =	wrdreg s25  }
0x16: {  	s9 =	ssub.s32 s7, s8;
	s1 =	sadd.s32 s1, s4;
	[dreg:$0x15] =	wrdreg s26  }
0x17: {  	s7 =	simm.s32 $0x3;
	s8 =	simm.s32 $0x40;
	[dreg:$0x16] =	wrdreg s30  }
0x18: {  	[dreg:$0x17] =	wrdreg s31;
	s22 =	simm.s32 $0x4C0;
	s23 =	simm.s32 $0xFC00  }
0x19: {  	s24 =	simm.s32 $0x500;
	s25 =	simm.s32 $0x10400;
	s5 =	sshrl.u32 s5, $0x3  }
0x1a: {  	s26 =	simm.s32 $0x1;
	[dreg:$0x4] =	wrdreg s1;
	s4 =	sadd.s32 s0, s5  }
0x1b: {  	s6 =	smax.u32 s9, $0x1;
	s9 =	simm.s32 $0x6400;
	s5 =	sadd.s32 $0xA0, s4  }
.LBB2_1:
0x1c: {  	[tilespmem:s2], [sflag:$0x3] =	stream.linear.gather [hbm4b:s4+s2], $0x500, $0x38;
	[tilespmem:$0x1A400] =	vst v63  }
0x1d: {  	_ =	swait.ge [sflag:s7], $0x500  }
0x1e: {  	[sflag:s7] =	ssyncset.done $0x0  }
0x1f: {  	[sflag:s7] =	ssyncadd.s32 $0xFFFFFB00  }
0x20: {  	[tilespmem:s9], [sflag:$0x1] =	stream.indirect.gather [hbm4b:s3+s8], $0x20, s2, s8, $0xb8;
	[tilespmem:$0x1A400] =	vst v63  }
0x21: {  	s0 =	simm.s32 $0x6C00  }
0x22: {  	[tilespmem:s0], [sflag:$0x1] =	stream.indirect.gather [hbm4b:s3+s8], $0x20, s8, s8, $0xb8;
	[tilespmem:$0x1A400] =	vst v63  }
0x23: {  	s11 =	simm.s32 $0x80;
	s1 =	simm.s32 $0x7400  }
0x24: {  	[tilespmem:s1], [sflag:$0x1] =	stream.indirect.gather [hbm4b:s3+s8], $0x20, s11, s8, $0xb8;
	[tilespmem:$0x1A400] =	vst v63  }
0x25: {  	s12 =	simm.s32 $0xC0;
	s13 =	simm.s32 $0x7C00  }
0x26: {  	[tilespmem:s13], [sflag:$0x1] =	stream.indirect.gather [hbm4b:s3+s8], $0x20, s12, s8, $0xb8;
	[tilespmem:$0x1A400] =	vst v63  }
0x27: {  	s14 =	simm.s32 $0x100;
	s15 =	simm.s32 $0x8400  }
0x28: {  	[tilespmem:s15], [sflag:$0x1] =	stream.indirect.gather [hbm4b:s3+s8], $0x20, s14, s8, $0xb8;
	[tilespmem:$0x1A400] =	vst v63  }
0x29: {  	s16 =	simm.s32 $0x140;
	s17 =	simm.s32 $0x8C00  }
0x2a: {  	[tilespmem:s17], [sflag:$0x1] =	stream.indirect.gather [hbm4b:s3+s8], $0x20, s16, s8, $0xb8;
	[tilespmem:$0x1A400] =	vst v63  }
0x2b: {  	s18 =	simm.s32 $0x180;
	s19 =	simm.s32 $0x9400  }
0x2c: {  	[tilespmem:s19], [sflag:$0x1] =	stream.indirect.gather [hbm4b:s3+s8], $0x20, s18, s8, $0xb8;
	[tilespmem:$0x1A400] =	vst v63  }
0x2d: {  	s20 =	simm.s32 $0x1C0;
	s21 =	simm.s32 $0x9C00  }
0x2e: {  	[tilespmem:s21], [sflag:$0x1] =	stream.indirect.gather [hbm4b:s3+s8], $0x20, s20, s8, $0xb8;
	[tilespmem:$0x1A400] =	vst v63  }
0x2f: {  	s10 =	simm.s32 $0x200;
	s11 =	simm.s32 $0xA400  }
0x30: {  	[tilespmem:s11], [sflag:$0x1] =	stream.indirect.gather [hbm4b:s3+s8], $0x20, s10, s8, $0xb8;
	[tilespmem:$0x1A400] =	vst v63  }
0x31: {  	s12 =	simm.s32 $0x240;
	s13 =	simm.s32 $0xAC00  }
0x32: {  	[tilespmem:s13], [sflag:$0x1] =	stream.indirect.gather [hbm4b:s3+s8], $0x20, s12, s8, $0xb8;
	[tilespmem:$0x1A400] =	vst v63  }
0x33: {  	s14 =	simm.s32 $0x280;
	s15 =	simm.s32 $0xB400  }
0x34: {  	[tilespmem:s15], [sflag:$0x1] =	stream.indirect.gather [hbm4b:s3+s8], $0x20, s14, s8, $0xb8;
	[tilespmem:$0x1A400] =	vst v63  }
0x35: {  	s16 =	simm.s32 $0x2C0;
	s17 =	simm.s32 $0xBC00  }
0x36: {  	[tilespmem:s17], [sflag:$0x1] =	stream.indirect.gather [hbm4b:s3+s8], $0x20, s16, s8, $0xb8;
	[tilespmem:$0x1A400] =	vst v63  }
0x37: {  	s18 =	simm.s32 $0x300;
	s19 =	simm.s32 $0xC400  }
0x38: {  	[tilespmem:s19], [sflag:$0x1] =	stream.indirect.gather [hbm4b:s3+s8], $0x20, s18, s8, $0xb8;
	[tilespmem:$0x1A400] =	vst v63  }
0x39: {  	s20 =	simm.s32 $0x340;
	s21 =	simm.s32 $0xCC00  }
0x3a: {  	[tilespmem:s21], [sflag:$0x1] =	stream.indirect.gather [hbm4b:s3+s8], $0x20, s20, s8, $0xb8;
	[tilespmem:$0x1A400] =	vst v63  }
0x3b: {  	s1 =	simm.s32 $0x380;
	s10 =	simm.s32 $0xD400  }
0x3c: {  	[tilespmem:s10], [sflag:$0x1] =	stream.indirect.gather [hbm4b:s3+s8], $0x20, s1, s8, $0xb8;
	[tilespmem:$0x1A400] =	vst v63  }
0x3d: {  	s11 =	simm.s32 $0x3C0;
	s12 =	simm.s32 $0xDC00  }
0x3e: {  	[tilespmem:s12], [sflag:$0x1] =	stream.indirect.gather [hbm4b:s3+s8], $0x20, s11, s8, $0xb8;
	[tilespmem:$0x1A400] =	vst v63  }
0x3f: {  	s13 =	simm.s32 $0x400;
	s14 =	simm.s32 $0xE400  }
0x40: {  	[tilespmem:s14], [sflag:$0x1] =	stream.indirect.gather [hbm4b:s3+s8], $0x20, s13, s8, $0xb8;
	[tilespmem:$0x1A400] =	vst v63  }
0x41: {  	s15 =	simm.s32 $0x440;
	s16 =	simm.s32 $0xEC00  }
0x42: {  	[tilespmem:s16], [sflag:$0x1] =	stream.indirect.gather [hbm4b:s3+s8], $0x20, s15, s8, $0xb8;
	[tilespmem:$0x1A400] =	vst v63  }
0x43: {  	s17 =	simm.s32 $0x480;
	s18 =	simm.s32 $0xF400  }
0x44: {  	[tilespmem:s18], [sflag:$0x1] =	stream.indirect.gather [hbm4b:s3+s8], $0x20, s17, s8, $0xb8;
	[tilespmem:$0x1A400] =	vst v63  }
0x45: {  	_ = 	snop  }
0x46: {  	[tilespmem:s23], [sflag:$0x1] =	stream.indirect.gather [hbm4b:s3+s8], $0x20, s22, s8, $0xb8;
	[tilespmem:$0x1A400] =	vst v63  }
0x47: {  	_ = 	snop  }
0x48: {  	[tilespmem:s24], [sflag:$0x3] =	stream.linear.gather [hbm4b:s5+s2], $0x5F00, $0x38;
	[tilespmem:$0x1A400] =	vst v63  }
0x49: {  	_ =	swait.ge [sflag:s7], $0x5F00  }
0x4a: {  	[sflag:s7] =	ssyncset.done $0x0  }
0x4b: {  	s20 =	simm.s32 $0x500;
	[sflag:s7] =	ssyncadd.s32 $0xFFFFA100  }
0x4c: {  	[tilespmem:s25], [sflag:$0x2] =	stream.indirect.gather [hbm4b:s3+s8], $0x20, s20, s8, $0xb8;
	[tilespmem:$0x1A400] =	vst v63  }
0x4d: {  	s21 =	simm.s32 $0x540;
	s19 =	rddreg [dreg:$0x5]  }
0x4e: {  	[tilespmem:s19], [sflag:$0x2] =	stream.indirect.gather [hbm4b:s3+s8], $0x20, s21, s8, $0xb8;
	[tilespmem:$0x1A400] =	vst v63  }
0x4f: {  	s1 =	simm.s32 $0x580;
	s10 =	rddreg [dreg:$0x6]  }
0x50: {  	[tilespmem:s10], [sflag:$0x2] =	stream.indirect.gather [hbm4b:s3+s8], $0x20, s1, s8, $0xb8;
	[tilespmem:$0x1A400] =	vst v63  }
0x51: {  	s12 =	simm.s32 $0x5C0;
	s11 =	rddreg [dreg:$0x7]  }
0x52: {  	[tilespmem:s11], [sflag:$0x2] =	stream.indirect.gather [hbm4b:s3+s8], $0x20, s12, s8, $0xb8;
	[tilespmem:$0x1A400] =	vst v63  }
0x53: {  	s14 =	simm.s32 $0x600;
	s13 =	rddreg [dreg:$0x8]  }
0x54: {  	[tilespmem:s13], [sflag:$0x2] =	stream.indirect.gather [hbm4b:s3+s8], $0x20, s14, s8, $0xb8;
	[tilespmem:$0x1A400] =	vst v63  }
0x55: {  	s16 =	simm.s32 $0x640;
	s15 =	rddreg [dreg:$0x9]  }
0x56: {  	[tilespmem:s15], [sflag:$0x2] =	stream.indirect.gather [hbm4b:s3+s8], $0x20, s16, s8, $0xb8;
	[tilespmem:$0x1A400] =	vst v63  }
0x57: {  	s18 =	simm.s32 $0x680;
	s17 =	rddreg [dreg:$0xa]  }
0x58: {  	[tilespmem:s17], [sflag:$0x2] =	stream.indirect.gather [hbm4b:s3+s8], $0x20, s18, s8, $0xb8;
	[tilespmem:$0x1A400] =	vst v63  }
0x59: {  	s20 =	simm.s32 $0x6C0;
	s19 =	rddreg [dreg:$0xb]  }
0x5a: {  	[tilespmem:s19], [sflag:$0x2] =	stream.indirect.gather [hbm4b:s3+s8], $0x20, s20, s8, $0xb8;
	[tilespmem:$0x1A400] =	vst v63  }
0x5b: {  	s21 =	rddreg [dreg:$0xc];
	s1 =	simm.s32 $0x700  }
0x5c: {  	[tilespmem:s21], [sflag:$0x2] =	stream.indirect.gather [hbm4b:s3+s8], $0x20, s1, s8, $0xb8;
	[tilespmem:$0x1A400] =	vst v63  }
0x5d: {  	s11 =	rddreg [dreg:$0xd];
	s12 =	simm.s32 $0x740  }
0x5e: {  	[tilespmem:s11], [sflag:$0x2] =	stream.indirect.gather [hbm4b:s3+s8], $0x20, s12, s8, $0xb8;
	[tilespmem:$0x1A400] =	vst v63  }
0x5f: {  	s13 =	rddreg [dreg:$0xe];
	s14 =	simm.s32 $0x780  }
0x60: {  	[tilespmem:s13], [sflag:$0x2] =	stream.indirect.gather [hbm4b:s3+s8], $0x20, s14, s8, $0xb8;
	[tilespmem:$0x1A400] =	vst v63  }
0x61: {  	s15 =	rddreg [dreg:$0xf];
	s16 =	simm.s32 $0x7C0  }
0x62: {  	[tilespmem:s15], [sflag:$0x2] =	stream.indirect.gather [hbm4b:s3+s8], $0x20, s16, s8, $0xb8;
	[tilespmem:$0x1A400] =	vst v63  }
0x63: {  	s17 =	rddreg [dreg:$0x10];
	s18 =	simm.s32 $0x800  }
0x64: {  	[tilespmem:s17], [sflag:$0x2] =	stream.indirect.gather [hbm4b:s3+s8], $0x20, s18, s8, $0xb8;
	[tilespmem:$0x1A400] =	vst v63  }
0x65: {  	s19 =	rddreg [dreg:$0x11];
	s20 =	simm.s32 $0x840  }
0x66: {  	[tilespmem:s19], [sflag:$0x2] =	stream.indirect.gather [hbm4b:s3+s8], $0x20, s20, s8, $0xb8;
	[tilespmem:$0x1A400] =	vst v63  }
0x67: {  	s21 =	rddreg [dreg:$0x12];
	s1 =	simm.s32 $0x880  }
0x68: {  	[tilespmem:s21], [sflag:$0x2] =	stream.indirect.gather [hbm4b:s3+s8], $0x20, s1, s8, $0xb8;
	[tilespmem:$0x1A400] =	vst v63  }
0x69: {  	s11 =	rddreg [dreg:$0x13];
	s12 =	simm.s32 $0x8C0  }
0x6a: {  	[tilespmem:s11], [sflag:$0x2] =	stream.indirect.gather [hbm4b:s3+s8], $0x20, s12, s8, $0xb8;
	[tilespmem:$0x1A400] =	vst v63  }
0x6b: {  	s13 =	rddreg [dreg:$0x14];
	s14 =	simm.s32 $0x900  }
0x6c: {  	[tilespmem:s13], [sflag:$0x2] =	stream.indirect.gather [hbm4b:s3+s8], $0x20, s14, s8, $0xb8;
	[tilespmem:$0x1A400] =	vst v63  }
0x6d: {  	s15 =	rddreg [dreg:$0x15];
	s16 =	simm.s32 $0x940  }
0x6e: {  	[tilespmem:s15], [sflag:$0x2] =	stream.indirect.gather [hbm4b:s3+s8], $0x20, s16, s8, $0xb8;
	[tilespmem:$0x1A400] =	vst v63  }
0x6f: {  	s17 =	rddreg [dreg:$0x16];
	s18 =	simm.s32 $0x980  }
0x70: {  	[tilespmem:s17], [sflag:$0x2] =	stream.indirect.gather [hbm4b:s3+s8], $0x20, s18, s8, $0xb8;
	[tilespmem:$0x1A400] =	vst v63  }
0x71: {  	s19 =	rddreg [dreg:$0x17];
	s20 =	simm.s32 $0x9C0  }
0x72: {  	[tilespmem:s19], [sflag:$0x2] =	stream.indirect.gather [hbm4b:s3+s8], $0x20, s20, s8, $0xb8;
	[tilespmem:$0x1A400] =	vst v63  }
0x73: {  	_ =	swait.ge [sflag:s26], $0x800  }
0x74: {  	[sflag:s26] =	ssyncset.done $0x0  }
0x75: {  	[sflag:s26] =	ssyncadd.s32 $0xFFFFF800  }
0x76: {  	_ =	swait.ge [sflag:s26], $0x800  }
0x77: {  	[sflag:s26] =	ssyncset.done $0x0  }
0x78: {  	[sflag:s26] =	ssyncadd.s32 $0xFFFFF800  }
0x79: {  	_ =	swait.ge [sflag:s26], $0x800  }
0x7a: {  	[sflag:s26] =	ssyncset.done $0x0  }
0x7b: {  	[sflag:s26] =	ssyncadd.s32 $0xFFFFF800  }
0x7c: {  	_ =	swait.ge [sflag:s26], $0x800  }
0x7d: {  	[sflag:s26] =	ssyncset.done $0x0  }
0x7e: {  	[sflag:s26] =	ssyncadd.s32 $0xFFFFF800  }
0x7f: {  	_ =	swait.ge [sflag:s26], $0x800  }
0x80: {  	[sflag:s26] =	ssyncset.done $0x0  }
0x81: {  	[sflag:s26] =	ssyncadd.s32 $0xFFFFF800  }
0x82: {  	_ =	swait.ge [sflag:s26], $0x800  }
0x83: {  	[sflag:s26] =	ssyncset.done $0x0  }
0x84: {  	[sflag:s26] =	ssyncadd.s32 $0xFFFFF800  }
0x85: {  	_ =	swait.ge [sflag:s26], $0x800  }
0x86: {  	[sflag:s26] =	ssyncset.done $0x0  }
0x87: {  	[sflag:s26] =	ssyncadd.s32 $0xFFFFF800  }
0x88: {  	_ =	swait.ge [sflag:s26], $0x800  }
0x89: {  	[sflag:s26] =	ssyncset.done $0x0  }
0x8a: {  	[sflag:s26] =	ssyncadd.s32 $0xFFFFF800  }
0x8b: {  	_ =	swait.ge [sflag:s26], $0x800  }
0x8c: {  	[sflag:s26] =	ssyncset.done $0x0  }
0x8d: {  	[sflag:s26] =	ssyncadd.s32 $0xFFFFF800  }
0x8e: {  	_ =	swait.ge [sflag:s26], $0x800  }
0x8f: {  	[sflag:s26] =	ssyncset.done $0x0  }
0x90: {  	[sflag:s26] =	ssyncadd.s32 $0xFFFFF800  }
0x91: {  	_ =	swait.ge [sflag:s26], $0x800  }
0x92: {  	[sflag:s26] =	ssyncset.done $0x0  }
0x93: {  	[sflag:s26] =	ssyncadd.s32 $0xFFFFF800  }
0x94: {  	_ =	swait.ge [sflag:s26], $0x800  }
0x95: {  	[sflag:s26] =	ssyncset.done $0x0  }
0x96: {  	[sflag:s26] =	ssyncadd.s32 $0xFFFFF800  }
0x97: {  	_ =	swait.ge [sflag:s26], $0x800  }
0x98: {  	[sflag:s26] =	ssyncset.done $0x0  }
0x99: {  	[sflag:s26] =	ssyncadd.s32 $0xFFFFF800  }
0x9a: {  	_ =	swait.ge [sflag:s26], $0x800  }
0x9b: {  	[sflag:s26] =	ssyncset.done $0x0  }
0x9c: {  	[sflag:s26] =	ssyncadd.s32 $0xFFFFF800  }
0x9d: {  	_ =	swait.ge [sflag:s26], $0x800  }
0x9e: {  	[sflag:s26] =	ssyncset.done $0x0  }
0x9f: {  	[sflag:s26] =	ssyncadd.s32 $0xFFFFF800  }
0xa0: {  	_ =	swait.ge [sflag:s26], $0x800  }
0xa1: {  	[sflag:s26] =	ssyncset.done $0x0  }
0xa2: {  	[sflag:s26] =	ssyncadd.s32 $0xFFFFF800  }
0xa3: {  	_ =	swait.ge [sflag:s26], $0x800  }
0xa4: {  	[sflag:s26] =	ssyncset.done $0x0  }
0xa5: {  	[sflag:s26] =	ssyncadd.s32 $0xFFFFF800  }
0xa6: {  	_ =	swait.ge [sflag:s26], $0x800  }
0xa7: {  	[sflag:s26] =	ssyncset.done $0x0  }
0xa8: {  	[sflag:s26] =	ssyncadd.s32 $0xFFFFF800  }
0xa9: {  	_ =	swait.ge [sflag:s26], $0x800  }
0xaa: {  	[sflag:s26] =	ssyncset.done $0x0  }
0xab: {  	[sflag:s26] =	ssyncadd.s32 $0xFFFFF800  }
0xac: {  	_ =	swait.ge [sflag:s26], $0x800  }
0xad: {  	s21 =	rddreg [dreg:$0x4];
	[sflag:s26] =	ssyncset.done $0x0  }
0xae: {  	[sflag:s26] =	ssyncadd.s32 $0xFFFFF800;
	s0 =	sadd.s32 $0x0, s21  }
0xaf: {  	[hbm4b:s0+s2] =	stream.linear.scatter [tilespmem:s9], [sflag:$0x3], $0xA000, $0x38;
	[tilespmem:$0x1A400] =	vst v63  }
0xb0: {  	p0 =	por $0x0, $0x0;
	_ =	swait.ge [sflag:s7], $0xA000  }
0xb1: {  	s30 =	simm.s32 @!p0 $0x40;
	[sflag:s7] =	ssyncset.done $0x0  }
0xb2: {  	s10 =	simm.s32 @!p0 $0xA00;
	s1 =	simm.s32 @!p0 $0x6400;
	[sflag:s7] =	ssyncadd.s32 $0xFFFF6000  }
0xb3: {  	[tilespmem:s1], [sflag:$0x1] =	stream.indirect.gather @!p0 [hbm4b:s3+s30], $0x20, s10, s30, $0xb8;
	[tilespmem:$0x1A400] =	vst v63  }
0xb4: {  	s1 =	simm.s32 @!p0 $0xA40;
	s10 =	simm.s32 @!p0 $0x6C00  }
0xb5: {  	[tilespmem:s10], [sflag:$0x1] =	stream.indirect.gather @!p0 [hbm4b:s3+s30], $0x20, s1, s30, $0xb8;
	[tilespmem:$0x1A400] =	vst v63  }
0xb6: {  	s1 =	simm.s32 @!p0 $0xA80;
	s10 =	simm.s32 @!p0 $0x7400  }
0xb7: {  	[tilespmem:s10], [sflag:$0x1] =	stream.indirect.gather @!p0 [hbm4b:s3+s30], $0x20, s1, s30, $0xb8;
	[tilespmem:$0x1A400] =	vst v63  }
0xb8: {  	s1 =	simm.s32 @!p0 $0xAC0;
	s10 =	simm.s32 @!p0 $0x7C00  }
0xb9: {  	[tilespmem:s10], [sflag:$0x1] =	stream.indirect.gather @!p0 [hbm4b:s3+s30], $0x20, s1, s30, $0xb8;
	[tilespmem:$0x1A400] =	vst v63  }
0xba: {  	s1 =	simm.s32 @!p0 $0xB00;
	s10 =	simm.s32 @!p0 $0x8400  }
0xbb: {  	[tilespmem:s10], [sflag:$0x1] =	stream.indirect.gather @!p0 [hbm4b:s3+s30], $0x20, s1, s30, $0xb8;
	[tilespmem:$0x1A400] =	vst v63  }
0xbc: {  	s1 =	simm.s32 @!p0 $0xB40;
	s10 =	simm.s32 @!p0 $0x8C00  }
0xbd: {  	[tilespmem:s10], [sflag:$0x1] =	stream.indirect.gather @!p0 [hbm4b:s3+s30], $0x20, s1, s30, $0xb8;
	[tilespmem:$0x1A400] =	vst v63  }
0xbe: {  	s1 =	simm.s32 @!p0 $0xB80;
	s10 =	simm.s32 @!p0 $0x9400  }
0xbf: {  	[tilespmem:s10], [sflag:$0x1] =	stream.indirect.gather @!p0 [hbm4b:s3+s30], $0x20, s1, s30, $0xb8;
	[tilespmem:$0x1A400] =	vst v63  }
0xc0: {  	s1 =	simm.s32 @!p0 $0xBC0;
	s10 =	simm.s32 @!p0 $0x9C00  }
0xc1: {  	[tilespmem:s10], [sflag:$0x1] =	stream.indirect.gather @!p0 [hbm4b:s3+s30], $0x20, s1, s30, $0xb8;
	[tilespmem:$0x1A400] =	vst v63  }
0xc2: {  	s1 =	simm.s32 @!p0 $0xC00;
	s10 =	simm.s32 @!p0 $0xA400  }
0xc3: {  	[tilespmem:s10], [sflag:$0x1] =	stream.indirect.gather @!p0 [hbm4b:s3+s30], $0x20, s1, s30, $0xb8;
	[tilespmem:$0x1A400] =	vst v63  }
0xc4: {  	s1 =	simm.s32 @!p0 $0xC40;
	s10 =	simm.s32 @!p0 $0xAC00  }
0xc5: {  	[tilespmem:s10], [sflag:$0x1] =	stream.indirect.gather @!p0 [hbm4b:s3+s30], $0x20, s1, s30, $0xb8;
	[tilespmem:$0x1A400] =	vst v63  }
0xc6: {  	s1 =	simm.s32 @!p0 $0xC80;
	s10 =	simm.s32 @!p0 $0xB400  }
0xc7: {  	[tilespmem:s10], [sflag:$0x1] =	stream.indirect.gather @!p0 [hbm4b:s3+s30], $0x20, s1, s30, $0xb8;
	[tilespmem:$0x1A400] =	vst v63  }
0xc8: {  	s1 =	simm.s32 @!p0 $0xCC0;
	s10 =	simm.s32 @!p0 $0xBC00  }
0xc9: {  	[tilespmem:s10], [sflag:$0x1] =	stream.indirect.gather @!p0 [hbm4b:s3+s30], $0x20, s1, s30, $0xb8;
	[tilespmem:$0x1A400] =	vst v63  }
0xca: {  	s1 =	simm.s32 @!p0 $0xD00;
	s10 =	simm.s32 @!p0 $0xC400  }
0xcb: {  	[tilespmem:s10], [sflag:$0x1] =	stream.indirect.gather @!p0 [hbm4b:s3+s30], $0x20, s1, s30, $0xb8;
	[tilespmem:$0x1A400] =	vst v63  }
0xcc: {  	s1 =	simm.s32 @!p0 $0xD40;
	s10 =	simm.s32 @!p0 $0xCC00  }
0xcd: {  	[tilespmem:s10], [sflag:$0x1] =	stream.indirect.gather @!p0 [hbm4b:s3+s30], $0x20, s1, s30, $0xb8;
	[tilespmem:$0x1A400] =	vst v63  }
0xce: {  	s1 =	simm.s32 @!p0 $0xD80;
	s10 =	simm.s32 @!p0 $0xD400  }
0xcf: {  	[tilespmem:s10], [sflag:$0x1] =	stream.indirect.gather @!p0 [hbm4b:s3+s30], $0x20, s1, s30, $0xb8;
	[tilespmem:$0x1A400] =	vst v63  }
0xd0: {  	s1 =	simm.s32 @!p0 $0xDC0;
	s10 =	simm.s32 @!p0 $0xDC00  }
0xd1: {  	[tilespmem:s10], [sflag:$0x1] =	stream.indirect.gather @!p0 [hbm4b:s3+s30], $0x20, s1, s30, $0xb8;
	[tilespmem:$0x1A400] =	vst v63  }
0xd2: {  	s1 =	simm.s32 @!p0 $0xE00;
	s10 =	simm.s32 @!p0 $0xE400  }
0xd3: {  	[tilespmem:s10], [sflag:$0x1] =	stream.indirect.gather @!p0 [hbm4b:s3+s30], $0x20, s1, s30, $0xb8;
	[tilespmem:$0x1A400] =	vst v63  }
0xd4: {  	s1 =	simm.s32 @!p0 $0xE40;
	s10 =	simm.s32 @!p0 $0xEC00  }
0xd5: {  	[tilespmem:s10], [sflag:$0x1] =	stream.indirect.gather @!p0 [hbm4b:s3+s30], $0x20, s1, s30, $0xb8;
	[tilespmem:$0x1A400] =	vst v63  }
0xd6: {  	s1 =	simm.s32 @!p0 $0xE80;
	s10 =	simm.s32 @!p0 $0xF400  }
0xd7: {  	[tilespmem:s10], [sflag:$0x1] =	stream.indirect.gather @!p0 [hbm4b:s3+s30], $0x20, s1, s30, $0xb8;
	[tilespmem:$0x1A400] =	vst v63  }
0xd8: {  	s1 =	simm.s32 @!p0 $0xEC0;
	s10 =	simm.s32 @!p0 $0xFC00  }
0xd9: {  	[tilespmem:s10], [sflag:$0x1] =	stream.indirect.gather @!p0 [hbm4b:s3+s30], $0x20, s1, s30, $0xb8;
	[tilespmem:$0x1A400] =	vst v63  }
0xda: {  	_ =	swait.ge [sflag:s28], $0x800  }
0xdb: {  	[sflag:s28] =	ssyncset.done $0x0  }
0xdc: {  	[sflag:s28] =	ssyncadd.s32 $0xFFFFF800  }
0xdd: {  	_ =	swait.ge [sflag:s28], $0x800  }
0xde: {  	[sflag:s28] =	ssyncset.done $0x0  }
0xdf: {  	[sflag:s28] =	ssyncadd.s32 $0xFFFFF800  }
0xe0: {  	_ =	swait.ge [sflag:s28], $0x800  }
0xe1: {  	[sflag:s28] =	ssyncset.done $0x0  }
0xe2: {  	[sflag:s28] =	ssyncadd.s32 $0xFFFFF800  }
0xe3: {  	_ =	swait.ge [sflag:s28], $0x800  }
0xe4: {  	[sflag:s28] =	ssyncset.done $0x0  }
0xe5: {  	[sflag:s28] =	ssyncadd.s32 $0xFFFFF800  }
0xe6: {  	_ =	swait.ge [sflag:s28], $0x800  }
0xe7: {  	[sflag:s28] =	ssyncset.done $0x0  }
0xe8: {  	[sflag:s28] =	ssyncadd.s32 $0xFFFFF800  }
0xe9: {  	_ =	swait.ge [sflag:s28], $0x800  }
0xea: {  	[sflag:s28] =	ssyncset.done $0x0  }
0xeb: {  	[sflag:s28] =	ssyncadd.s32 $0xFFFFF800  }
0xec: {  	_ =	swait.ge [sflag:s28], $0x800  }
0xed: {  	[sflag:s28] =	ssyncset.done $0x0  }
0xee: {  	[sflag:s28] =	ssyncadd.s32 $0xFFFFF800  }
0xef: {  	_ =	swait.ge [sflag:s28], $0x800  }
0xf0: {  	[sflag:s28] =	ssyncset.done $0x0  }
0xf1: {  	[sflag:s28] =	ssyncadd.s32 $0xFFFFF800  }
0xf2: {  	_ =	swait.ge [sflag:s28], $0x800  }
0xf3: {  	[sflag:s28] =	ssyncset.done $0x0  }
0xf4: {  	[sflag:s28] =	ssyncadd.s32 $0xFFFFF800  }
0xf5: {  	_ =	swait.ge [sflag:s28], $0x800  }
0xf6: {  	[sflag:s28] =	ssyncset.done $0x0  }
0xf7: {  	[sflag:s28] =	ssyncadd.s32 $0xFFFFF800  }
0xf8: {  	_ =	swait.ge [sflag:s28], $0x800  }
0xf9: {  	[sflag:s28] =	ssyncset.done $0x0  }
0xfa: {  	[sflag:s28] =	ssyncadd.s32 $0xFFFFF800  }
0xfb: {  	_ =	swait.ge [sflag:s28], $0x800  }
0xfc: {  	[sflag:s28] =	ssyncset.done $0x0  }
0xfd: {  	[sflag:s28] =	ssyncadd.s32 $0xFFFFF800  }
0xfe: {  	_ =	swait.ge [sflag:s28], $0x800  }
0xff: {  	[sflag:s28] =	ssyncset.done $0x0  }
0x100: {  	[sflag:s28] =	ssyncadd.s32 $0xFFFFF800  }
0x101: {  	_ =	swait.ge [sflag:s28], $0x800  }
0x102: {  	[sflag:s28] =	ssyncset.done $0x0  }
0x103: {  	[sflag:s28] =	ssyncadd.s32 $0xFFFFF800  }
0x104: {  	_ =	swait.ge [sflag:s28], $0x800  }
0x105: {  	[sflag:s28] =	ssyncset.done $0x0  }
0x106: {  	[sflag:s28] =	ssyncadd.s32 $0xFFFFF800  }
0x107: {  	_ =	swait.ge [sflag:s28], $0x800  }
0x108: {  	[sflag:s28] =	ssyncset.done $0x0  }
0x109: {  	[sflag:s28] =	ssyncadd.s32 $0xFFFFF800  }
0x10a: {  	_ =	swait.ge [sflag:s28], $0x800  }
0x10b: {  	[sflag:s28] =	ssyncset.done $0x0  }
0x10c: {  	[sflag:s28] =	ssyncadd.s32 $0xFFFFF800  }
0x10d: {  	_ =	swait.ge [sflag:s28], $0x800  }
0x10e: {  	[sflag:s28] =	ssyncset.done $0x0  }
0x10f: {  	[sflag:s28] =	ssyncadd.s32 $0xFFFFF800  }
0x110: {  	_ =	swait.ge [sflag:s28], $0x800  }
0x111: {  	[sflag:s28] =	ssyncset.done $0x0  }
0x112: {  	[sflag:s28] =	ssyncadd.s32 $0xFFFFF800  }
0x113: {  	_ =	swait.ge [sflag:s28], $0x800  }
0x114: {  	[sflag:s28] =	ssyncset.done $0x0  }
0x115: {  	s0 =	sadd.s32 $0x1400, s0;
	[sflag:s28] =	ssyncadd.s32 $0xFFFFF800  }
0x116: {  	[hbm4b:s0+s2] =	stream.linear.scatter [tilespmem:s25], [sflag:$0x3], $0xA000, $0x38;
	[tilespmem:$0x1A400] =	vst v63  }
0x117: {  	s31 =	simm.s32 $0x5000;
	s30 =	simm.s32 $0x2800;
	_ =	swait.ge [sflag:s7], $0xA000  }
0x118: {  	s0 =	simm.s32 $0xA00;
	s10 =	rddreg [dreg:$0x5];
	[sflag:s7] =	ssyncset.done $0x0  }
.LBB2_2:
0x119: {  	s11 =	sadd.s32 $0x500, s0;
	[sflag:s7] =	ssyncadd.s32 $0xFFFF6000  }
0x11a: {  	[tilespmem:s25], [sflag:$0x2] =	stream.indirect.gather [hbm4b:s3+s8], $0x20, s11, s8, $0xb8;
	[tilespmem:$0x1A400] =	vst v63  }
0x11b: {  	s15 =	sadd.s32 $0x540, s0  }
0x11c: {  	[tilespmem:s10], [sflag:$0x2] =	stream.indirect.gather [hbm4b:s3+s8], $0x20, s15, s8, $0xb8;
	[tilespmem:$0x1A400] =	vst v63  }
0x11d: {  	s12 =	rddreg [dreg:$0x6];
	s16 =	sadd.s32 $0x580, s0  }
0x11e: {  	[tilespmem:s12], [sflag:$0x2] =	stream.indirect.gather [hbm4b:s3+s8], $0x20, s16, s8, $0xb8;
	[tilespmem:$0x1A400] =	vst v63  }
0x11f: {  	s17 =	rddreg [dreg:$0x7];
	s18 =	sadd.s32 $0x5C0, s0  }
0x120: {  	[tilespmem:s17], [sflag:$0x2] =	stream.indirect.gather [hbm4b:s3+s8], $0x20, s18, s8, $0xb8;
	[tilespmem:$0x1A400] =	vst v63  }
0x121: {  	s19 =	rddreg [dreg:$0x8];
	s20 =	sadd.s32 $0x600, s0  }
0x122: {  	[tilespmem:s19], [sflag:$0x2] =	stream.indirect.gather [hbm4b:s3+s8], $0x20, s20, s8, $0xb8;
	[tilespmem:$0x1A400] =	vst v63  }
0x123: {  	s21 =	rddreg [dreg:$0x9];
	s12 =	sadd.s32 $0x640, s0  }
0x124: {  	[tilespmem:s21], [sflag:$0x2] =	stream.indirect.gather [hbm4b:s3+s8], $0x20, s12, s8, $0xb8;
	[tilespmem:$0x1A400] =	vst v63  }
0x125: {  	s13 =	rddreg [dreg:$0xa];
	s14 =	sadd.s32 $0x680, s0  }
0x126: {  	[tilespmem:s13], [sflag:$0x2] =	stream.indirect.gather [hbm4b:s3+s8], $0x20, s14, s8, $0xb8;
	[tilespmem:$0x1A400] =	vst v63  }
0x127: {  	s15 =	rddreg [dreg:$0xb];
	s16 =	sadd.s32 $0x6C0, s0  }
0x128: {  	[tilespmem:s15], [sflag:$0x2] =	stream.indirect.gather [hbm4b:s3+s8], $0x20, s16, s8, $0xb8;
	[tilespmem:$0x1A400] =	vst v63  }
0x129: {  	s17 =	rddreg [dreg:$0xc];
	s18 =	sadd.s32 $0x700, s0  }
0x12a: {  	[tilespmem:s17], [sflag:$0x2] =	stream.indirect.gather [hbm4b:s3+s8], $0x20, s18, s8, $0xb8;
	[tilespmem:$0x1A400] =	vst v63  }
0x12b: {  	s19 =	rddreg [dreg:$0xd];
	s20 =	sadd.s32 $0x740, s0  }
0x12c: {  	[tilespmem:s19], [sflag:$0x2] =	stream.indirect.gather [hbm4b:s3+s8], $0x20, s20, s8, $0xb8;
	[tilespmem:$0x1A400] =	vst v63  }
0x12d: {  	s11 =	sadd.s32 $0x780, s0;
	s21 =	rddreg [dreg:$0xe]  }
0x12e: {  	[tilespmem:s21], [sflag:$0x2] =	stream.indirect.gather [hbm4b:s3+s8], $0x20, s11, s8, $0xb8;
	[tilespmem:$0x1A400] =	vst v63  }
0x12f: {  	s13 =	rddreg [dreg:$0xf];
	s14 =	sadd.s32 $0x7C0, s0  }
0x130: {  	[tilespmem:s13], [sflag:$0x2] =	stream.indirect.gather [hbm4b:s3+s8], $0x20, s14, s8, $0xb8;
	[tilespmem:$0x1A400] =	vst v63  }
0x131: {  	s15 =	rddreg [dreg:$0x10];
	s16 =	sadd.s32 $0x800, s0  }
0x132: {  	[tilespmem:s15], [sflag:$0x2] =	stream.indirect.gather [hbm4b:s3+s8], $0x20, s16, s8, $0xb8;
	[tilespmem:$0x1A400] =	vst v63  }
0x133: {  	s17 =	rddreg [dreg:$0x11];
	s18 =	sadd.s32 $0x840, s0  }
0x134: {  	[tilespmem:s17], [sflag:$0x2] =	stream.indirect.gather [hbm4b:s3+s8], $0x20, s18, s8, $0xb8;
	[tilespmem:$0x1A400] =	vst v63  }
0x135: {  	s19 =	rddreg [dreg:$0x12];
	s20 =	sadd.s32 $0x880, s0  }
0x136: {  	[tilespmem:s19], [sflag:$0x2] =	stream.indirect.gather [hbm4b:s3+s8], $0x20, s20, s8, $0xb8;
	[tilespmem:$0x1A400] =	vst v63  }
0x137: {  	s12 =	sadd.s32 $0x8C0, s0;
	s21 =	rddreg [dreg:$0x13]  }
0x138: {  	[tilespmem:s21], [sflag:$0x2] =	stream.indirect.gather [hbm4b:s3+s8], $0x20, s12, s8, $0xb8;
	[tilespmem:$0x1A400] =	vst v63  }
0x139: {  	s13 =	rddreg [dreg:$0x14];
	s14 =	sadd.s32 $0x900, s0  }
0x13a: {  	[tilespmem:s13], [sflag:$0x2] =	stream.indirect.gather [hbm4b:s3+s8], $0x20, s14, s8, $0xb8;
	[tilespmem:$0x1A400] =	vst v63  }
0x13b: {  	s15 =	rddreg [dreg:$0x15];
	s16 =	sadd.s32 $0x940, s0  }
0x13c: {  	[tilespmem:s15], [sflag:$0x2] =	stream.indirect.gather [hbm4b:s3+s8], $0x20, s16, s8, $0xb8;
	[tilespmem:$0x1A400] =	vst v63  }
0x13d: {  	s17 =	rddreg [dreg:$0x16];
	s18 =	sadd.s32 $0x980, s0  }
0x13e: {  	[tilespmem:s17], [sflag:$0x2] =	stream.indirect.gather [hbm4b:s3+s8], $0x20, s18, s8, $0xb8;
	[tilespmem:$0x1A400] =	vst v63  }
0x13f: {  	s19 =	rddreg [dreg:$0x17];
	s20 =	sadd.s32 $0x9C0, s0  }
0x140: {  	[tilespmem:s19], [sflag:$0x2] =	stream.indirect.gather [hbm4b:s3+s8], $0x20, s20, s8, $0xb8;
	[tilespmem:$0x1A400] =	vst v63  }
0x141: {  	_ =	swait.ge [sflag:s26], $0x800  }
0x142: {  	[sflag:s26] =	ssyncset.done $0x0  }
0x143: {  	[sflag:s26] =	ssyncadd.s32 $0xFFFFF800  }
0x144: {  	_ =	swait.ge [sflag:s26], $0x800  }
0x145: {  	[sflag:s26] =	ssyncset.done $0x0  }
0x146: {  	[sflag:s26] =	ssyncadd.s32 $0xFFFFF800  }
0x147: {  	_ =	swait.ge [sflag:s26], $0x800  }
0x148: {  	[sflag:s26] =	ssyncset.done $0x0  }
0x149: {  	[sflag:s26] =	ssyncadd.s32 $0xFFFFF800  }
0x14a: {  	_ =	swait.ge [sflag:s26], $0x800  }
0x14b: {  	[sflag:s26] =	ssyncset.done $0x0  }
0x14c: {  	[sflag:s26] =	ssyncadd.s32 $0xFFFFF800  }
0x14d: {  	_ =	swait.ge [sflag:s26], $0x800  }
0x14e: {  	[sflag:s26] =	ssyncset.done $0x0  }
0x14f: {  	[sflag:s26] =	ssyncadd.s32 $0xFFFFF800  }
0x150: {  	_ =	swait.ge [sflag:s26], $0x800  }
0x151: {  	[sflag:s26] =	ssyncset.done $0x0  }
0x152: {  	[sflag:s26] =	ssyncadd.s32 $0xFFFFF800  }
0x153: {  	_ =	swait.ge [sflag:s26], $0x800  }
0x154: {  	[sflag:s26] =	ssyncset.done $0x0  }
0x155: {  	[sflag:s26] =	ssyncadd.s32 $0xFFFFF800  }
0x156: {  	_ =	swait.ge [sflag:s26], $0x800  }
0x157: {  	[sflag:s26] =	ssyncset.done $0x0  }
0x158: {  	[sflag:s26] =	ssyncadd.s32 $0xFFFFF800  }
0x159: {  	_ =	swait.ge [sflag:s26], $0x800  }
0x15a: {  	[sflag:s26] =	ssyncset.done $0x0  }
0x15b: {  	[sflag:s26] =	ssyncadd.s32 $0xFFFFF800  }
0x15c: {  	_ =	swait.ge [sflag:s26], $0x800  }
0x15d: {  	[sflag:s26] =	ssyncset.done $0x0  }
0x15e: {  	[sflag:s26] =	ssyncadd.s32 $0xFFFFF800  }
0x15f: {  	_ =	swait.ge [sflag:s26], $0x800  }
0x160: {  	[sflag:s26] =	ssyncset.done $0x0  }
0x161: {  	[sflag:s26] =	ssyncadd.s32 $0xFFFFF800  }
0x162: {  	_ =	swait.ge [sflag:s26], $0x800  }
0x163: {  	[sflag:s26] =	ssyncset.done $0x0  }
0x164: {  	[sflag:s26] =	ssyncadd.s32 $0xFFFFF800  }
0x165: {  	_ =	swait.ge [sflag:s26], $0x800  }
0x166: {  	[sflag:s26] =	ssyncset.done $0x0  }
0x167: {  	[sflag:s26] =	ssyncadd.s32 $0xFFFFF800  }
0x168: {  	_ =	swait.ge [sflag:s26], $0x800  }
0x169: {  	[sflag:s26] =	ssyncset.done $0x0  }
0x16a: {  	[sflag:s26] =	ssyncadd.s32 $0xFFFFF800  }
0x16b: {  	_ =	swait.ge [sflag:s26], $0x800  }
0x16c: {  	[sflag:s26] =	ssyncset.done $0x0  }
0x16d: {  	[sflag:s26] =	ssyncadd.s32 $0xFFFFF800  }
0x16e: {  	_ =	swait.ge [sflag:s26], $0x800  }
0x16f: {  	[sflag:s26] =	ssyncset.done $0x0  }
0x170: {  	[sflag:s26] =	ssyncadd.s32 $0xFFFFF800  }
0x171: {  	_ =	swait.ge [sflag:s26], $0x800  }
0x172: {  	[sflag:s26] =	ssyncset.done $0x0  }
0x173: {  	[sflag:s26] =	ssyncadd.s32 $0xFFFFF800  }
0x174: {  	_ =	swait.ge [sflag:s26], $0x800  }
0x175: {  	[sflag:s26] =	ssyncset.done $0x0  }
0x176: {  	[sflag:s26] =	ssyncadd.s32 $0xFFFFF800  }
0x177: {  	_ =	swait.ge [sflag:s26], $0x800  }
0x178: {  	[sflag:s26] =	ssyncset.done $0x0  }
0x179: {  	[sflag:s26] =	ssyncadd.s32 $0xFFFFF800  }
0x17a: {  	_ =	swait.ge [sflag:s26], $0x800  }
0x17b: {  	s21 =	rddreg [dreg:$0x4];
	[sflag:s26] =	ssyncset.done $0x0  }
0x17c: {  	[sflag:s26] =	ssyncadd.s32 $0xFFFFF800;
	s0 =	sadd.s32 s30, s21  }
0x17d: {  	[hbm4b:s0+s2] =	stream.linear.scatter [tilespmem:s9], [sflag:$0x3], $0xA000, $0x38;
	[tilespmem:$0x1A400] =	vst v63  }
0x17e: {  	p1 =	seq.s32 s30, $0x16800;
	_ =	swait.ge [sflag:s7], $0xA000  }
0x17f: {  	s10 =	simm.s32 @!p1 $0x40;
	s30 =	sshra.s32 @!p1 s30, $0x2;
	[sflag:s7] =	ssyncset.done $0x0  }
0x180: {  	s11 =	simm.s32 @!p1 $0x6400;
	s12 =	sadd.s32 @!p1 $0xA00, s30;
	[sflag:s7] =	ssyncadd.s32 $0xFFFF6000  }
0x181: {  	[tilespmem:s11], [sflag:$0x1] =	stream.indirect.gather @!p1 [hbm4b:s3+s10], $0x20, s12, s10, $0xb8;
	[tilespmem:$0x1A400] =	vst v63  }
0x182: {  	s11 =	sadd.s32 @!p1 $0xA40, s30;
	s12 =	simm.s32 @!p1 $0x6C00  }
0x183: {  	[tilespmem:s12], [sflag:$0x1] =	stream.indirect.gather @!p1 [hbm4b:s3+s10], $0x20, s11, s10, $0xb8;
	[tilespmem:$0x1A400] =	vst v63  }
0x184: {  	s1 =	smov.u32 s31;
	s13 =	sadd.s32 @!p1 $0xA80, s30;
	s11 =	simm.s32 @!p1 $0x7400  }
0x185: {  	[tilespmem:s11], [sflag:$0x1] =	stream.indirect.gather @!p1 [hbm4b:s3+s10], $0x20, s13, s10, $0xb8;
	[tilespmem:$0x1A400] =	vst v63  }
0x186: {  	s14 =	sadd.s32 @!p1 $0xB00, s30;
	s12 =	sadd.s32 @!p1 $0xAC0, s30;
	s11 =	simm.s32 @!p1 $0x7C00  }
0x187: {  	[tilespmem:s11], [sflag:$0x1] =	stream.indirect.gather @!p1 [hbm4b:s3+s10], $0x20, s12, s10, $0xb8;
	[tilespmem:$0x1A400] =	vst v63  }
0x188: {  	s15 =	sadd.s32 @!p1 $0xB80, s30;
	s16 =	sadd.s32 @!p1 $0xC00, s30;
	s11 =	simm.s32 @!p1 $0x8400  }
0x189: {  	[tilespmem:s11], [sflag:$0x1] =	stream.indirect.gather @!p1 [hbm4b:s3+s10], $0x20, s14, s10, $0xb8;
	[tilespmem:$0x1A400] =	vst v63  }
0x18a: {  	s17 =	sadd.s32 @!p1 $0xC80, s30;
	s13 =	sadd.s32 @!p1 $0xB40, s30;
	s11 =	simm.s32 @!p1 $0x8C00  }
0x18b: {  	[tilespmem:s11], [sflag:$0x1] =	stream.indirect.gather @!p1 [hbm4b:s3+s10], $0x20, s13, s10, $0xb8;
	[tilespmem:$0x1A400] =	vst v63  }
0x18c: {  	s18 =	sadd.s32 @!p1 $0xD00, s30;
	s19 =	sadd.s32 @!p1 $0xD80, s30;
	s11 =	simm.s32 @!p1 $0x9400  }
0x18d: {  	[tilespmem:s11], [sflag:$0x1] =	stream.indirect.gather @!p1 [hbm4b:s3+s10], $0x20, s15, s10, $0xb8;
	[tilespmem:$0x1A400] =	vst v63  }
0x18e: {  	s20 =	sadd.s32 @!p1 $0xE00, s30;
	s12 =	sadd.s32 @!p1 $0xBC0, s30;
	s11 =	simm.s32 @!p1 $0x9C00  }
0x18f: {  	[tilespmem:s11], [sflag:$0x1] =	stream.indirect.gather @!p1 [hbm4b:s3+s10], $0x20, s12, s10, $0xb8;
	[tilespmem:$0x1A400] =	vst v63  }
0x190: {  	s21 =	sadd.s32 @!p1 $0xE80, s30;
	s14 =	sadd.s32 @!p1 $0xC40, s30;
	s11 =	simm.s32 @!p1 $0xA400  }
0x191: {  	[tilespmem:s11], [sflag:$0x1] =	stream.indirect.gather @!p1 [hbm4b:s3+s10], $0x20, s16, s10, $0xb8;
	[tilespmem:$0x1A400] =	vst v63  }
0x192: {  	s13 =	sadd.s32 @!p1 $0xCC0, s30;
	s15 =	sadd.s32 @!p1 $0xD40, s30;
	s11 =	simm.s32 @!p1 $0xAC00  }
0x193: {  	[tilespmem:s11], [sflag:$0x1] =	stream.indirect.gather @!p1 [hbm4b:s3+s10], $0x20, s14, s10, $0xb8;
	[tilespmem:$0x1A400] =	vst v63  }
0x194: {  	s12 =	sadd.s32 @!p1 $0xDC0, s30;
	s16 =	sadd.s32 @!p1 $0xE40, s30;
	s11 =	simm.s32 @!p1 $0xB400  }
0x195: {  	[tilespmem:s11], [sflag:$0x1] =	stream.indirect.gather @!p1 [hbm4b:s3+s10], $0x20, s17, s10, $0xb8;
	[tilespmem:$0x1A400] =	vst v63  }
0x196: {  	s14 =	sadd.s32 @!p1 $0xEC0, s30;
	s30 =	smov.u32 s1;
	s1 =	simm.s32 @!p1 $0xBC00  }
0x197: {  	[tilespmem:s1], [sflag:$0x1] =	stream.indirect.gather @!p1 [hbm4b:s3+s10], $0x20, s13, s10, $0xb8;
	[tilespmem:$0x1A400] =	vst v63  }
0x198: {  	s1 =	simm.s32 @!p1 $0xC400  }
0x199: {  	[tilespmem:s1], [sflag:$0x1] =	stream.indirect.gather @!p1 [hbm4b:s3+s10], $0x20, s18, s10, $0xb8;
	[tilespmem:$0x1A400] =	vst v63  }
0x19a: {  	s1 =	simm.s32 @!p1 $0xCC00  }
0x19b: {  	[tilespmem:s1], [sflag:$0x1] =	stream.indirect.gather @!p1 [hbm4b:s3+s10], $0x20, s15, s10, $0xb8;
	[tilespmem:$0x1A400] =	vst v63  }
0x19c: {  	s1 =	simm.s32 @!p1 $0xD400  }
0x19d: {  	[tilespmem:s1], [sflag:$0x1] =	stream.indirect.gather @!p1 [hbm4b:s3+s10], $0x20, s19, s10, $0xb8;
	[tilespmem:$0x1A400] =	vst v63  }
0x19e: {  	s1 =	simm.s32 @!p1 $0xDC00  }
0x19f: {  	[tilespmem:s1], [sflag:$0x1] =	stream.indirect.gather @!p1 [hbm4b:s3+s10], $0x20, s12, s10, $0xb8;
	[tilespmem:$0x1A400] =	vst v63  }
0x1a0: {  	s1 =	simm.s32 @!p1 $0xE400  }
0x1a1: {  	[tilespmem:s1], [sflag:$0x1] =	stream.indirect.gather @!p1 [hbm4b:s3+s10], $0x20, s20, s10, $0xb8;
	[tilespmem:$0x1A400] =	vst v63  }
0x1a2: {  	s1 =	simm.s32 @!p1 $0xEC00  }
0x1a3: {  	[tilespmem:s1], [sflag:$0x1] =	stream.indirect.gather @!p1 [hbm4b:s3+s10], $0x20, s16, s10, $0xb8;
	[tilespmem:$0x1A400] =	vst v63  }
0x1a4: {  	s1 =	simm.s32 @!p1 $0xF400  }
0x1a5: {  	[tilespmem:s1], [sflag:$0x1] =	stream.indirect.gather @!p1 [hbm4b:s3+s10], $0x20, s21, s10, $0xb8;
	[tilespmem:$0x1A400] =	vst v63  }
0x1a6: {  	s1 =	simm.s32 @!p1 $0xFC00  }
0x1a7: {  	[tilespmem:s1], [sflag:$0x1] =	stream.indirect.gather @!p1 [hbm4b:s3+s10], $0x20, s14, s10, $0xb8;
	[tilespmem:$0x1A400] =	vst v63  }
0x1a8: {  	_ =	swait.ge [sflag:s28], $0x800  }
0x1a9: {  	[sflag:s28] =	ssyncset.done $0x0  }
0x1aa: {  	[sflag:s28] =	ssyncadd.s32 $0xFFFFF800  }
0x1ab: {  	_ =	swait.ge [sflag:s28], $0x800  }
0x1ac: {  	[sflag:s28] =	ssyncset.done $0x0  }
0x1ad: {  	[sflag:s28] =	ssyncadd.s32 $0xFFFFF800  }
0x1ae: {  	_ =	swait.ge [sflag:s28], $0x800  }
0x1af: {  	[sflag:s28] =	ssyncset.done $0x0  }
0x1b0: {  	[sflag:s28] =	ssyncadd.s32 $0xFFFFF800  }
0x1b1: {  	_ =	swait.ge [sflag:s28], $0x800  }
0x1b2: {  	[sflag:s28] =	ssyncset.done $0x0  }
0x1b3: {  	[sflag:s28] =	ssyncadd.s32 $0xFFFFF800  }
0x1b4: {  	_ =	swait.ge [sflag:s28], $0x800  }
0x1b5: {  	[sflag:s28] =	ssyncset.done $0x0  }
0x1b6: {  	[sflag:s28] =	ssyncadd.s32 $0xFFFFF800  }
0x1b7: {  	_ =	swait.ge [sflag:s28], $0x800  }
0x1b8: {  	[sflag:s28] =	ssyncset.done $0x0  }
0x1b9: {  	[sflag:s28] =	ssyncadd.s32 $0xFFFFF800  }
0x1ba: {  	_ =	swait.ge [sflag:s28], $0x800  }
0x1bb: {  	[sflag:s28] =	ssyncset.done $0x0  }
0x1bc: {  	[sflag:s28] =	ssyncadd.s32 $0xFFFFF800  }
0x1bd: {  	_ =	swait.ge [sflag:s28], $0x800  }
0x1be: {  	[sflag:s28] =	ssyncset.done $0x0  }
0x1bf: {  	[sflag:s28] =	ssyncadd.s32 $0xFFFFF800  }
0x1c0: {  	_ =	swait.ge [sflag:s28], $0x800  }
0x1c1: {  	[sflag:s28] =	ssyncset.done $0x0  }
0x1c2: {  	[sflag:s28] =	ssyncadd.s32 $0xFFFFF800  }
0x1c3: {  	_ =	swait.ge [sflag:s28], $0x800  }
0x1c4: {  	[sflag:s28] =	ssyncset.done $0x0  }
0x1c5: {  	[sflag:s28] =	ssyncadd.s32 $0xFFFFF800  }
0x1c6: {  	_ =	swait.ge [sflag:s28], $0x800  }
0x1c7: {  	[sflag:s28] =	ssyncset.done $0x0  }
0x1c8: {  	[sflag:s28] =	ssyncadd.s32 $0xFFFFF800  }
0x1c9: {  	_ =	swait.ge [sflag:s28], $0x800  }
0x1ca: {  	[sflag:s28] =	ssyncset.done $0x0  }
0x1cb: {  	[sflag:s28] =	ssyncadd.s32 $0xFFFFF800  }
0x1cc: {  	_ =	swait.ge [sflag:s28], $0x800  }
0x1cd: {  	[sflag:s28] =	ssyncset.done $0x0  }
0x1ce: {  	[sflag:s28] =	ssyncadd.s32 $0xFFFFF800  }
0x1cf: {  	_ =	swait.ge [sflag:s28], $0x800  }
0x1d0: {  	[sflag:s28] =	ssyncset.done $0x0  }
0x1d1: {  	[sflag:s28] =	ssyncadd.s32 $0xFFFFF800  }
0x1d2: {  	_ =	swait.ge [sflag:s28], $0x800  }
0x1d3: {  	[sflag:s28] =	ssyncset.done $0x0  }
0x1d4: {  	[sflag:s28] =	ssyncadd.s32 $0xFFFFF800  }
0x1d5: {  	_ =	swait.ge [sflag:s28], $0x800  }
0x1d6: {  	[sflag:s28] =	ssyncset.done $0x0  }
0x1d7: {  	[sflag:s28] =	ssyncadd.s32 $0xFFFFF800  }
0x1d8: {  	_ =	swait.ge [sflag:s28], $0x800  }
0x1d9: {  	[sflag:s28] =	ssyncset.done $0x0  }
0x1da: {  	[sflag:s28] =	ssyncadd.s32 $0xFFFFF800  }
0x1db: {  	_ =	swait.ge [sflag:s28], $0x800  }
0x1dc: {  	[sflag:s28] =	ssyncset.done $0x0  }
0x1dd: {  	[sflag:s28] =	ssyncadd.s32 $0xFFFFF800  }
0x1de: {  	_ =	swait.ge [sflag:s28], $0x800  }
0x1df: {  	[sflag:s28] =	ssyncset.done $0x0  }
0x1e0: {  	s31 =	sadd.s32 $0x2800, s31;
	[sflag:s28] =	ssyncadd.s32 $0xFFFFF800  }
0x1e1: {  	p0 =	sne.s32 s31, $0x19000;
	_ =	swait.ge [sflag:s28], $0x800  }
.Ltmp0:
0x1e2: {  	[sflag:s28] =	ssyncset.done $0x0;
	(pc) =	sbr.rel @p0 .LBB2_2-.Ltmp0, $4  }
0x1e3: {  	s0 =	sadd.s32 $0x1400, s0;
	[sflag:s28] =	ssyncadd.s32 $0xFFFFF800  }
0x1e4: {  	[hbm4b:s0+s2] =	stream.linear.scatter [tilespmem:s25], [sflag:$0x3], $0xA000, $0x38;
	[tilespmem:$0x1A400] =	vst v63  }
0x1e5: {  	_ =	swait.ge [sflag:s7], $0xA000  }
0x1e6: {  	s0 =	sshra.s32 s30, $0x2;
	s10 =	rddreg [dreg:$0x5];
	[sflag:s7] =	ssyncset.done $0x0  }
0x1e7: {  	s1 =	sadd.s32 $0x500, s0;
	[sflag:s7] =	ssyncadd.s32 $0xFFFF6000  }
0x1e8: {  	[tilespmem:s25], [sflag:$0x2] =	stream.indirect.gather [hbm4b:s3+s8], $0x20, s1, s8, $0xb8;
	[tilespmem:$0x1A400] =	vst v63  }
0x1e9: {  	s31 =	sadd.s32 $0x540, s0  }
0x1ea: {  	[tilespmem:s10], [sflag:$0x2] =	stream.indirect.gather [hbm4b:s3+s8], $0x20, s31, s8, $0xb8;
	[tilespmem:$0x1A400] =	vst v63  }
0x1eb: {  	s11 =	rddreg [dreg:$0x6];
	s10 =	sadd.s32 $0x580, s0  }
0x1ec: {  	[tilespmem:s11], [sflag:$0x2] =	stream.indirect.gather [hbm4b:s3+s8], $0x20, s10, s8, $0xb8;
	[tilespmem:$0x1A400] =	vst v63  }
0x1ed: {  	s12 =	rddreg [dreg:$0x7];
	s13 =	sadd.s32 $0x5C0, s0  }
0x1ee: {  	[tilespmem:s12], [sflag:$0x2] =	stream.indirect.gather [hbm4b:s3+s8], $0x20, s13, s8, $0xb8;
	[tilespmem:$0x1A400] =	vst v63  }
0x1ef: {  	s14 =	rddreg [dreg:$0x8];
	s15 =	sadd.s32 $0x600, s0  }
0x1f0: {  	[tilespmem:s14], [sflag:$0x2] =	stream.indirect.gather [hbm4b:s3+s8], $0x20, s15, s8, $0xb8;
	[tilespmem:$0x1A400] =	vst v63  }
0x1f1: {  	s16 =	rddreg [dreg:$0x9];
	s17 =	sadd.s32 $0x640, s0  }
0x1f2: {  	[tilespmem:s16], [sflag:$0x2] =	stream.indirect.gather [hbm4b:s3+s8], $0x20, s17, s8, $0xb8;
	[tilespmem:$0x1A400] =	vst v63  }
0x1f3: {  	s18 =	rddreg [dreg:$0xa];
	s19 =	sadd.s32 $0x680, s0  }
0x1f4: {  	[tilespmem:s18], [sflag:$0x2] =	stream.indirect.gather [hbm4b:s3+s8], $0x20, s19, s8, $0xb8;
	[tilespmem:$0x1A400] =	vst v63  }
0x1f5: {  	s20 =	rddreg [dreg:$0xb];
	s21 =	sadd.s32 $0x6C0, s0  }
0x1f6: {  	[tilespmem:s20], [sflag:$0x2] =	stream.indirect.gather [hbm4b:s3+s8], $0x20, s21, s8, $0xb8;
	[tilespmem:$0x1A400] =	vst v63  }
0x1f7: {  	s31 =	rddreg [dreg:$0xc];
	s10 =	sadd.s32 $0x700, s0  }
0x1f8: {  	[tilespmem:s31], [sflag:$0x2] =	stream.indirect.gather [hbm4b:s3+s8], $0x20, s10, s8, $0xb8;
	[tilespmem:$0x1A400] =	vst v63  }
0x1f9: {  	s12 =	rddreg [dreg:$0xd];
	s13 =	sadd.s32 $0x740, s0  }
0x1fa: {  	[tilespmem:s12], [sflag:$0x2] =	stream.indirect.gather [hbm4b:s3+s8], $0x20, s13, s8, $0xb8;
	[tilespmem:$0x1A400] =	vst v63  }
0x1fb: {  	s14 =	rddreg [dreg:$0xe];
	s15 =	sadd.s32 $0x780, s0  }
0x1fc: {  	[tilespmem:s14], [sflag:$0x2] =	stream.indirect.gather [hbm4b:s3+s8], $0x20, s15, s8, $0xb8;
	[tilespmem:$0x1A400] =	vst v63  }
0x1fd: {  	s16 =	rddreg [dreg:$0xf];
	s17 =	sadd.s32 $0x7C0, s0  }
0x1fe: {  	[tilespmem:s16], [sflag:$0x2] =	stream.indirect.gather [hbm4b:s3+s8], $0x20, s17, s8, $0xb8;
	[tilespmem:$0x1A400] =	vst v63  }
0x1ff: {  	s18 =	rddreg [dreg:$0x10];
	s19 =	sadd.s32 $0x800, s0  }
0x200: {  	[tilespmem:s18], [sflag:$0x2] =	stream.indirect.gather [hbm4b:s3+s8], $0x20, s19, s8, $0xb8;
	[tilespmem:$0x1A400] =	vst v63  }
0x201: {  	s20 =	rddreg [dreg:$0x11];
	s21 =	sadd.s32 $0x840, s0  }
0x202: {  	[tilespmem:s20], [sflag:$0x2] =	stream.indirect.gather [hbm4b:s3+s8], $0x20, s21, s8, $0xb8;
	[tilespmem:$0x1A400] =	vst v63  }
0x203: {  	s31 =	rddreg [dreg:$0x12];
	s10 =	sadd.s32 $0x880, s0  }
0x204: {  	[tilespmem:s31], [sflag:$0x2] =	stream.indirect.gather [hbm4b:s3+s8], $0x20, s10, s8, $0xb8;
	[tilespmem:$0x1A400] =	vst v63  }
0x205: {  	s12 =	rddreg [dreg:$0x13];
	s13 =	sadd.s32 $0x8C0, s0  }
0x206: {  	[tilespmem:s12], [sflag:$0x2] =	stream.indirect.gather [hbm4b:s3+s8], $0x20, s13, s8, $0xb8;
	[tilespmem:$0x1A400] =	vst v63  }
0x207: {  	s14 =	rddreg [dreg:$0x14];
	s15 =	sadd.s32 $0x900, s0  }
0x208: {  	[tilespmem:s14], [sflag:$0x2] =	stream.indirect.gather [hbm4b:s3+s8], $0x20, s15, s8, $0xb8;
	[tilespmem:$0x1A400] =	vst v63  }
0x209: {  	s16 =	rddreg [dreg:$0x15];
	s17 =	sadd.s32 $0x940, s0  }
0x20a: {  	[tilespmem:s16], [sflag:$0x2] =	stream.indirect.gather [hbm4b:s3+s8], $0x20, s17, s8, $0xb8;
	[tilespmem:$0x1A400] =	vst v63  }
0x20b: {  	s18 =	rddreg [dreg:$0x16];
	s19 =	sadd.s32 $0x980, s0  }
0x20c: {  	[tilespmem:s18], [sflag:$0x2] =	stream.indirect.gather [hbm4b:s3+s8], $0x20, s19, s8, $0xb8;
	[tilespmem:$0x1A400] =	vst v63  }
0x20d: {  	s20 =	rddreg [dreg:$0x17];
	s21 =	sadd.s32 $0x9C0, s0  }
0x20e: {  	[tilespmem:s20], [sflag:$0x2] =	stream.indirect.gather [hbm4b:s3+s8], $0x20, s21, s8, $0xb8;
	[tilespmem:$0x1A400] =	vst v63  }
0x20f: {  	_ =	swait.ge [sflag:s26], $0x800  }
0x210: {  	[sflag:s26] =	ssyncset.done $0x0  }
0x211: {  	[sflag:s26] =	ssyncadd.s32 $0xFFFFF800  }
0x212: {  	_ =	swait.ge [sflag:s26], $0x800  }
0x213: {  	[sflag:s26] =	ssyncset.done $0x0  }
0x214: {  	[sflag:s26] =	ssyncadd.s32 $0xFFFFF800  }
0x215: {  	_ =	swait.ge [sflag:s26], $0x800  }
0x216: {  	[sflag:s26] =	ssyncset.done $0x0  }
0x217: {  	[sflag:s26] =	ssyncadd.s32 $0xFFFFF800  }
0x218: {  	_ =	swait.ge [sflag:s26], $0x800  }
0x219: {  	[sflag:s26] =	ssyncset.done $0x0  }
0x21a: {  	[sflag:s26] =	ssyncadd.s32 $0xFFFFF800  }
0x21b: {  	_ =	swait.ge [sflag:s26], $0x800  }
0x21c: {  	[sflag:s26] =	ssyncset.done $0x0  }
0x21d: {  	[sflag:s26] =	ssyncadd.s32 $0xFFFFF800  }
0x21e: {  	_ =	swait.ge [sflag:s26], $0x800  }
0x21f: {  	[sflag:s26] =	ssyncset.done $0x0  }
0x220: {  	[sflag:s26] =	ssyncadd.s32 $0xFFFFF800  }
0x221: {  	_ =	swait.ge [sflag:s26], $0x800  }
0x222: {  	[sflag:s26] =	ssyncset.done $0x0  }
0x223: {  	[sflag:s26] =	ssyncadd.s32 $0xFFFFF800  }
0x224: {  	_ =	swait.ge [sflag:s26], $0x800  }
0x225: {  	[sflag:s26] =	ssyncset.done $0x0  }
0x226: {  	[sflag:s26] =	ssyncadd.s32 $0xFFFFF800  }
0x227: {  	_ =	swait.ge [sflag:s26], $0x800  }
0x228: {  	[sflag:s26] =	ssyncset.done $0x0  }
0x229: {  	[sflag:s26] =	ssyncadd.s32 $0xFFFFF800  }
0x22a: {  	_ =	swait.ge [sflag:s26], $0x800  }
0x22b: {  	[sflag:s26] =	ssyncset.done $0x0  }
0x22c: {  	[sflag:s26] =	ssyncadd.s32 $0xFFFFF800  }
0x22d: {  	_ =	swait.ge [sflag:s26], $0x800  }
0x22e: {  	[sflag:s26] =	ssyncset.done $0x0  }
0x22f: {  	[sflag:s26] =	ssyncadd.s32 $0xFFFFF800  }
0x230: {  	_ =	swait.ge [sflag:s26], $0x800  }
0x231: {  	[sflag:s26] =	ssyncset.done $0x0  }
0x232: {  	[sflag:s26] =	ssyncadd.s32 $0xFFFFF800  }
0x233: {  	_ =	swait.ge [sflag:s26], $0x800  }
0x234: {  	[sflag:s26] =	ssyncset.done $0x0  }
0x235: {  	[sflag:s26] =	ssyncadd.s32 $0xFFFFF800  }
0x236: {  	_ =	swait.ge [sflag:s26], $0x800  }
0x237: {  	[sflag:s26] =	ssyncset.done $0x0  }
0x238: {  	[sflag:s26] =	ssyncadd.s32 $0xFFFFF800  }
0x239: {  	_ =	swait.ge [sflag:s26], $0x800  }
0x23a: {  	[sflag:s26] =	ssyncset.done $0x0  }
0x23b: {  	[sflag:s26] =	ssyncadd.s32 $0xFFFFF800  }
0x23c: {  	_ =	swait.ge [sflag:s26], $0x800  }
0x23d: {  	[sflag:s26] =	ssyncset.done $0x0  }
0x23e: {  	[sflag:s26] =	ssyncadd.s32 $0xFFFFF800  }
0x23f: {  	_ =	swait.ge [sflag:s26], $0x800  }
0x240: {  	[sflag:s26] =	ssyncset.done $0x0  }
0x241: {  	[sflag:s26] =	ssyncadd.s32 $0xFFFFF800  }
0x242: {  	_ =	swait.ge [sflag:s26], $0x800  }
0x243: {  	[sflag:s26] =	ssyncset.done $0x0  }
0x244: {  	[sflag:s26] =	ssyncadd.s32 $0xFFFFF800  }
0x245: {  	_ =	swait.ge [sflag:s26], $0x800  }
0x246: {  	[sflag:s26] =	ssyncset.done $0x0  }
0x247: {  	[sflag:s26] =	ssyncadd.s32 $0xFFFFF800  }
0x248: {  	_ =	swait.ge [sflag:s26], $0x800  }
0x249: {  	s31 =	rddreg [dreg:$0x4];
	[sflag:s26] =	ssyncset.done $0x0  }
0x24a: {  	p0 =	seq.s32 s30, $0x16800;
	[sflag:s26] =	ssyncadd.s32 $0xFFFFF800;
	s0 =	sadd.s32 s30, s31  }
0x24b: {  	[hbm4b:s0+s2] =	stream.linear.scatter [tilespmem:s9], [sflag:$0x3], $0xA000, $0x38;
	[tilespmem:$0x1A400] =	vst v63  }
0x24c: {  	s1 =	sshra.s32 @!p0 s30, $0x2;
	_ =	swait.ge [sflag:s7], $0xA000  }
0x24d: {  	s11 =	sadd.s32 @!p0 $0xA00, s1;
	[sflag:s7] =	ssyncset.done $0x0  }
0x24e: {  	s10 =	simm.s32 @!p0 $0x6400;
	s12 =	simm.s32 @!p0 $0x40;
	[sflag:s7] =	ssyncadd.s32 $0xFFFF6000  }
0x24f: {  	[tilespmem:s10], [sflag:$0x1] =	stream.indirect.gather @!p0 [hbm4b:s3+s12], $0x20, s11, s12, $0xb8;
	[tilespmem:$0x1A400] =	vst v63  }
0x250: {  	s10 =	sadd.s32 @!p0 $0xA40, s1;
	s11 =	simm.s32 @!p0 $0x6C00  }
0x251: {  	[tilespmem:s11], [sflag:$0x1] =	stream.indirect.gather @!p0 [hbm4b:s3+s12], $0x20, s10, s12, $0xb8;
	[tilespmem:$0x1A400] =	vst v63  }
0x252: {  	s10 =	sadd.s32 @!p0 $0xA80, s1;
	s11 =	simm.s32 @!p0 $0x7400  }
0x253: {  	[tilespmem:s11], [sflag:$0x1] =	stream.indirect.gather @!p0 [hbm4b:s3+s12], $0x20, s10, s12, $0xb8;
	[tilespmem:$0x1A400] =	vst v63  }
0x254: {  	s10 =	sadd.s32 @!p0 $0xAC0, s1;
	s11 =	simm.s32 @!p0 $0x7C00  }
0x255: {  	[tilespmem:s11], [sflag:$0x1] =	stream.indirect.gather @!p0 [hbm4b:s3+s12], $0x20, s10, s12, $0xb8;
	[tilespmem:$0x1A400] =	vst v63  }
0x256: {  	s10 =	sadd.s32 @!p0 $0xB00, s1;
	s11 =	simm.s32 @!p0 $0x8400  }
0x257: {  	[tilespmem:s11], [sflag:$0x1] =	stream.indirect.gather @!p0 [hbm4b:s3+s12], $0x20, s10, s12, $0xb8;
	[tilespmem:$0x1A400] =	vst v63  }
0x258: {  	s10 =	sadd.s32 @!p0 $0xB40, s1;
	s11 =	simm.s32 @!p0 $0x8C00  }
0x259: {  	[tilespmem:s11], [sflag:$0x1] =	stream.indirect.gather @!p0 [hbm4b:s3+s12], $0x20, s10, s12, $0xb8;
	[tilespmem:$0x1A400] =	vst v63  }
0x25a: {  	s10 =	sadd.s32 @!p0 $0xB80, s1;
	s11 =	simm.s32 @!p0 $0x9400  }
0x25b: {  	[tilespmem:s11], [sflag:$0x1] =	stream.indirect.gather @!p0 [hbm4b:s3+s12], $0x20, s10, s12, $0xb8;
	[tilespmem:$0x1A400] =	vst v63  }
0x25c: {  	s10 =	sadd.s32 @!p0 $0xBC0, s1;
	s11 =	simm.s32 @!p0 $0x9C00  }
0x25d: {  	[tilespmem:s11], [sflag:$0x1] =	stream.indirect.gather @!p0 [hbm4b:s3+s12], $0x20, s10, s12, $0xb8;
	[tilespmem:$0x1A400] =	vst v63  }
0x25e: {  	s10 =	sadd.s32 @!p0 $0xC00, s1;
	s11 =	simm.s32 @!p0 $0xA400  }
0x25f: {  	[tilespmem:s11], [sflag:$0x1] =	stream.indirect.gather @!p0 [hbm4b:s3+s12], $0x20, s10, s12, $0xb8;
	[tilespmem:$0x1A400] =	vst v63  }
0x260: {  	s10 =	sadd.s32 @!p0 $0xC40, s1;
	s11 =	simm.s32 @!p0 $0xAC00  }
0x261: {  	[tilespmem:s11], [sflag:$0x1] =	stream.indirect.gather @!p0 [hbm4b:s3+s12], $0x20, s10, s12, $0xb8;
	[tilespmem:$0x1A400] =	vst v63  }
0x262: {  	s10 =	sadd.s32 @!p0 $0xC80, s1;
	s11 =	simm.s32 @!p0 $0xB400  }
0x263: {  	[tilespmem:s11], [sflag:$0x1] =	stream.indirect.gather @!p0 [hbm4b:s3+s12], $0x20, s10, s12, $0xb8;
	[tilespmem:$0x1A400] =	vst v63  }
0x264: {  	s10 =	sadd.s32 @!p0 $0xCC0, s1;
	s11 =	simm.s32 @!p0 $0xBC00  }
0x265: {  	[tilespmem:s11], [sflag:$0x1] =	stream.indirect.gather @!p0 [hbm4b:s3+s12], $0x20, s10, s12, $0xb8;
	[tilespmem:$0x1A400] =	vst v63  }
0x266: {  	s10 =	sadd.s32 @!p0 $0xD00, s1;
	s11 =	simm.s32 @!p0 $0xC400  }
0x267: {  	[tilespmem:s11], [sflag:$0x1] =	stream.indirect.gather @!p0 [hbm4b:s3+s12], $0x20, s10, s12, $0xb8;
	[tilespmem:$0x1A400] =	vst v63  }
0x268: {  	s10 =	sadd.s32 @!p0 $0xD40, s1;
	s11 =	simm.s32 @!p0 $0xCC00  }
0x269: {  	[tilespmem:s11], [sflag:$0x1] =	stream.indirect.gather @!p0 [hbm4b:s3+s12], $0x20, s10, s12, $0xb8;
	[tilespmem:$0x1A400] =	vst v63  }
0x26a: {  	s10 =	sadd.s32 @!p0 $0xD80, s1;
	s11 =	simm.s32 @!p0 $0xD400  }
0x26b: {  	[tilespmem:s11], [sflag:$0x1] =	stream.indirect.gather @!p0 [hbm4b:s3+s12], $0x20, s10, s12, $0xb8;
	[tilespmem:$0x1A400] =	vst v63  }
0x26c: {  	s10 =	sadd.s32 @!p0 $0xDC0, s1;
	s11 =	simm.s32 @!p0 $0xDC00  }
0x26d: {  	[tilespmem:s11], [sflag:$0x1] =	stream.indirect.gather @!p0 [hbm4b:s3+s12], $0x20, s10, s12, $0xb8;
	[tilespmem:$0x1A400] =	vst v63  }
0x26e: {  	s10 =	sadd.s32 @!p0 $0xE00, s1;
	s11 =	simm.s32 @!p0 $0xE400  }
0x26f: {  	[tilespmem:s11], [sflag:$0x1] =	stream.indirect.gather @!p0 [hbm4b:s3+s12], $0x20, s10, s12, $0xb8;
	[tilespmem:$0x1A400] =	vst v63  }
0x270: {  	s10 =	sadd.s32 @!p0 $0xE40, s1;
	s11 =	simm.s32 @!p0 $0xEC00  }
0x271: {  	[tilespmem:s11], [sflag:$0x1] =	stream.indirect.gather @!p0 [hbm4b:s3+s12], $0x20, s10, s12, $0xb8;
	[tilespmem:$0x1A400] =	vst v63  }
0x272: {  	s10 =	sadd.s32 @!p0 $0xE80, s1;
	s11 =	simm.s32 @!p0 $0xF400  }
0x273: {  	[tilespmem:s11], [sflag:$0x1] =	stream.indirect.gather @!p0 [hbm4b:s3+s12], $0x20, s10, s12, $0xb8;
	[tilespmem:$0x1A400] =	vst v63  }
0x274: {  	s1 =	sadd.s32 @!p0 $0xEC0, s1;
	s10 =	simm.s32 @!p0 $0xFC00  }
0x275: {  	[tilespmem:s10], [sflag:$0x1] =	stream.indirect.gather @!p0 [hbm4b:s3+s12], $0x20, s1, s12, $0xb8;
	[tilespmem:$0x1A400] =	vst v63  }
0x276: {  	_ =	swait.ge [sflag:s28], $0x800  }
0x277: {  	[sflag:s28] =	ssyncset.done $0x0  }
0x278: {  	[sflag:s28] =	ssyncadd.s32 $0xFFFFF800  }
0x279: {  	_ =	swait.ge [sflag:s28], $0x800  }
0x27a: {  	[sflag:s28] =	ssyncset.done $0x0  }
0x27b: {  	[sflag:s28] =	ssyncadd.s32 $0xFFFFF800  }
0x27c: {  	_ =	swait.ge [sflag:s28], $0x800  }
0x27d: {  	[sflag:s28] =	ssyncset.done $0x0  }
0x27e: {  	[sflag:s28] =	ssyncadd.s32 $0xFFFFF800  }
0x27f: {  	_ =	swait.ge [sflag:s28], $0x800  }
0x280: {  	[sflag:s28] =	ssyncset.done $0x0  }
0x281: {  	[sflag:s28] =	ssyncadd.s32 $0xFFFFF800  }
0x282: {  	_ =	swait.ge [sflag:s28], $0x800  }
0x283: {  	[sflag:s28] =	ssyncset.done $0x0  }
0x284: {  	[sflag:s28] =	ssyncadd.s32 $0xFFFFF800  }
0x285: {  	_ =	swait.ge [sflag:s28], $0x800  }
0x286: {  	[sflag:s28] =	ssyncset.done $0x0  }
0x287: {  	[sflag:s28] =	ssyncadd.s32 $0xFFFFF800  }
0x288: {  	_ =	swait.ge [sflag:s28], $0x800  }
0x289: {  	[sflag:s28] =	ssyncset.done $0x0  }
0x28a: {  	[sflag:s28] =	ssyncadd.s32 $0xFFFFF800  }
0x28b: {  	_ =	swait.ge [sflag:s28], $0x800  }
0x28c: {  	[sflag:s28] =	ssyncset.done $0x0  }
0x28d: {  	[sflag:s28] =	ssyncadd.s32 $0xFFFFF800  }
0x28e: {  	_ =	swait.ge [sflag:s28], $0x800  }
0x28f: {  	[sflag:s28] =	ssyncset.done $0x0  }
0x290: {  	[sflag:s28] =	ssyncadd.s32 $0xFFFFF800  }
0x291: {  	_ =	swait.ge [sflag:s28], $0x800  }
0x292: {  	[sflag:s28] =	ssyncset.done $0x0  }
0x293: {  	[sflag:s28] =	ssyncadd.s32 $0xFFFFF800  }
0x294: {  	_ =	swait.ge [sflag:s28], $0x800  }
0x295: {  	[sflag:s28] =	ssyncset.done $0x0  }
0x296: {  	[sflag:s28] =	ssyncadd.s32 $0xFFFFF800  }
0x297: {  	_ =	swait.ge [sflag:s28], $0x800  }
0x298: {  	[sflag:s28] =	ssyncset.done $0x0  }
0x299: {  	[sflag:s28] =	ssyncadd.s32 $0xFFFFF800  }
0x29a: {  	_ =	swait.ge [sflag:s28], $0x800  }
0x29b: {  	[sflag:s28] =	ssyncset.done $0x0  }
0x29c: {  	[sflag:s28] =	ssyncadd.s32 $0xFFFFF800  }
0x29d: {  	_ =	swait.ge [sflag:s28], $0x800  }
0x29e: {  	[sflag:s28] =	ssyncset.done $0x0  }
0x29f: {  	[sflag:s28] =	ssyncadd.s32 $0xFFFFF800  }
0x2a0: {  	_ =	swait.ge [sflag:s28], $0x800  }
0x2a1: {  	[sflag:s28] =	ssyncset.done $0x0  }
0x2a2: {  	[sflag:s28] =	ssyncadd.s32 $0xFFFFF800  }
0x2a3: {  	_ =	swait.ge [sflag:s28], $0x800  }
0x2a4: {  	[sflag:s28] =	ssyncset.done $0x0  }
0x2a5: {  	[sflag:s28] =	ssyncadd.s32 $0xFFFFF800  }
0x2a6: {  	_ =	swait.ge [sflag:s28], $0x800  }
0x2a7: {  	[sflag:s28] =	ssyncset.done $0x0  }
0x2a8: {  	[sflag:s28] =	ssyncadd.s32 $0xFFFFF800  }
0x2a9: {  	_ =	swait.ge [sflag:s28], $0x800  }
0x2aa: {  	[sflag:s28] =	ssyncset.done $0x0  }
0x2ab: {  	[sflag:s28] =	ssyncadd.s32 $0xFFFFF800  }
0x2ac: {  	_ =	swait.ge [sflag:s28], $0x800  }
0x2ad: {  	[sflag:s28] =	ssyncset.done $0x0  }
0x2ae: {  	[sflag:s28] =	ssyncadd.s32 $0xFFFFF800  }
0x2af: {  	s29 =	sadd.s32 $0x1, s29;
	_ =	swait.ge [sflag:s28], $0x800  }
0x2b0: {  	p0 =	sne.s32 s29, s6;
	[sflag:s28] =	ssyncset.done $0x0  }
.Ltmp1:
0x2b1: {  	s0 =	sadd.s32 $0x1400, s0;
	[sflag:s28] =	ssyncadd.s32 $0xFFFFF800;
	(pc) =	sbr.rel @p0 .LBB2_1-.Ltmp1, $4  }
0x2b2: {  	[hbm4b:s0+s2] =	stream.linear.scatter [tilespmem:s25], [sflag:$0x3], $0xA000, $0x38;
	[tilespmem:$0x1A400] =	vst v63  }
0x2b3: {  	_ =	swait.ge [sflag:s7], $0xA000  }
0x2b4: {  	[sflag:s7] =	ssyncset.done $0x0  }
0x2b5: {  	[sflag:s7] =	ssyncadd.s32 $0xFFFF6000  }
0x2b6: {  	_ =	sfence.sel $0x180000  }
0x2b7: {  	[bflag:$0x0] =	sbarrier.arrive $0xFFFF  }
0x2b8: {  	_ =	strace $0x90000047  }
0x2b9: {  	s0 =	stileid.u32;
	[bflag:$0x2] =	sbarrier.arrive $0xFFFF  }
0x2ba: {  	p0 =	sne.s32 s0, $0x0;
	s0 =	rddreg [dreg:$0x3]  }
0x2bb: {  	s0 =	sadd.s32 @!p0 $0x100000, s0  }
0x2bc: {  	[sflag:s0] =	ssyncadd.tile.s32 @!p0 $0x1;
	_ =	shalt  }
.Lfunc_end2:
_tile_overlayer_lowered:
.L_overlay_start_2:
0x2bd: {  	(tag) =	ssettag $0x2  }
0x2be: {  	s0 =	rddreg [dreg:$0x0];
	s2 =	stileid.u32  }
0x2bf: {  	s1 =	rddreg [dreg:$0x1];
	p0 =	sne.s32 s2, $0x0  }
0x2c0: {  	s3 =	rddreg [dreg:$0x2];
	[bflag:$0x3] =	sbarrier.arrive $0xFFFF;
	s2 =	simm.s32 @!p0 $0x1C03  }
0x2c1: {  	[timem:s3], [sflag:s2] =	dma.local @!p0 [hbm:s0], s1  }
0x2c2: {  	s0 =	simm.s32 @!p0 $0x3  }
0x2c3: {  	_ =	swait.ge @!p0 [sflag:s0], s1  }
0x2c4: {  	s1 =	ssub.s32 @!p0 $0x0, s1;
	[sflag:s0] =	ssyncset.done @!p0 $0x0  }
0x2c5: {  	[sflag:s0] =	ssyncadd.s32 @!p0 s1  }
0x2c6: {  	[bflag:$0x3] =	sbarrier.arrive $0xFFFF  }
0x2c7: {  	_ =	shalt  }

// kernel: sparse-core-data-format-call.cloned.1.call-start
scs
called_computation_lowered:
.L_overlay_start_0:
0x0: {  	s2 =	sld [smem:$0x3FD9]  }
0x1: {  	s3 =	sld [smem:$0x3FFE];
	_ =	sdelay $0x1  }
0x2: {  	s1 =	srdreg.scid  }
0x3: {  	s0 =	sand.u32 $0x1, s1  }
0x4: {  	s18 =	sshll.u32 s0, $0xA;
	s2 =	sadd.s32 s3, s2  }
0x5: {  	s2 =	sadd.s32 s2, s18  }
0x6: {  	[smem:$0x3FC6] =	sst s2  }
0x7: {  	_ = 	snop  }
0x8: {  	s2 =	sld [smem:$0x3FD0];
	(tm) =	ssettm $0x1  }
0x9: {  	s19 =	sld [smem:$0x3FFB];
	_ =	sdelay $0x3  }
0xa: {  	_ =	strace s19  }
0xb: {  	s3 =	sld [smem:$0x3FFC];
	_ =	sdelay $0x3  }
0xc: {  	_ =	strace s3  }
0xd: {  	s3 =	sld [smem:$0x3FFD];
	_ =	sdelay $0x3  }
0xe: {  	_ =	strace s3  }
0xf: {  	_ =	strace $0x8FFFFFFF  }
0x10: {  	s20 =	sld [smem:$0x3FDB];
	_ =	sdelay $0x1  }
0x11: {  	s4 =	simm.s32 $_scs_section_size  }
0x12: {  	s5 =	simm.s32 $_size__tile_overlayer_lowered;
	s6 =	simm.s32 $_tile_overlayer_lowered  }
0x13: {  	s23 =	simm.s32 $0x1BFF;
	s22 =	sshll.u32 s6, $0x1;
	s3 =	sadd.s32 s4, s20  }
0x14: {  	s7 =	simm.s32 $0x0;
	s21 =	sshll.u32 s5, $0x1;
	s5 =	sadd.s32 s22, s3  }
0x15: {  	[timem:s7], [sflag:s23] =	dma.local [hbm:s5], s21  }
0x16: {  	_ =	swait.ge [sflag:s23], s21  }
0x17: {  	s4 =	ssub.s32 $0x0, s21;
	[sflag:s23] =	ssyncset.done $0x0  }
0x18: {  	[sflag:s23] =	ssyncadd.s32 s4;
	_ =	sdelay $0x1  }
0x19: {  	s24 =	simm.s32 $0x1B8B  }
0x1a: {  	_ =	swait.ge [sflag:s24], $0x1  }
0x1b: {  	[sflag:s24] =	ssyncset.done $0x0  }
0x1c: {  	s26 =	simm.s32 $0x1B8E;
	s25 =	sld [smem:$0x3FFE];
	[sflag:s24] =	ssyncadd.s32 $0xFFFFFFFF  }
0x1d: {  	s27 =	simm.s32 $execute0_lowered;
	[smem:$0x3FD2] =	sst s26  }
0x1e: {  	s5 =	sshll.u32 s27, $0x1;
	_ =	strace $0x80000049;
	[dreg:$0x1] =	wrdreg $0xFFFFFFFF  }
0x1f: {  	s28 =	simm.s32 $_size_execute0_lowered;
	s3 =	sadd.s32 s3, s5;
	[dreg:$0x0] =	wrdreg $0x0  }
0x20: {  	s5 =	sshll.u32 s28, $0x1;
	[dreg:$0x2] =	wrdreg s3  }
0x21: {  	[dreg:$0x3] =	wrdreg s5  }
0x22: {  	[dreg:$0x4] =	wrdreg $0xC0  }
0x23: {  	_ =	task [dreg:s7], $0x5FFFF  }
0x24: {  	[dreg:$0x1] =	wrdreg $0xFFFFFFFF  }
0x25: {  	[dreg:$0x0] =	wrdreg $0x60  }
0x26: {  	[dreg:$0x2] =	wrdreg s25  }
0x27: {  	[dreg:$0x3] =	wrdreg s2  }
0x28: {  	[dreg:$0x4] =	wrdreg $0x9  }
0x29: {  	_ =	task.clear_ibuf [dreg:s7], $0x5FFFF;
	_ =	strace $0x90000049  }
0x2a: {  	s29 =	simm.s32 $0x9;
	_ =	strace $0x8000004B  }
0x2b: {  	_ =	swait.ge [sflag:s29], $0x1  }
0x2c: {  	[sflag:s29] =	ssyncadd.s32 $0xFFFFFFFF  }
0x2d: {  	_ =	strace $0x9000004B  }
0x2e: {  	_ =	sfence  }
0x2f: {  	s30 =	sld [smem:$0x0];
	_ =	sdelay $0x2  }
0x30: {  	s31 =	sshll.u32 s1, $0xD;
	s1 =	sshrl.u32 s1, $0x2  }
0x31: {  	s3 =	sand.u32 $0x4000, s31;
	s1 =	sadd.s32 s1, s30  }
0x32: {  	s0 =	sor.u32 s3, s0;
	s1 =	sshll.u32 s1, $0x11  }
0x33: {  	s0 =	sor.u32 s1, s0  }
0x34: {  	s0 =	sadd.s32 $0x8F2B, s0  }
0x35: {  	[sflag:s0] =	ssyncadd.remote.s32 $0x1  }
0x36: {  	_ =	sfence.sel $0xFFFF  }
0x37: {  	[dreg:$0x0] =	wrdreg $0xFFFFFFFF;
	(pc) =	sbr.abs _section_cstart, $3  }
0x38: {  	[dreg:$0x1] =	wrdreg $0xFFFFFFFF  }
0x39: {  	_ =	task.clear_ibuf [dreg:s7], $0x2FFFF;
	_ =	strace $0x9FFFFFFF  }
0x3a: {  	(tm) =	ssettm $0x7FFFFFFF  }
0x3b: {  	_ =	shalt  }
tec
execute0_lowered:
.L_overlay_start_1:
0x0: {  	(tag) =	ssettag $0x1  }
0x1: {  	s4 =	rddreg [dreg:$0x0]  }
0x2: {  	s2 =	rddreg [dreg:$0x1]  }
0x3: {  	s0 =	rddreg [dreg:$0x2];
	_ =	strace $0x8000004A  }
0x4: {  	s3 =	srdreg.scid;
	s1 =	stileid.u32;
	s6 =	simm.s32 $0x2  }
.Ltmp0:
0x5: {  	s10 =	simm.s32 $0x0;
	p0 =	por $0x0, $0x0;
	(pc) =	sbr.rel .LBB1_1-.Ltmp0, $4  }
0x6: {  	s11 =	simm.s32 $0x0;
	s9 =	simm.s32 $0x0;
	s5 =	sshll.u32 s3, $0x4  }
0x7: {  	s7 =	simm.s32 $0x0;
	s3 =	simm.s32 $0x1;
	s5 =	sand.u32 $0x10, s5  }
0x8: {  	s4 =	sadd.s32 $0x800, s4;
	[sflag:s3] =	ssyncpa.u1 $0x0;
	s5 =	sor.u32 s1, s5  }
0x9: {  	[sflag:s6] =	ssyncpa.u1 $0x0;
	s6 =	simm.s32 $0x19000;
	s8 =	smov.u32 s5  }
.LBB1_5:
0xa: {  	s12 =	sadd.s32 $0x20, s8  }
0xb: {  	s10 =	sadd.s32 $0x80, s9;
	s14 =	smov.u32 s9;
	p2 =	sgt.s32 s12, $0x3F  }
0xc: {  	p1 =	slt.u32 s7, $0x2;
	s14 =	smov.u32 @p2 s10  }
0xd: {  	s7 =	sadd.s32 $0x1, s7;
	s12 =	smov.u32 @p2 s5;
	p2 =	sgt.s32 s14, $0x31FF  }
0xe: {  	s14 =	simm.s32 @p2 $0x0;
	p2 =	sne.s32 s7, $0xCA  }
.Ltmp1:
0xf: {  	_ = 	snop;
	(pc) =	sbr.rel @!p2 .LBB1_6-.Ltmp1, $4  }
0x10: {  	s13 =	simm.s32 @!p1 $0x2  }
0x11: {  	s11 =	smov.u32 s9;
	_ =	swait.ge @!p1 [sflag:s13], $0x1000  }
0x12: {  	p0 =	por !p0, !p0;
	s10 =	smov.u32 s8;
	[sflag:s13] =	ssyncset.done @!p1 $0x0  }
0x13: {  	s8 =	smov.u32 s12;
	[sflag:s13] =	ssyncadd.s32 @!p1 $0xFFFFF000;
	s9 =	smov.u32 s14  }
.LBB1_1:
0x14: {  	p1 =	sgt.u32 s7, $0xC7  }
0x15: {  	s12 =	sxor.u32 @!p1 $0xFFFFFFFF, s7  }
0x16: {  	s13 =	sshll.u32 @!p1 s9, $0xA;
	s14 =	sshll.u32 @!p1 s8, $0x4;
	s15 =	simm.s32 @!p1 $0x2000  }
0x17: {  	s12 =	sshll.u32 @!p1 s12, $0xC;
	s14 =	sand.u32 @!p1 $0x3F0, s14;
	s13 =	sadd.s32 @!p1 s4, s13  }
0x18: {  	s12 =	sand.u32 @!p1 $0x1000, s12;
	s13 =	sadd.s32 @!p1 s14, s13;
	s14 =	simm.s32 @!p1 $0x20  }
0x19: {  	[tilespmem:s12], [sflag:$0x1] =	stream.strided.gather @!p1 [hbm4b:s13+s14], $0x1000, s15, s14, $0x38;
	[tilespmem:$0x4040] =	vst v63  }
0x1a: {  	p1 =	seq.s32 s7, $0x0  }
0x1b: {  	p2 =	seq.s32 @!p1 s7, $0xC9  }
0x1c: {  	p1 =	por p1, p2  }
.Ltmp2:
0x1d: {  	_ = 	snop;
	(pc) =	sbr.rel @p1 .LBB1_5-.Ltmp2, $1  }
0x1e: {  	_ =	sdelay $0x3  }
0x1f: {  	s12 =	simm.s32 $0x1  }
0x20: {  	_ =	swait.ge [sflag:s3], $0x1000;
	s12 =	simm.s32 @!p0 $0x0  }
0x21: {  	[sflag:s3] =	ssyncset.done $0x0;
	s13 =	sshll.u32 s12, $0xC  }
0x22: {  	[sflag:s3] =	ssyncadd.s32 $0xFFFFF000;
	s16 =	sor.u32 $0x10, s13  }
0x23: {  	s12 =	smul.u32 $0x4080, s12;
	v1 =	vld [tilespmem:s16+$0x0]  }
0x24: {  	s30 =	sand.u32 $0x1, s7;
	v0 =	vld [tilespmem:s16+$0xFFFFFFF0]  }
0x25: {  	s13 =	smul.u32 $0x4080, s30;
	s12 =	sshrl.u32 s12, $0x2  }
0x26: {  	s14 =	sor.u32 $0x2000, s12  }
0x27: {  	s31 =	sshrl.u32 s13, $0x2;
	s13 =	sadd.s32 $0x0, s14  }
0x28: {  	s15 =	simm.s32 $0x4;
	s16 =	sadd.s32 $0x20, s16;
	s12 =	sor.u32 $0x2000, s31;
	[tilespmem:s13+$0x810 ss:$0x81] =	vst.msk $0xffff, v1  }
.LBB1_3:
0x29: {  	v1 =	vld [tilespmem:s16+$0x0];
	p1 =	sne.s32 s15, $0x1FC;
	[tilespmem:s13+$0x0 ss:$0x81] =	vst.msk $0xffff, v0;
	s13 =	smov.u32 s15;
	s15 =	sadd.s32 $0x4, s15  }
.Ltmp3:
0x2a: {  	v0 =	vld [tilespmem:s16+$0xFFFFFFF0];
	(pc) =	sbr.rel @p1 .LBB1_3-.Ltmp3, $4  }
0x2b: {  	_ = 	snop  }
0x2c: {  	s13 =	sshra.s32 s13, $0x2  }
0x2d: {  	s13 =	sadd.s32 s13, s14  }
0x2e: {  	s16 =	sadd.s32 $0x20, s16;
	[tilespmem:s13+$0x810 ss:$0x81] =	vst.msk $0xffff, v1  }
0x2f: {  	s14 =	sshll.u32 s11, $0x3  }
0x30: {  	s29 =	sand.u32 $0x7F, s11;
	s14 =	sand.u32 $0xFFFFFC00, s14  }
0x31: {  	s11 =	sor.u32 s29, s14;
	s14 =	smulhi.u32 $0x51EB851F, s14  }
0x32: {  	s15 =	smulhi.u32 $0x51EB851F, s11;
	_ =	sdelay $0x1  }
0x33: {  	s10 =	smul.u32 $0xC800, s10;
	s14 =	sshrl.u32 s14, $0xC;
	s15 =	sshrl.u32 s15, $0xC  }
0x34: {  	s14 =	sand.u32 $0x1F, s14;
	s15 =	smul.u32 $0x3200, s15  }
0x35: {  	s14 =	smul.u32 $0x640, s14  }
.Ltmp4:
0x36: {  	s11 =	ssub.s32 s11, s15;
	(pc) =	sbr.rel .LBB1_5-.Ltmp4, $4  }
0x37: {  	s10 =	sadd.s32 s2, s10;
	s15 =	sand.u32 $0x7, s11  }
0x38: {  	s10 =	sadd.s32 s14, s10;
	s11 =	sshrl.u32 s11, $0x3;
	s30 =	sshll.u32 s15, $0x12  }
0x39: {  	[tilespmem:s13+$0x0 ss:$0x81] =	vst.msk $0xffff, v0;
	s10 =	sadd.s32 s11, s10;
	s31 =	sor.u32 $0x400, s30  }
0x3a: {  	[hbm4b:s10+s31] =	stream.strided.scatter [tilespmem:s12], [sflag:$0x2], $0x1000, s6, s31, $0x20;
	[tilespmem:$0x4040] =	vst v63  }
.LBB1_6:
0x3b: {  	_ =	sfence.sel $0x180000  }
0x3c: {  	s2 =	simm.s32 $0x1;
	[bflag:$0x0] =	sbarrier.arrive $0xFFFF  }
0x3d: {  	s31 =	simm.s32 $0x2;
	[sflag:s2] =	ssyncpa.u1 $0x1  }
0x3e: {  	[sflag:s31] =	ssyncpa.u1 $0x1  }
0x3f: {  	p0 =	sne.s32 s1, $0x0;
	_ =	strace $0x9000004A  }
0x40: {  	s0 =	sadd.s32 @!p0 $0x100000, s0;
	[bflag:$0x2] =	sbarrier.arrive $0xFFFF  }
0x41: {  	[sflag:s0] =	ssyncadd.tile.s32 @!p0 $0x1;
	_ =	shalt  }
.Lfunc_end1:
_tile_overlayer_lowered:
.L_overlay_start_2:
0x42: {  	(tag) =	ssettag $0x2  }
0x43: {  	s0 =	rddreg [dreg:$0x0];
	s2 =	stileid.u32  }
0x44: {  	s1 =	rddreg [dreg:$0x1];
	p0 =	sne.s32 s2, $0x0  }
0x45: {  	s3 =	rddreg [dreg:$0x2];
	[bflag:$0x3] =	sbarrier.arrive $0xFFFF;
	s2 =	simm.s32 @!p0 $0x1C01  }
0x46: {  	[timem:s3], [sflag:s2] =	dma.local @!p0 [hbm:s0], s1  }
0x47: {  	s0 =	simm.s32 @!p0 $0x1  }
0x48: {  	_ =	swait.ge @!p0 [sflag:s0], s1  }
0x49: {  	s1 =	ssub.s32 @!p0 $0x0, s1;
	[sflag:s0] =	ssyncset.done @!p0 $0x0  }
0x4a: {  	[sflag:s0] =	ssyncadd.s32 @!p0 s1  }
0x4b: {  	[bflag:$0x3] =	sbarrier.arrive $0xFFFF  }
0x4c: {  	_ =	shalt  }

</sc_bundles>
